<compile_context>
chip_gen: v7x
topology: tpu7x:2x2x1
jax: 0.10.2.dev20260603
libtpu: 0.0.44.dev20260713+nightly
codegen_flags: <defaults>
</compile_context>

<pallas_src>
import jax
import jax.numpy as jnp
from jax import lax
from jax.experimental import pallas as pl
from jax.experimental.pallas import tpu as pltpu
from jax.experimental.pallas import tpu_sc as plsc

_B, _C, _H, _W = 64, 768, 14, 14
_S = _H * _W
_E = 64
_NC, _NS = 2, 16
_NW = _NC * _NS
_QR = 16


def _sc_pool_body(x_hbm, out_hbm, buf0, buf1, acc, sem0, sem1, asem):
    wid = lax.axis_index("s") * _NC + lax.axis_index("c")

    nk = jnp.where(wid < _S - 6 * _NW, 6, 5)
    nq = nk * 4

    def _src(k2):
        k = (k2 >> 2) + 1
        q = k2 & 3
        return x_hbm.at[_NW * k + wid, pl.ds(_QR * q, _QR), :]

    pltpu.make_async_copy(x_hbm.at[wid], acc, asem).start()
    pltpu.make_async_copy(_src(0), buf0, sem0).start()
    pltpu.make_async_copy(_src(1), buf1, sem1).start()
    pltpu.make_async_copy(x_hbm.at[wid], acc, asem).wait()

    def _quarter_add(k2, carry):
        q = k2 & 3
        for beta, buf, sem in ((0, buf0, sem0), (1, buf1, sem1)):

            @pl.when((k2 & 1) == beta)
            def _():
                pltpu.make_async_copy(_src(k2), buf, sem).wait()
                for l0 in range(0, _C, 16):
                    plsc.addupdate(
                        acc.at[_QR * q, pl.ds(l0, 16)],
                        buf[0, pl.ds(l0, 16)],
                    )

                @pl.when(k2 + 2 < nq)
                def _issue():
                    pltpu.make_async_copy(_src(k2 + 2), buf, sem).start()

        return carry

    lax.fori_loop(0, nq, _quarter_add, 0)

    pltpu.sync_copy(acc, out_hbm.at[wid])


def _sc_pool(xp):
    return pl.kernel(
        _sc_pool_body,
        mesh=plsc.VectorSubcoreMesh(core_axis_name="c", subcore_axis_name="s"),
        out_type=jax.ShapeDtypeStruct((_NW, _B, _C), jnp.float32),
        scratch_types=[
            pltpu.VMEM((_QR, _C), jnp.float32),
            pltpu.VMEM((_QR, _C), jnp.float32),
            pltpu.VMEM((_B, _C), jnp.float32),
            pltpu.SemaphoreType.DMA,
            pltpu.SemaphoreType.DMA,
            pltpu.SemaphoreType.DMA,
        ],
    )(xp)


def _finish_body(p_ref, w_ref, b_ref, o_ref):
    pooled = jnp.sum(p_ref[...], axis=0) * (1.0 / _S)
    logits = lax.dot_general(
        pooled, w_ref[...], (((1,), (1,)), ((), ())),
        preferred_element_type=jnp.float32,
    ) + b_ref[...]
    mx = jnp.max(logits, axis=1, keepdims=True)
    e = jnp.exp(logits - mx)
    o_ref[...] = e / jnp.sum(e, axis=1, keepdims=True)


def kernel(x, W, b):
    xp = jnp.transpose(x, (2, 3, 0, 1)).reshape(_S, _B, _C)
    psum = _sc_pool(xp)
    b2 = b.reshape(1, _E)
    return pl.pallas_call(
        _finish_body,
        grid=(1,),
        in_specs=[
            pl.BlockSpec((_NW, _B, _C), lambda i: (0, 0, 0)),
            pl.BlockSpec((_E, _C), lambda i: (0, 0)),
            pl.BlockSpec((1, _E), lambda i: (0, 0)),
        ],
        out_specs=pl.BlockSpec((_B, _E), lambda i: (0, 0)),
        out_shape=jax.ShapeDtypeStruct((_B, _E), jnp.float32),
    )(psum, W, b2)

# --- scband reference (transcript-rebuilt; emitter-appended) ---
"""Pipeline reference for scband-mo-eselect-64330020159844 (READ-ONLY COPY).

The authoritative reference and input builder live on the scoring server;
editing this copy changes nothing except your own understanding.
"""

import jax, jax.numpy as jnp
import numpy as np

B, C, H, W_SP = 64, 768, 14, 14
E = 64

def setup_inputs(seed: int = 0) -> dict:
    key = jax.random.key(seed)
    kx, kw, kb = jax.random.split(key, 3)
    x = jax.random.normal(kx, (B, C, H, W_SP), dtype=jnp.float32)
    # nn.Linear(in_channels=C, out_features=E): weight [E, C], bias [E]
    bound = 1.0 / np.sqrt(C)
    W = jax.random.uniform(kw, (E, C), dtype=jnp.float32, minval=-bound, maxval=bound)
    b = jax.random.uniform(kb, (E,), dtype=jnp.float32, minval=-bound, maxval=bound)
    return {"x": x, "W": W, "b": b}

def reference(x, W, b):
    # AdaptiveAvgPool2d(1) -> mean over spatial dims
    pooled = jnp.mean(x, axis=(2, 3))  # [B, C]
    # Flatten is identity here ([B, C, 1, 1] -> [B, C])
    logits = pooled @ W.T + b  # [B, E]
    return jax.nn.softmax(logits, axis=1)

if __name__ == "__main__":
    import jax
    _d = setup_inputs()
    print(jax.jit(kernel)(*tuple(_d.values())))

</pallas_src>

<mosaic_0001>
#map = affine_map<(d0, d1) -> (0, 0, 0)>
module attributes {stable_mosaic.version = 14 : i64} {
  func.func @_sc_pool_body(%arg0: i32, %arg1: i32, %arg2: memref<196x64x768xf32, #tpu.memory_space<hbm>>, %arg3: memref<32x64x768xf32, #tpu.memory_space<hbm>>, %arg4: memref<16x768xf32, #tpu.memory_space<vmem>>, %arg5: memref<16x768xf32, #tpu.memory_space<vmem>>, %arg6: memref<64x768xf32, #tpu.memory_space<vmem>>, %arg7: memref<!tpu.dma_semaphore, #tpu.memory_space<semaphore_mem>>, %arg8: memref<!tpu.dma_semaphore, #tpu.memory_space<semaphore_mem>>, %arg9: memref<!tpu.dma_semaphore, #tpu.memory_space<semaphore_mem>>) attributes {dimension_semantics = [#tpu.dimension_semantics<core_parallel>, #tpu.dimension_semantics<subcore_parallel>], iteration_bounds = array<i64: 2, 16>, scalar_prefetch = 0 : i64, scratch_operands = 6 : i64, tpu.core_type = #tpu.core_type<sc_vector_subcore>, window_params = [{transform_indices = #map}, {transform_indices = #map}]} {
    %mul3A = arith.constant 2 : i32
    %mul3A_0 = arith.muli %arg1, %mul3A : i32
    %add3A = arith.addi %mul3A_0, %arg0 : i32
    %lt3A = arith.constant 4 : i32
    %lt3A_1 = arith.cmpi slt, %add3A, %lt3A : i32
    %jit3A = arith.constant 6 : i32
    %jit3A_2 = arith.constant 5 : i32
    %select_n3A = arith.select %lt3A_1, %jit3A, %jit3A_2 : i32
    %mul3A_3 = arith.constant 4 : i32
    %mul3A_4 = arith.muli %select_n3A, %mul3A_3 : i32
    %dma_start3A = arith.constant 0 : i32
    %dma_start3A_5 = arith.constant 0 : i32
    %dma_start3A_6 = tpu.memref_slice %arg2[%add3A, %dma_start3A, %dma_start3A_5] : memref<196x64x768xf32, #tpu.memory_space<hbm>> -> memref<1x64x768xf32, #tpu.memory_space<hbm>>
    %dma_start3A_7 = tpu.memref_squeeze %dma_start3A_6 : memref<1x64x768xf32, #tpu.memory_space<hbm>> -> memref<64x768xf32, #tpu.memory_space<hbm>>
    %dma_start3A_8 = arith.constant 0 : i32
    %dma_start3A_9 = arith.constant 0 : i32
    %dma_start3A_10 = tpu.memref_slice %arg2[%add3A, %dma_start3A_8, %dma_start3A_9] : memref<196x64x768xf32, #tpu.memory_space<hbm>> -> memref<1x64x768xf32, #tpu.memory_space<hbm>>
    %dma_start3A_11 = tpu.memref_squeeze %dma_start3A_10 : memref<1x64x768xf32, #tpu.memory_space<hbm>> -> memref<64x768xf32, #tpu.memory_space<hbm>>
    tpu.enqueue_dma source(%dma_start3A_11 : memref<64x768xf32, #tpu.memory_space<hbm>>) target(%arg6 : memref<64x768xf32, #tpu.memory_space<vmem>>) target_semaphore(%arg9 : memref<!tpu.dma_semaphore, #tpu.memory_space<semaphore_mem>>)
    %add3A_12 = arith.constant 32 : i32
    %add3A_13 = arith.addi %add3A_12, %add3A : i32
    %dma_start3A_14 = arith.constant 0 : i32
    %dma_start3A_15 = arith.constant 0 : i32
    %dma_start3A_16 = tpu.memref_slice %arg2[%add3A_13, %dma_start3A_14, %dma_start3A_15] : memref<196x64x768xf32, #tpu.memory_space<hbm>> -> memref<1x16x768xf32, #tpu.memory_space<hbm>>
    %dma_start3A_17 = tpu.memref_squeeze %dma_start3A_16 : memref<1x16x768xf32, #tpu.memory_space<hbm>> -> memref<16x768xf32, #tpu.memory_space<hbm>>
    %dma_start3A_18 = arith.constant 0 : i32
    %dma_start3A_19 = arith.constant 0 : i32
    %dma_start3A_20 = tpu.memref_slice %arg2[%add3A_13, %dma_start3A_18, %dma_start3A_19] : memref<196x64x768xf32, #tpu.memory_space<hbm>> -> memref<1x16x768xf32, #tpu.memory_space<hbm>>
    %dma_start3A_21 = tpu.memref_squeeze %dma_start3A_20 : memref<1x16x768xf32, #tpu.memory_space<hbm>> -> memref<16x768xf32, #tpu.memory_space<hbm>>
    tpu.enqueue_dma source(%dma_start3A_21 : memref<16x768xf32, #tpu.memory_space<hbm>>) target(%arg4 : memref<16x768xf32, #tpu.memory_space<vmem>>) target_semaphore(%arg7 : memref<!tpu.dma_semaphore, #tpu.memory_space<semaphore_mem>>)
    %add3A_22 = arith.constant 32 : i32
    %add3A_23 = arith.addi %add3A_22, %add3A : i32
    %dma_start3A_24 = arith.constant 16 : i32
    %dma_start3A_25 = arith.constant 0 : i32
    %dma_start3A_26 = tpu.memref_slice %arg2[%add3A_23, %dma_start3A_24, %dma_start3A_25] : memref<196x64x768xf32, #tpu.memory_space<hbm>> -> memref<1x16x768xf32, #tpu.memory_space<hbm>>
    %dma_start3A_27 = tpu.memref_squeeze %dma_start3A_26 : memref<1x16x768xf32, #tpu.memory_space<hbm>> -> memref<16x768xf32, #tpu.memory_space<hbm>>
    %dma_start3A_28 = arith.constant 16 : i32
    %dma_start3A_29 = arith.constant 0 : i32
    %dma_start3A_30 = tpu.memref_slice %arg2[%add3A_23, %dma_start3A_28, %dma_start3A_29] : memref<196x64x768xf32, #tpu.memory_space<hbm>> -> memref<1x16x768xf32, #tpu.memory_space<hbm>>
    %dma_start3A_31 = tpu.memref_squeeze %dma_start3A_30 : memref<1x16x768xf32, #tpu.memory_space<hbm>> -> memref<16x768xf32, #tpu.memory_space<hbm>>
    tpu.enqueue_dma source(%dma_start3A_31 : memref<16x768xf32, #tpu.memory_space<hbm>>) target(%arg5 : memref<16x768xf32, #tpu.memory_space<vmem>>) target_semaphore(%arg8 : memref<!tpu.dma_semaphore, #tpu.memory_space<semaphore_mem>>)
    %dma_wait3A = arith.constant 0 : i32
    %dma_wait3A_32 = arith.constant 0 : i32
    %dma_wait3A_33 = tpu.memref_slice %arg2[%add3A, %dma_wait3A, %dma_wait3A_32] : memref<196x64x768xf32, #tpu.memory_space<hbm>> -> memref<1x64x768xf32, #tpu.memory_space<hbm>>
    %dma_wait3A_34 = tpu.memref_squeeze %dma_wait3A_33 : memref<1x64x768xf32, #tpu.memory_space<hbm>> -> memref<64x768xf32, #tpu.memory_space<hbm>>
    %dma_wait3A_35 = arith.constant 0 : i32
    %dma_wait3A_36 = arith.constant 0 : i32
    %dma_wait3A_37 = tpu.memref_slice %arg2[%add3A, %dma_wait3A_35, %dma_wait3A_36] : memref<196x64x768xf32, #tpu.memory_space<hbm>> -> memref<1x64x768xf32, #tpu.memory_space<hbm>>
    %dma_wait3A_38 = tpu.memref_squeeze %dma_wait3A_37 : memref<1x64x768xf32, #tpu.memory_space<hbm>> -> memref<64x768xf32, #tpu.memory_space<hbm>>
    tpu.wait_dma2 semaphore(%arg9 : memref<!tpu.dma_semaphore, #tpu.memory_space<semaphore_mem>>) src(%dma_wait3A_38 : memref<64x768xf32, #tpu.memory_space<hbm>>) dst(%arg6 : memref<64x768xf32, #tpu.memory_space<vmem>>)
    %while3A = arith.constant 0 : i32
    %while3A_39 = arith.constant 0 : i32
    %while3A_40 = arith.subi %mul3A_4, %while3A_39 : i32
    %while3A_41 = arith.addi %while3A_39, %while3A_40 : i32
    %while3A_42 = arith.constant 1 : i32
    %while3A_43 = arith.divsi %while3A_40, %while3A_42 : i32
    %while3A_44 = arith.muli %while3A_43, %while3A_42 : i32
    %while3A_45 = arith.addi %while3A_39, %while3A_44 : i32
    %while3A_46 = arith.constant 1 : i32
    scf.for %while3A_48 = %while3A_39 to %while3A_45 step %while3A_46  : i32 {
      %and3A = arith.constant 3 : i32
      %and3A_49 = arith.andi %while3A_48, %and3A : i32
      %and3A_50 = arith.constant 1 : i32
      %and3A_51 = arith.andi %while3A_48, %and3A_50 : i32
      %eq3A = arith.constant 0 : i32
      %eq3A_52 = arith.cmpi eq, %and3A_51, %eq3A : i32
      %convert_element_type3A = arith.extui %eq3A_52 : i1 to i32
      %cond3A = arith.constant 0 : i32
      %cond3A_53 = arith.cmpi ne, %convert_element_type3A, %cond3A : i32
      scf.if %cond3A_53 {
        %shift_right_arithmetic3A = arith.constant 2 : i32
        %shift_right_arithmetic3A_61 = arith.shrsi %while3A_48, %shift_right_arithmetic3A : i32
        %add3A_62 = arith.constant 1 : i32
        %add3A_63 = arith.addi %shift_right_arithmetic3A_61, %add3A_62 : i32
        %and3A_64 = arith.constant 3 : i32
        %and3A_65 = arith.andi %while3A_48, %and3A_64 : i32
        %mul3A_66 = arith.constant 32 : i32
        %mul3A_67 = arith.muli %mul3A_66, %add3A_63 : i32
        %add3A_68 = arith.addi %mul3A_67, %add3A : i32
        %mul3A_69 = arith.constant 16 : i32
        %mul3A_70 = arith.muli %mul3A_69, %and3A_65 : i32
        %dma_wait3A_71 = arith.constant 0 : i32
        %dma_wait3A_72 = tpu.memref_slice %arg2[%add3A_68, %mul3A_70, %dma_wait3A_71] : memref<196x64x768xf32, #tpu.memory_space<hbm>> -> memref<1x16x768xf32, #tpu.memory_space<hbm>>
        %dma_wait3A_73 = tpu.memref_squeeze %dma_wait3A_72 : memref<1x16x768xf32, #tpu.memory_space<hbm>> -> memref<16x768xf32, #tpu.memory_space<hbm>>
        %dma_wait3A_74 = arith.constant 0 : i32
        %dma_wait3A_75 = tpu.memref_slice %arg2[%add3A_68, %mul3A_70, %dma_wait3A_74] : memref<196x64x768xf32, #tpu.memory_space<hbm>> -> memref<1x16x768xf32, #tpu.memory_space<hbm>>
        %dma_wait3A_76 = tpu.memref_squeeze %dma_wait3A_75 : memref<1x16x768xf32, #tpu.memory_space<hbm>> -> memref<16x768xf32, #tpu.memory_space<hbm>>
        tpu.wait_dma2 semaphore(%arg7 : memref<!tpu.dma_semaphore, #tpu.memory_space<semaphore_mem>>) src(%dma_wait3A_76 : memref<16x768xf32, #tpu.memory_space<hbm>>) dst(%arg4 : memref<16x768xf32, #tpu.memory_space<vmem>>)
        %mul3A_77 = arith.constant 16 : i32
        %mul3A_78 = arith.muli %mul3A_77, %and3A_49 : i32
        %get3A = arith.constant 0 : i32
        %get3A_79 = arith.index_cast %get3A : i32 to index
        %get3A_80 = arith.constant 0 : index
        %get3A_81 = tpu.vector_load %arg4[%get3A_79, %get3A_80] {strides = array<i32>} : memref<16x768xf32, #tpu.memory_space<vmem>>, vector<1x16xf32>,
        %get3A_82 = vector.shape_cast %get3A_81 : vector<1x16xf32> to vector<16xf32>
        %swap3A = arith.index_cast %mul3A_78 : i32 to index
        %swap3A_83 = arith.constant 0 : index
        %swap3A_84 = tpu.vector_load %arg6[%swap3A, %swap3A_83] {strides = array<i32>} : memref<64x768xf32, #tpu.memory_space<vmem>>, vector<1x16xf32>,
        %swap3A_85 = vector.shape_cast %swap3A_84 : vector<1x16xf32> to vector<16xf32>
        %swap3A_86 = vector.shape_cast %get3A_82 : vector<16xf32> to vector<1x16xf32>
        tpu.vector_store %arg6[%swap3A, %swap3A_83], %swap3A_86 {add = true, strides = array<i32>} : memref<64x768xf32, #tpu.memory_space<vmem>>, vector<1x16xf32>,
        %mul3A_87 = arith.constant 16 : i32
        %mul3A_88 = arith.muli %mul3A_87, %and3A_49 : i32
        %get3A_89 = arith.constant 0 : i32
        %get3A_90 = arith.index_cast %get3A_89 : i32 to index
        %get3A_91 = arith.constant 16 : index
        %get3A_92 = tpu.vector_load %arg4[%get3A_90, %get3A_91] {strides = array<i32>} : memref<16x768xf32, #tpu.memory_space<vmem>>, vector<1x16xf32>,
        %get3A_93 = vector.shape_cast %get3A_92 : vector<1x16xf32> to vector<16xf32>
        %swap3A_94 = arith.index_cast %mul3A_88 : i32 to index
        %swap3A_95 = arith.constant 16 : index
        %swap3A_96 = tpu.vector_load %arg6[%swap3A_94, %swap3A_95] {strides = array<i32>} : memref<64x768xf32, #tpu.memory_space<vmem>>, vector<1x16xf32>,
        %swap3A_97 = vector.shape_cast %swap3A_96 : vector<1x16xf32> to vector<16xf32>
        %swap3A_98 = vector.shape_cast %get3A_93 : vector<16xf32> to vector<1x16xf32>
        tpu.vector_store %arg6[%swap3A_94, %swap3A_95], %swap3A_98 {add = true, strides = array<i32>} : memref<64x768xf32, #tpu.memory_space<vmem>>, vector<1x16xf32>,
        %mul3A_99 = arith.constant 16 : i32
        %mul3A_100 = arith.muli %mul3A_99, %and3A_49 : i32
        %get3A_101 = arith.constant 0 : i32
        %get3A_102 = arith.index_cast %get3A_101 : i32 to index
        %get3A_103 = arith.constant 32 : index
        %get3A_104 = tpu.vector_load %arg4[%get3A_102, %get3A_103] {strides = array<i32>} : memref<16x768xf32, #tpu.memory_space<vmem>>, vector<1x16xf32>,
        %get3A_105 = vector.shape_cast %get3A_104 : vector<1x16xf32> to vector<16xf32>
        %swap3A_106 = arith.index_cast %mul3A_100 : i32 to index
        %swap3A_107 = arith.constant 32 : index
        %swap3A_108 = tpu.vector_load %arg6[%swap3A_106, %swap3A_107] {strides = array<i32>} : memref<64x768xf32, #tpu.memory_space<vmem>>, vector<1x16xf32>,
        %swap3A_109 = vector.shape_cast %swap3A_108 : vector<1x16xf32> to vector<16xf32>
        %swap3A_110 = vector.shape_cast %get3A_105 : vector<16xf32> to vector<1x16xf32>
        tpu.vector_store %arg6[%swap3A_106, %swap3A_107], %swap3A_110 {add = true, strides = array<i32>} : memref<64x768xf32, #tpu.memory_space<vmem>>, vector<1x16xf32>,
        %mul3A_111 = arith.constant 16 : i32
        %mul3A_112 = arith.muli %mul3A_111, %and3A_49 : i32
        %get3A_113 = arith.constant 0 : i32
        %get3A_114 = arith.index_cast %get3A_113 : i32 to index
        %get3A_115 = arith.constant 48 : index
        %get3A_116 = tpu.vector_load %arg4[%get3A_114, %get3A_115] {strides = array<i32>} : memref<16x768xf32, #tpu.memory_space<vmem>>, vector<1x16xf32>,
        %get3A_117 = vector.shape_cast %get3A_116 : vector<1x16xf32> to vector<16xf32>
        %swap3A_118 = arith.index_cast %mul3A_112 : i32 to index
        %swap3A_119 = arith.constant 48 : index
        %swap3A_120 = tpu.vector_load %arg6[%swap3A_118, %swap3A_119] {strides = array<i32>} : memref<64x768xf32, #tpu.memory_space<vmem>>, vector<1x16xf32>,
        %swap3A_121 = vector.shape_cast %swap3A_120 : vector<1x16xf32> to vector<16xf32>
        %swap3A_122 = vector.shape_cast %get3A_117 : vector<16xf32> to vector<1x16xf32>
        tpu.vector_store %arg6[%swap3A_118, %swap3A_119], %swap3A_122 {add = true, strides = array<i32>} : memref<64x768xf32, #tpu.memory_space<vmem>>, vector<1x16xf32>,
        %mul3A_123 = arith.constant 16 : i32
        %mul3A_124 = arith.muli %mul3A_123, %and3A_49 : i32
        %get3A_125 = arith.constant 0 : i32
        %get3A_126 = arith.index_cast %get3A_125 : i32 to index
        %get3A_127 = arith.constant 64 : index
        %get3A_128 = tpu.vector_load %arg4[%get3A_126, %get3A_127] {strides = array<i32>} : memref<16x768xf32, #tpu.memory_space<vmem>>, vector<1x16xf32>,
        %get3A_129 = vector.shape_cast %get3A_128 : vector<1x16xf32> to vector<16xf32>
        %swap3A_130 = arith.index_cast %mul3A_124 : i32 to index
        %swap3A_131 = arith.constant 64 : index
        %swap3A_132 = tpu.vector_load %arg6[%swap3A_130, %swap3A_131] {strides = array<i32>} : memref<64x768xf32, #tpu.memory_space<vmem>>, vector<1x16xf32>,
        %swap3A_133 = vector.shape_cast %swap3A_132 : vector<1x16xf32> to vector<16xf32>
        %swap3A_134 = vector.shape_cast %get3A_129 : vector<16xf32> to vector<1x16xf32>
        tpu.vector_store %arg6[%swap3A_130, %swap3A_131], %swap3A_134 {add = true, strides = array<i32>} : memref<64x768xf32, #tpu.memory_space<vmem>>, vector<1x16xf32>,
        %mul3A_135 = arith.constant 16 : i32
        %mul3A_136 = arith.muli %mul3A_135, %and3A_49 : i32
        %get3A_137 = arith.constant 0 : i32
        %get3A_138 = arith.index_cast %get3A_137 : i32 to index
        %get3A_139 = arith.constant 80 : index
        %get3A_140 = tpu.vector_load %arg4[%get3A_138, %get3A_139] {strides = array<i32>} : memref<16x768xf32, #tpu.memory_space<vmem>>, vector<1x16xf32>,
        %get3A_141 = vector.shape_cast %get3A_140 : vector<1x16xf32> to vector<16xf32>
        %swap3A_142 = arith.index_cast %mul3A_136 : i32 to index
        %swap3A_143 = arith.constant 80 : index
        %swap3A_144 = tpu.vector_load %arg6[%swap3A_142, %swap3A_143] {strides = array<i32>} : memref<64x768xf32, #tpu.memory_space<vmem>>, vector<1x16xf32>,
        %swap3A_145 = vector.shape_cast %swap3A_144 : vector<1x16xf32> to vector<16xf32>
        %swap3A_146 = vector.shape_cast %get3A_141 : vector<16xf32> to vector<1x16xf32>
        tpu.vector_store %arg6[%swap3A_142, %swap3A_143], %swap3A_146 {add = true, strides = array<i32>} : memref<64x768xf32, #tpu.memory_space<vmem>>, vector<1x16xf32>,
        %mul3A_147 = arith.constant 16 : i32
        %mul3A_148 = arith.muli %mul3A_147, %and3A_49 : i32
        %get3A_149 = arith.constant 0 : i32
        %get3A_150 = arith.index_cast %get3A_149 : i32 to index
        %get3A_151 = arith.constant 96 : index
        %get3A_152 = tpu.vector_load %arg4[%get3A_150, %get3A_151] {strides = array<i32>} : memref<16x768xf32, #tpu.memory_space<vmem>>, vector<1x16xf32>,
        %get3A_153 = vector.shape_cast %get3A_152 : vector<1x16xf32> to vector<16xf32>
        %swap3A_154 = arith.index_cast %mul3A_148 : i32 to index
        %swap3A_155 = arith.constant 96 : index
        %swap3A_156 = tpu.vector_load %arg6[%swap3A_154, %swap3A_155] {strides = array<i32>} : memref<64x768xf32, #tpu.memory_space<vmem>>, vector<1x16xf32>,
        %swap3A_157 = vector.shape_cast %swap3A_156 : vector<1x16xf32> to vector<16xf32>
        %swap3A_158 = vector.shape_cast %get3A_153 : vector<16xf32> to vector<1x16xf32>
        tpu.vector_store %arg6[%swap3A_154, %swap3A_155], %swap3A_158 {add = true, strides = array<i32>} : memref<64x768xf32, #tpu.memory_space<vmem>>, vector<1x16xf32>,
        %mul3A_159 = arith.constant 16 : i32
        %mul3A_160 = arith.muli %mul3A_159, %and3A_49 : i32
        %get3A_161 = arith.constant 0 : i32
        %get3A_162 = arith.index_cast %get3A_161 : i32 to index
        %get3A_163 = arith.constant 112 : index
        %get3A_164 = tpu.vector_load %arg4[%get3A_162, %get3A_163] {strides = array<i32>} : memref<16x768xf32, #tpu.memory_space<vmem>>, vector<1x16xf32>,
        %get3A_165 = vector.shape_cast %get3A_164 : vector<1x16xf32> to vector<16xf32>
        %swap3A_166 = arith.index_cast %mul3A_160 : i32 to index
        %swap3A_167 = arith.constant 112 : index
        %swap3A_168 = tpu.vector_load %arg6[%swap3A_166, %swap3A_167] {strides = array<i32>} : memref<64x768xf32, #tpu.memory_space<vmem>>, vector<1x16xf32>,
        %swap3A_169 = vector.shape_cast %swap3A_168 : vector<1x16xf32> to vector<16xf32>
        %swap3A_170 = vector.shape_cast %get3A_165 : vector<16xf32> to vector<1x16xf32>
        tpu.vector_store %arg6[%swap3A_166, %swap3A_167], %swap3A_170 {add = true, strides = array<i32>} : memref<64x768xf32, #tpu.memory_space<vmem>>, vector<1x16xf32>,
        %mul3A_171 = arith.constant 16 : i32
        %mul3A_172 = arith.muli %mul3A_171, %and3A_49 : i32
        %get3A_173 = arith.constant 0 : i32
        %get3A_174 = arith.index_cast %get3A_173 : i32 to index
        %get3A_175 = arith.constant 128 : index
        %get3A_176 = tpu.vector_load %arg4[%get3A_174, %get3A_175] {strides = array<i32>} : memref<16x768xf32, #tpu.memory_space<vmem>>, vector<1x16xf32>,
        %get3A_177 = vector.shape_cast %get3A_176 : vector<1x16xf32> to vector<16xf32>
        %swap3A_178 = arith.index_cast %mul3A_172 : i32 to index
        %swap3A_179 = arith.constant 128 : index
        %swap3A_180 = tpu.vector_load %arg6[%swap3A_178, %swap3A_179] {strides = array<i32>} : memref<64x768xf32, #tpu.memory_space<vmem>>, vector<1x16xf32>,
        %swap3A_181 = vector.shape_cast %swap3A_180 : vector<1x16xf32> to vector<16xf32>
        %swap3A_182 = vector.shape_cast %get3A_177 : vector<16xf32> to vector<1x16xf32>
        tpu.vector_store %arg6[%swap3A_178, %swap3A_179], %swap3A_182 {add = true, strides = array<i32>} : memref<64x768xf32, #tpu.memory_space<vmem>>, vector<1x16xf32>,
        %mul3A_183 = arith.constant 16 : i32
        %mul3A_184 = arith.muli %mul3A_183, %and3A_49 : i32
        %get3A_185 = arith.constant 0 : i32
        %get3A_186 = arith.index_cast %get3A_185 : i32 to index
        %get3A_187 = arith.constant 144 : index
        %get3A_188 = tpu.vector_load %arg4[%get3A_186, %get3A_187] {strides = array<i32>} : memref<16x768xf32, #tpu.memory_space<vmem>>, vector<1x16xf32>,
        %get3A_189 = vector.shape_cast %get3A_188 : vector<1x16xf32> to vector<16xf32>
        %swap3A_190 = arith.index_cast %mul3A_184 : i32 to index
        %swap3A_191 = arith.constant 144 : index
        %swap3A_192 = tpu.vector_load %arg6[%swap3A_190, %swap3A_191] {strides = array<i32>} : memref<64x768xf32, #tpu.memory_space<vmem>>, vector<1x16xf32>,
        %swap3A_193 = vector.shape_cast %swap3A_192 : vector<1x16xf32> to vector<16xf32>
        %swap3A_194 = vector.shape_cast %get3A_189 : vector<16xf32> to vector<1x16xf32>
        tpu.vector_store %arg6[%swap3A_190, %swap3A_191], %swap3A_194 {add = true, strides = array<i32>} : memref<64x768xf32, #tpu.memory_space<vmem>>, vector<1x16xf32>,
        %mul3A_195 = arith.constant 16 : i32
        %mul3A_196 = arith.muli %mul3A_195, %and3A_49 : i32
        %get3A_197 = arith.constant 0 : i32
        %get3A_198 = arith.index_cast %get3A_197 : i32 to index
        %get3A_199 = arith.constant 160 : index
        %get3A_200 = tpu.vector_load %arg4[%get3A_198, %get3A_199] {strides = array<i32>} : memref<16x768xf32, #tpu.memory_space<vmem>>, vector<1x16xf32>,
        %get3A_201 = vector.shape_cast %get3A_200 : vector<1x16xf32> to vector<16xf32>
        %swap3A_202 = arith.index_cast %mul3A_196 : i32 to index
        %swap3A_203 = arith.constant 160 : index
        %swap3A_204 = tpu.vector_load %arg6[%swap3A_202, %swap3A_203] {strides = array<i32>} : memref<64x768xf32, #tpu.memory_space<vmem>>, vector<1x16xf32>,
        %swap3A_205 = vector.shape_cast %swap3A_204 : vector<1x16xf32> to vector<16xf32>
        %swap3A_206 = vector.shape_cast %get3A_201 : vector<16xf32> to vector<1x16xf32>
        tpu.vector_store %arg6[%swap3A_202, %swap3A_203], %swap3A_206 {add = true, strides = array<i32>} : memref<64x768xf32, #tpu.memory_space<vmem>>, vector<1x16xf32>,
        %mul3A_207 = arith.constant 16 : i32
        %mul3A_208 = arith.muli %mul3A_207, %and3A_49 : i32
        %get3A_209 = arith.constant 0 : i32
        %get3A_210 = arith.index_cast %get3A_209 : i32 to index
        %get3A_211 = arith.constant 176 : index
        %get3A_212 = tpu.vector_load %arg4[%get3A_210, %get3A_211] {strides = array<i32>} : memref<16x768xf32, #tpu.memory_space<vmem>>, vector<1x16xf32>,
        %get3A_213 = vector.shape_cast %get3A_212 : vector<1x16xf32> to vector<16xf32>
        %swap3A_214 = arith.index_cast %mul3A_208 : i32 to index
        %swap3A_215 = arith.constant 176 : index
        %swap3A_216 = tpu.vector_load %arg6[%swap3A_214, %swap3A_215] {strides = array<i32>} : memref<64x768xf32, #tpu.memory_space<vmem>>, vector<1x16xf32>,
        %swap3A_217 = vector.shape_cast %swap3A_216 : vector<1x16xf32> to vector<16xf32>
        %swap3A_218 = vector.shape_cast %get3A_213 : vector<16xf32> to vector<1x16xf32>
        tpu.vector_store %arg6[%swap3A_214, %swap3A_215], %swap3A_218 {add = true, strides = array<i32>} : memref<64x768xf32, #tpu.memory_space<vmem>>, vector<1x16xf32>,
        %mul3A_219 = arith.constant 16 : i32
        %mul3A_220 = arith.muli %mul3A_219, %and3A_49 : i32
        %get3A_221 = arith.constant 0 : i32
        %get3A_222 = arith.index_cast %get3A_221 : i32 to index
        %get3A_223 = arith.constant 192 : index
        %get3A_224 = tpu.vector_load %arg4[%get3A_222, %get3A_223] {strides = array<i32>} : memref<16x768xf32, #tpu.memory_space<vmem>>, vector<1x16xf32>,
        %get3A_225 = vector.shape_cast %get3A_224 : vector<1x16xf32> to vector<16xf32>
        %swap3A_226 = arith.index_cast %mul3A_220 : i32 to index
        %swap3A_227 = arith.constant 192 : index
        %swap3A_228 = tpu.vector_load %arg6[%swap3A_226, %swap3A_227] {strides = array<i32>} : memref<64x768xf32, #tpu.memory_space<vmem>>, vector<1x16xf32>,
        %swap3A_229 = vector.shape_cast %swap3A_228 : vector<1x16xf32> to vector<16xf32>
        %swap3A_230 = vector.shape_cast %get3A_225 : vector<16xf32> to vector<1x16xf32>
        tpu.vector_store %arg6[%swap3A_226, %swap3A_227], %swap3A_230 {add = true, strides = array<i32>} : memref<64x768xf32, #tpu.memory_space<vmem>>, vector<1x16xf32>,
        %mul3A_231 = arith.constant 16 : i32
        %mul3A_232 = arith.muli %mul3A_231, %and3A_49 : i32
        %get3A_233 = arith.constant 0 : i32
        %get3A_234 = arith.index_cast %get3A_233 : i32 to index
        %get3A_235 = arith.constant 208 : index
        %get3A_236 = tpu.vector_load %arg4[%get3A_234, %get3A_235] {strides = array<i32>} : memref<16x768xf32, #tpu.memory_space<vmem>>, vector<1x16xf32>,
        %get3A_237 = vector.shape_cast %get3A_236 : vector<1x16xf32> to vector<16xf32>
        %swap3A_238 = arith.index_cast %mul3A_232 : i32 to index
        %swap3A_239 = arith.constant 208 : index
        %swap3A_240 = tpu.vector_load %arg6[%swap3A_238, %swap3A_239] {strides = array<i32>} : memref<64x768xf32, #tpu.memory_space<vmem>>, vector<1x16xf32>,
        %swap3A_241 = vector.shape_cast %swap3A_240 : vector<1x16xf32> to vector<16xf32>
        %swap3A_242 = vector.shape_cast %get3A_237 : vector<16xf32> to vector<1x16xf32>
        tpu.vector_store %arg6[%swap3A_238, %swap3A_239], %swap3A_242 {add = true, strides = array<i32>} : memref<64x768xf32, #tpu.memory_space<vmem>>, vector<1x16xf32>,
        %mul3A_243 = arith.constant 16 : i32
        %mul3A_244 = arith.muli %mul3A_243, %and3A_49 : i32
        %get3A_245 = arith.constant 0 : i32
        %get3A_246 = arith.index_cast %get3A_245 : i32 to index
        %get3A_247 = arith.constant 224 : index
        %get3A_248 = tpu.vector_load %arg4[%get3A_246, %get3A_247] {strides = array<i32>} : memref<16x768xf32, #tpu.memory_space<vmem>>, vector<1x16xf32>,
        %get3A_249 = vector.shape_cast %get3A_248 : vector<1x16xf32> to vector<16xf32>
        %swap3A_250 = arith.index_cast %mul3A_244 : i32 to index
        %swap3A_251 = arith.constant 224 : index
        %swap3A_252 = tpu.vector_load %arg6[%swap3A_250, %swap3A_251] {strides = array<i32>} : memref<64x768xf32, #tpu.memory_space<vmem>>, vector<1x16xf32>,
        %swap3A_253 = vector.shape_cast %swap3A_252 : vector<1x16xf32> to vector<16xf32>
        %swap3A_254 = vector.shape_cast %get3A_249 : vector<16xf32> to vector<1x16xf32>
        tpu.vector_store %arg6[%swap3A_250, %swap3A_251], %swap3A_254 {add = true, strides = array<i32>} : memref<64x768xf32, #tpu.memory_space<vmem>>, vector<1x16xf32>,
        %mul3A_255 = arith.constant 16 : i32
        %mul3A_256 = arith.muli %mul3A_255, %and3A_49 : i32
        %get3A_257 = arith.constant 0 : i32
        %get3A_258 = arith.index_cast %get3A_257 : i32 to index
        %get3A_259 = arith.constant 240 : index
        %get3A_260 = tpu.vector_load %arg4[%get3A_258, %get3A_259] {strides = array<i32>} : memref<16x768xf32, #tpu.memory_space<vmem>>, vector<1x16xf32>,
        %get3A_261 = vector.shape_cast %get3A_260 : vector<1x16xf32> to vector<16xf32>
        %swap3A_262 = arith.index_cast %mul3A_256 : i32 to index
        %swap3A_263 = arith.constant 240 : index
        %swap3A_264 = tpu.vector_load %arg6[%swap3A_262, %swap3A_263] {strides = array<i32>} : memref<64x768xf32, #tpu.memory_space<vmem>>, vector<1x16xf32>,
        %swap3A_265 = vector.shape_cast %swap3A_264 : vector<1x16xf32> to vector<16xf32>
        %swap3A_266 = vector.shape_cast %get3A_261 : vector<16xf32> to vector<1x16xf32>
        tpu.vector_store %arg6[%swap3A_262, %swap3A_263], %swap3A_266 {add = true, strides = array<i32>} : memref<64x768xf32, #tpu.memory_space<vmem>>, vector<1x16xf32>,
        %mul3A_267 = arith.constant 16 : i32
        %mul3A_268 = arith.muli %mul3A_267, %and3A_49 : i32
        %get3A_269 = arith.constant 0 : i32
        %get3A_270 = arith.index_cast %get3A_269 : i32 to index
        %get3A_271 = arith.constant 256 : index
        %get3A_272 = tpu.vector_load %arg4[%get3A_270, %get3A_271] {strides = array<i32>} : memref<16x768xf32, #tpu.memory_space<vmem>>, vector<1x16xf32>,
        %get3A_273 = vector.shape_cast %get3A_272 : vector<1x16xf32> to vector<16xf32>
        %swap3A_274 = arith.index_cast %mul3A_268 : i32 to index
        %swap3A_275 = arith.constant 256 : index
        %swap3A_276 = tpu.vector_load %arg6[%swap3A_274, %swap3A_275] {strides = array<i32>} : memref<64x768xf32, #tpu.memory_space<vmem>>, vector<1x16xf32>,
        %swap3A_277 = vector.shape_cast %swap3A_276 : vector<1x16xf32> to vector<16xf32>
        %swap3A_278 = vector.shape_cast %get3A_273 : vector<16xf32> to vector<1x16xf32>
        tpu.vector_store %arg6[%swap3A_274, %swap3A_275], %swap3A_278 {add = true, strides = array<i32>} : memref<64x768xf32, #tpu.memory_space<vmem>>, vector<1x16xf32>,
        %mul3A_279 = arith.constant 16 : i32
        %mul3A_280 = arith.muli %mul3A_279, %and3A_49 : i32
        %get3A_281 = arith.constant 0 : i32
        %get3A_282 = arith.index_cast %get3A_281 : i32 to index
        %get3A_283 = arith.constant 272 : index
        %get3A_284 = tpu.vector_load %arg4[%get3A_282, %get3A_283] {strides = array<i32>} : memref<16x768xf32, #tpu.memory_space<vmem>>, vector<1x16xf32>,
        %get3A_285 = vector.shape_cast %get3A_284 : vector<1x16xf32> to vector<16xf32>
        %swap3A_286 = arith.index_cast %mul3A_280 : i32 to index
        %swap3A_287 = arith.constant 272 : index
        %swap3A_288 = tpu.vector_load %arg6[%swap3A_286, %swap3A_287] {strides = array<i32>} : memref<64x768xf32, #tpu.memory_space<vmem>>, vector<1x16xf32>,
        %swap3A_289 = vector.shape_cast %swap3A_288 : vector<1x16xf32> to vector<16xf32>
        %swap3A_290 = vector.shape_cast %get3A_285 : vector<16xf32> to vector<1x16xf32>
        tpu.vector_store %arg6[%swap3A_286, %swap3A_287], %swap3A_290 {add = true, strides = array<i32>} : memref<64x768xf32, #tpu.memory_space<vmem>>, vector<1x16xf32>,
        %mul3A_291 = arith.constant 16 : i32
        %mul3A_292 = arith.muli %mul3A_291, %and3A_49 : i32
        %get3A_293 = arith.constant 0 : i32
        %get3A_294 = arith.index_cast %get3A_293 : i32 to index
        %get3A_295 = arith.constant 288 : index
        %get3A_296 = tpu.vector_load %arg4[%get3A_294, %get3A_295] {strides = array<i32>} : memref<16x768xf32, #tpu.memory_space<vmem>>, vector<1x16xf32>,
        %get3A_297 = vector.shape_cast %get3A_296 : vector<1x16xf32> to vector<16xf32>
        %swap3A_298 = arith.index_cast %mul3A_292 : i32 to index
        %swap3A_299 = arith.constant 288 : index
        %swap3A_300 = tpu.vector_load %arg6[%swap3A_298, %swap3A_299] {strides = array<i32>} : memref<64x768xf32, #tpu.memory_space<vmem>>, vector<1x16xf32>,
        %swap3A_301 = vector.shape_cast %swap3A_300 : vector<1x16xf32> to vector<16xf32>
        %swap3A_302 = vector.shape_cast %get3A_297 : vector<16xf32> to vector<1x16xf32>
        tpu.vector_store %arg6[%swap3A_298, %swap3A_299], %swap3A_302 {add = true, strides = array<i32>} : memref<64x768xf32, #tpu.memory_space<vmem>>, vector<1x16xf32>,
        %mul3A_303 = arith.constant 16 : i32
        %mul3A_304 = arith.muli %mul3A_303, %and3A_49 : i32
        %get3A_305 = arith.constant 0 : i32
        %get3A_306 = arith.index_cast %get3A_305 : i32 to index
        %get3A_307 = arith.constant 304 : index
        %get3A_308 = tpu.vector_load %arg4[%get3A_306, %get3A_307] {strides = array<i32>} : memref<16x768xf32, #tpu.memory_space<vmem>>, vector<1x16xf32>,
        %get3A_309 = vector.shape_cast %get3A_308 : vector<1x16xf32> to vector<16xf32>
        %swap3A_310 = arith.index_cast %mul3A_304 : i32 to index
        %swap3A_311 = arith.constant 304 : index
        %swap3A_312 = tpu.vector_load %arg6[%swap3A_310, %swap3A_311] {strides = array<i32>} : memref<64x768xf32, #tpu.memory_space<vmem>>, vector<1x16xf32>,
        %swap3A_313 = vector.shape_cast %swap3A_312 : vector<1x16xf32> to vector<16xf32>
        %swap3A_314 = vector.shape_cast %get3A_309 : vector<16xf32> to vector<1x16xf32>
        tpu.vector_store %arg6[%swap3A_310, %swap3A_311], %swap3A_314 {add = true, strides = array<i32>} : memref<64x768xf32, #tpu.memory_space<vmem>>, vector<1x16xf32>,
        %mul3A_315 = arith.constant 16 : i32
        %mul3A_316 = arith.muli %mul3A_315, %and3A_49 : i32
        %get3A_317 = arith.constant 0 : i32
        %get3A_318 = arith.index_cast %get3A_317 : i32 to index
        %get3A_319 = arith.constant 320 : index
        %get3A_320 = tpu.vector_load %arg4[%get3A_318, %get3A_319] {strides = array<i32>} : memref<16x768xf32, #tpu.memory_space<vmem>>, vector<1x16xf32>,
        %get3A_321 = vector.shape_cast %get3A_320 : vector<1x16xf32> to vector<16xf32>
        %swap3A_322 = arith.index_cast %mul3A_316 : i32 to index
        %swap3A_323 = arith.constant 320 : index
        %swap3A_324 = tpu.vector_load %arg6[%swap3A_322, %swap3A_323] {strides = array<i32>} : memref<64x768xf32, #tpu.memory_space<vmem>>, vector<1x16xf32>,
        %swap3A_325 = vector.shape_cast %swap3A_324 : vector<1x16xf32> to vector<16xf32>
        %swap3A_326 = vector.shape_cast %get3A_321 : vector<16xf32> to vector<1x16xf32>
        tpu.vector_store %arg6[%swap3A_322, %swap3A_323], %swap3A_326 {add = true, strides = array<i32>} : memref<64x768xf32, #tpu.memory_space<vmem>>, vector<1x16xf32>,
        %mul3A_327 = arith.constant 16 : i32
        %mul3A_328 = arith.muli %mul3A_327, %and3A_49 : i32
        %get3A_329 = arith.constant 0 : i32
        %get3A_330 = arith.index_cast %get3A_329 : i32 to index
        %get3A_331 = arith.constant 336 : index
        %get3A_332 = tpu.vector_load %arg4[%get3A_330, %get3A_331] {strides = array<i32>} : memref<16x768xf32, #tpu.memory_space<vmem>>, vector<1x16xf32>,
        %get3A_333 = vector.shape_cast %get3A_332 : vector<1x16xf32> to vector<16xf32>
        %swap3A_334 = arith.index_cast %mul3A_328 : i32 to index
        %swap3A_335 = arith.constant 336 : index
        %swap3A_336 = tpu.vector_load %arg6[%swap3A_334, %swap3A_335] {strides = array<i32>} : memref<64x768xf32, #tpu.memory_space<vmem>>, vector<1x16xf32>,
        %swap3A_337 = vector.shape_cast %swap3A_336 : vector<1x16xf32> to vector<16xf32>
        %swap3A_338 = vector.shape_cast %get3A_333 : vector<16xf32> to vector<1x16xf32>
        tpu.vector_store %arg6[%swap3A_334, %swap3A_335], %swap3A_338 {add = true, strides = array<i32>} : memref<64x768xf32, #tpu.memory_space<vmem>>, vector<1x16xf32>,
        %mul3A_339 = arith.constant 16 : i32
        %mul3A_340 = arith.muli %mul3A_339, %and3A_49 : i32
        %get3A_341 = arith.constant 0 : i32
        %get3A_342 = arith.index_cast %get3A_341 : i32 to index
        %get3A_343 = arith.constant 352 : index
        %get3A_344 = tpu.vector_load %arg4[%get3A_342, %get3A_343] {strides = array<i32>} : memref<16x768xf32, #tpu.memory_space<vmem>>, vector<1x16xf32>,
        %get3A_345 = vector.shape_cast %get3A_344 : vector<1x16xf32> to vector<16xf32>
        %swap3A_346 = arith.index_cast %mul3A_340 : i32 to index
        %swap3A_347 = arith.constant 352 : index
        %swap3A_348 = tpu.vector_load %arg6[%swap3A_346, %swap3A_347] {strides = array<i32>} : memref<64x768xf32, #tpu.memory_space<vmem>>, vector<1x16xf32>,
        %swap3A_349 = vector.shape_cast %swap3A_348 : vector<1x16xf32> to vector<16xf32>
        %swap3A_350 = vector.shape_cast %get3A_345 : vector<16xf32> to vector<1x16xf32>
        tpu.vector_store %arg6[%swap3A_346, %swap3A_347], %swap3A_350 {add = true, strides = array<i32>} : memref<64x768xf32, #tpu.memory_space<vmem>>, vector<1x16xf32>,
        %mul3A_351 = arith.constant 16 : i32
        %mul3A_352 = arith.muli %mul3A_351, %and3A_49 : i32
        %get3A_353 = arith.constant 0 : i32
        %get3A_354 = arith.index_cast %get3A_353 : i32 to index
        %get3A_355 = arith.constant 368 : index
        %get3A_356 = tpu.vector_load %arg4[%get3A_354, %get3A_355] {strides = array<i32>} : memref<16x768xf32, #tpu.memory_space<vmem>>, vector<1x16xf32>,
        %get3A_357 = vector.shape_cast %get3A_356 : vector<1x16xf32> to vector<16xf32>
        %swap3A_358 = arith.index_cast %mul3A_352 : i32 to index
        %swap3A_359 = arith.constant 368 : index
        %swap3A_360 = tpu.vector_load %arg6[%swap3A_358, %swap3A_359] {strides = array<i32>} : memref<64x768xf32, #tpu.memory_space<vmem>>, vector<1x16xf32>,
        %swap3A_361 = vector.shape_cast %swap3A_360 : vector<1x16xf32> to vector<16xf32>
        %swap3A_362 = vector.shape_cast %get3A_357 : vector<16xf32> to vector<1x16xf32>
        tpu.vector_store %arg6[%swap3A_358, %swap3A_359], %swap3A_362 {add = true, strides = array<i32>} : memref<64x768xf32, #tpu.memory_space<vmem>>, vector<1x16xf32>,
        %mul3A_363 = arith.constant 16 : i32
        %mul3A_364 = arith.muli %mul3A_363, %and3A_49 : i32
        %get3A_365 = arith.constant 0 : i32
        %get3A_366 = arith.index_cast %get3A_365 : i32 to index
        %get3A_367 = arith.constant 384 : index
        %get3A_368 = tpu.vector_load %arg4[%get3A_366, %get3A_367] {strides = array<i32>} : memref<16x768xf32, #tpu.memory_space<vmem>>, vector<1x16xf32>,
        %get3A_369 = vector.shape_cast %get3A_368 : vector<1x16xf32> to vector<16xf32>
        %swap3A_370 = arith.index_cast %mul3A_364 : i32 to index
        %swap3A_371 = arith.constant 384 : index
        %swap3A_372 = tpu.vector_load %arg6[%swap3A_370, %swap3A_371] {strides = array<i32>} : memref<64x768xf32, #tpu.memory_space<vmem>>, vector<1x16xf32>,
        %swap3A_373 = vector.shape_cast %swap3A_372 : vector<1x16xf32> to vector<16xf32>
        %swap3A_374 = vector.shape_cast %get3A_369 : vector<16xf32> to vector<1x16xf32>
        tpu.vector_store %arg6[%swap3A_370, %swap3A_371], %swap3A_374 {add = true, strides = array<i32>} : memref<64x768xf32, #tpu.memory_space<vmem>>, vector<1x16xf32>,
        %mul3A_375 = arith.constant 16 : i32
        %mul3A_376 = arith.muli %mul3A_375, %and3A_49 : i32
        %get3A_377 = arith.constant 0 : i32
        %get3A_378 = arith.index_cast %get3A_377 : i32 to index
        %get3A_379 = arith.constant 400 : index
        %get3A_380 = tpu.vector_load %arg4[%get3A_378, %get3A_379] {strides = array<i32>} : memref<16x768xf32, #tpu.memory_space<vmem>>, vector<1x16xf32>,
        %get3A_381 = vector.shape_cast %get3A_380 : vector<1x16xf32> to vector<16xf32>
        %swap3A_382 = arith.index_cast %mul3A_376 : i32 to index
        %swap3A_383 = arith.constant 400 : index
        %swap3A_384 = tpu.vector_load %arg6[%swap3A_382, %swap3A_383] {strides = array<i32>} : memref<64x768xf32, #tpu.memory_space<vmem>>, vector<1x16xf32>,
        %swap3A_385 = vector.shape_cast %swap3A_384 : vector<1x16xf32> to vector<16xf32>
        %swap3A_386 = vector.shape_cast %get3A_381 : vector<16xf32> to vector<1x16xf32>
        tpu.vector_store %arg6[%swap3A_382, %swap3A_383], %swap3A_386 {add = true, strides = array<i32>} : memref<64x768xf32, #tpu.memory_space<vmem>>, vector<1x16xf32>,
        %mul3A_387 = arith.constant 16 : i32
        %mul3A_388 = arith.muli %mul3A_387, %and3A_49 : i32
        %get3A_389 = arith.constant 0 : i32
        %get3A_390 = arith.index_cast %get3A_389 : i32 to index
        %get3A_391 = arith.constant 416 : index
        %get3A_392 = tpu.vector_load %arg4[%get3A_390, %get3A_391] {strides = array<i32>} : memref<16x768xf32, #tpu.memory_space<vmem>>, vector<1x16xf32>,
        %get3A_393 = vector.shape_cast %get3A_392 : vector<1x16xf32> to vector<16xf32>
        %swap3A_394 = arith.index_cast %mul3A_388 : i32 to index
        %swap3A_395 = arith.constant 416 : index
        %swap3A_396 = tpu.vector_load %arg6[%swap3A_394, %swap3A_395] {strides = array<i32>} : memref<64x768xf32, #tpu.memory_space<vmem>>, vector<1x16xf32>,
        %swap3A_397 = vector.shape_cast %swap3A_396 : vector<1x16xf32> to vector<16xf32>
        %swap3A_398 = vector.shape_cast %get3A_393 : vector<16xf32> to vector<1x16xf32>
        tpu.vector_store %arg6[%swap3A_394, %swap3A_395], %swap3A_398 {add = true, strides = array<i32>} : memref<64x768xf32, #tpu.memory_space<vmem>>, vector<1x16xf32>,
        %mul3A_399 = arith.constant 16 : i32
        %mul3A_400 = arith.muli %mul3A_399, %and3A_49 : i32
        %get3A_401 = arith.constant 0 : i32
        %get3A_402 = arith.index_cast %get3A_401 : i32 to index
        %get3A_403 = arith.constant 432 : index
        %get3A_404 = tpu.vector_load %arg4[%get3A_402, %get3A_403] {strides = array<i32>} : memref<16x768xf32, #tpu.memory_space<vmem>>, vector<1x16xf32>,
        %get3A_405 = vector.shape_cast %get3A_404 : vector<1x16xf32> to vector<16xf32>
        %swap3A_406 = arith.index_cast %mul3A_400 : i32 to index
        %swap3A_407 = arith.constant 432 : index
        %swap3A_408 = tpu.vector_load %arg6[%swap3A_406, %swap3A_407] {strides = array<i32>} : memref<64x768xf32, #tpu.memory_space<vmem>>, vector<1x16xf32>,
        %swap3A_409 = vector.shape_cast %swap3A_408 : vector<1x16xf32> to vector<16xf32>
        %swap3A_410 = vector.shape_cast %get3A_405 : vector<16xf32> to vector<1x16xf32>
        tpu.vector_store %arg6[%swap3A_406, %swap3A_407], %swap3A_410 {add = true, strides = array<i32>} : memref<64x768xf32, #tpu.memory_space<vmem>>, vector<1x16xf32>,
        %mul3A_411 = arith.constant 16 : i32
        %mul3A_412 = arith.muli %mul3A_411, %and3A_49 : i32
        %get3A_413 = arith.constant 0 : i32
        %get3A_414 = arith.index_cast %get3A_413 : i32 to index
        %get3A_415 = arith.constant 448 : index
        %get3A_416 = tpu.vector_load %arg4[%get3A_414, %get3A_415] {strides = array<i32>} : memref<16x768xf32, #tpu.memory_space<vmem>>, vector<1x16xf32>,
        %get3A_417 = vector.shape_cast %get3A_416 : vector<1x16xf32> to vector<16xf32>
        %swap3A_418 = arith.index_cast %mul3A_412 : i32 to index
        %swap3A_419 = arith.constant 448 : index
        %swap3A_420 = tpu.vector_load %arg6[%swap3A_418, %swap3A_419] {strides = array<i32>} : memref<64x768xf32, #tpu.memory_space<vmem>>, vector<1x16xf32>,
        %swap3A_421 = vector.shape_cast %swap3A_420 : vector<1x16xf32> to vector<16xf32>
        %swap3A_422 = vector.shape_cast %get3A_417 : vector<16xf32> to vector<1x16xf32>
        tpu.vector_store %arg6[%swap3A_418, %swap3A_419], %swap3A_422 {add = true, strides = array<i32>} : memref<64x768xf32, #tpu.memory_space<vmem>>, vector<1x16xf32>,
        %mul3A_423 = arith.constant 16 : i32
        %mul3A_424 = arith.muli %mul3A_423, %and3A_49 : i32
        %get3A_425 = arith.constant 0 : i32
        %get3A_426 = arith.index_cast %get3A_425 : i32 to index
        %get3A_427 = arith.constant 464 : index
        %get3A_428 = tpu.vector_load %arg4[%get3A_426, %get3A_427] {strides = array<i32>} : memref<16x768xf32, #tpu.memory_space<vmem>>, vector<1x16xf32>,
        %get3A_429 = vector.shape_cast %get3A_428 : vector<1x16xf32> to vector<16xf32>
        %swap3A_430 = arith.index_cast %mul3A_424 : i32 to index
        %swap3A_431 = arith.constant 464 : index
        %swap3A_432 = tpu.vector_load %arg6[%swap3A_430, %swap3A_431] {strides = array<i32>} : memref<64x768xf32, #tpu.memory_space<vmem>>, vector<1x16xf32>,
        %swap3A_433 = vector.shape_cast %swap3A_432 : vector<1x16xf32> to vector<16xf32>
        %swap3A_434 = vector.shape_cast %get3A_429 : vector<16xf32> to vector<1x16xf32>
        tpu.vector_store %arg6[%swap3A_430, %swap3A_431], %swap3A_434 {add = true, strides = array<i32>} : memref<64x768xf32, #tpu.memory_space<vmem>>, vector<1x16xf32>,
        %mul3A_435 = arith.constant 16 : i32
        %mul3A_436 = arith.muli %mul3A_435, %and3A_49 : i32
        %get3A_437 = arith.constant 0 : i32
        %get3A_438 = arith.index_cast %get3A_437 : i32 to index
        %get3A_439 = arith.constant 480 : index
        %get3A_440 = tpu.vector_load %arg4[%get3A_438, %get3A_439] {strides = array<i32>} : memref<16x768xf32, #tpu.memory_space<vmem>>, vector<1x16xf32>,
        %get3A_441 = vector.shape_cast %get3A_440 : vector<1x16xf32> to vector<16xf32>
        %swap3A_442 = arith.index_cast %mul3A_436 : i32 to index
        %swap3A_443 = arith.constant 480 : index
        %swap3A_444 = tpu.vector_load %arg6[%swap3A_442, %swap3A_443] {strides = array<i32>} : memref<64x768xf32, #tpu.memory_space<vmem>>, vector<1x16xf32>,
        %swap3A_445 = vector.shape_cast %swap3A_444 : vector<1x16xf32> to vector<16xf32>
        %swap3A_446 = vector.shape_cast %get3A_441 : vector<16xf32> to vector<1x16xf32>
        tpu.vector_store %arg6[%swap3A_442, %swap3A_443], %swap3A_446 {add = true, strides = array<i32>} : memref<64x768xf32, #tpu.memory_space<vmem>>, vector<1x16xf32>,
        %mul3A_447 = arith.constant 16 : i32
        %mul3A_448 = arith.muli %mul3A_447, %and3A_49 : i32
        %get3A_449 = arith.constant 0 : i32
        %get3A_450 = arith.index_cast %get3A_449 : i32 to index
        %get3A_451 = arith.constant 496 : index
        %get3A_452 = tpu.vector_load %arg4[%get3A_450, %get3A_451] {strides = array<i32>} : memref<16x768xf32, #tpu.memory_space<vmem>>, vector<1x16xf32>,
        %get3A_453 = vector.shape_cast %get3A_452 : vector<1x16xf32> to vector<16xf32>
        %swap3A_454 = arith.index_cast %mul3A_448 : i32 to index
        %swap3A_455 = arith.constant 496 : index
        %swap3A_456 = tpu.vector_load %arg6[%swap3A_454, %swap3A_455] {strides = array<i32>} : memref<64x768xf32, #tpu.memory_space<vmem>>, vector<1x16xf32>,
        %swap3A_457 = vector.shape_cast %swap3A_456 : vector<1x16xf32> to vector<16xf32>
        %swap3A_458 = vector.shape_cast %get3A_453 : vector<16xf32> to vector<1x16xf32>
        tpu.vector_store %arg6[%swap3A_454, %swap3A_455], %swap3A_458 {add = true, strides = array<i32>} : memref<64x768xf32, #tpu.memory_space<vmem>>, vector<1x16xf32>,
        %mul3A_459 = arith.constant 16 : i32
        %mul3A_460 = arith.muli %mul3A_459, %and3A_49 : i32
        %get3A_461 = arith.constant 0 : i32
        %get3A_462 = arith.index_cast %get3A_461 : i32 to index
        %get3A_463 = arith.constant 512 : index
        %get3A_464 = tpu.vector_load %arg4[%get3A_462, %get3A_463] {strides = array<i32>} : memref<16x768xf32, #tpu.memory_space<vmem>>, vector<1x16xf32>,
        %get3A_465 = vector.shape_cast %get3A_464 : vector<1x16xf32> to vector<16xf32>
        %swap3A_466 = arith.index_cast %mul3A_460 : i32 to index
        %swap3A_467 = arith.constant 512 : index
        %swap3A_468 = tpu.vector_load %arg6[%swap3A_466, %swap3A_467] {strides = array<i32>} : memref<64x768xf32, #tpu.memory_space<vmem>>, vector<1x16xf32>,
        %swap3A_469 = vector.shape_cast %swap3A_468 : vector<1x16xf32> to vector<16xf32>
        %swap3A_470 = vector.shape_cast %get3A_465 : vector<16xf32> to vector<1x16xf32>
        tpu.vector_store %arg6[%swap3A_466, %swap3A_467], %swap3A_470 {add = true, strides = array<i32>} : memref<64x768xf32, #tpu.memory_space<vmem>>, vector<1x16xf32>,
        %mul3A_471 = arith.constant 16 : i32
        %mul3A_472 = arith.muli %mul3A_471, %and3A_49 : i32
        %get3A_473 = arith.constant 0 : i32
        %get3A_474 = arith.index_cast %get3A_473 : i32 to index
        %get3A_475 = arith.constant 528 : index
        %get3A_476 = tpu.vector_load %arg4[%get3A_474, %get3A_475] {strides = array<i32>} : memref<16x768xf32, #tpu.memory_space<vmem>>, vector<1x16xf32>,
        %get3A_477 = vector.shape_cast %get3A_476 : vector<1x16xf32> to vector<16xf32>
        %swap3A_478 = arith.index_cast %mul3A_472 : i32 to index
        %swap3A_479 = arith.constant 528 : index
        %swap3A_480 = tpu.vector_load %arg6[%swap3A_478, %swap3A_479] {strides = array<i32>} : memref<64x768xf32, #tpu.memory_space<vmem>>, vector<1x16xf32>,
        %swap3A_481 = vector.shape_cast %swap3A_480 : vector<1x16xf32> to vector<16xf32>
        %swap3A_482 = vector.shape_cast %get3A_477 : vector<16xf32> to vector<1x16xf32>
        tpu.vector_store %arg6[%swap3A_478, %swap3A_479], %swap3A_482 {add = true, strides = array<i32>} : memref<64x768xf32, #tpu.memory_space<vmem>>, vector<1x16xf32>,
        %mul3A_483 = arith.constant 16 : i32
        %mul3A_484 = arith.muli %mul3A_483, %and3A_49 : i32
        %get3A_485 = arith.constant 0 : i32
        %get3A_486 = arith.index_cast %get3A_485 : i32 to index
        %get3A_487 = arith.constant 544 : index
        %get3A_488 = tpu.vector_load %arg4[%get3A_486, %get3A_487] {strides = array<i32>} : memref<16x768xf32, #tpu.memory_space<vmem>>, vector<1x16xf32>,
        %get3A_489 = vector.shape_cast %get3A_488 : vector<1x16xf32> to vector<16xf32>
        %swap3A_490 = arith.index_cast %mul3A_484 : i32 to index
        %swap3A_491 = arith.constant 544 : index
        %swap3A_492 = tpu.vector_load %arg6[%swap3A_490, %swap3A_491] {strides = array<i32>} : memref<64x768xf32, #tpu.memory_space<vmem>>, vector<1x16xf32>,
        %swap3A_493 = vector.shape_cast %swap3A_492 : vector<1x16xf32> to vector<16xf32>
        %swap3A_494 = vector.shape_cast %get3A_489 : vector<16xf32> to vector<1x16xf32>
        tpu.vector_store %arg6[%swap3A_490, %swap3A_491], %swap3A_494 {add = true, strides = array<i32>} : memref<64x768xf32, #tpu.memory_space<vmem>>, vector<1x16xf32>,
        %mul3A_495 = arith.constant 16 : i32
        %mul3A_496 = arith.muli %mul3A_495, %and3A_49 : i32
        %get3A_497 = arith.constant 0 : i32
        %get3A_498 = arith.index_cast %get3A_497 : i32 to index
        %get3A_499 = arith.constant 560 : index
        %get3A_500 = tpu.vector_load %arg4[%get3A_498, %get3A_499] {strides = array<i32>} : memref<16x768xf32, #tpu.memory_space<vmem>>, vector<1x16xf32>,
        %get3A_501 = vector.shape_cast %get3A_500 : vector<1x16xf32> to vector<16xf32>
        %swap3A_502 = arith.index_cast %mul3A_496 : i32 to index
        %swap3A_503 = arith.constant 560 : index
        %swap3A_504 = tpu.vector_load %arg6[%swap3A_502, %swap3A_503] {strides = array<i32>} : memref<64x768xf32, #tpu.memory_space<vmem>>, vector<1x16xf32>,
        %swap3A_505 = vector.shape_cast %swap3A_504 : vector<1x16xf32> to vector<16xf32>
        %swap3A_506 = vector.shape_cast %get3A_501 : vector<16xf32> to vector<1x16xf32>
        tpu.vector_store %arg6[%swap3A_502, %swap3A_503], %swap3A_506 {add = true, strides = array<i32>} : memref<64x768xf32, #tpu.memory_space<vmem>>, vector<1x16xf32>,
        %mul3A_507 = arith.constant 16 : i32
        %mul3A_508 = arith.muli %mul3A_507, %and3A_49 : i32
        %get3A_509 = arith.constant 0 : i32
        %get3A_510 = arith.index_cast %get3A_509 : i32 to index
        %get3A_511 = arith.constant 576 : index
        %get3A_512 = tpu.vector_load %arg4[%get3A_510, %get3A_511] {strides = array<i32>} : memref<16x768xf32, #tpu.memory_space<vmem>>, vector<1x16xf32>,
        %get3A_513 = vector.shape_cast %get3A_512 : vector<1x16xf32> to vector<16xf32>
        %swap3A_514 = arith.index_cast %mul3A_508 : i32 to index
        %swap3A_515 = arith.constant 576 : index
        %swap3A_516 = tpu.vector_load %arg6[%swap3A_514, %swap3A_515] {strides = array<i32>} : memref<64x768xf32, #tpu.memory_space<vmem>>, vector<1x16xf32>,
        %swap3A_517 = vector.shape_cast %swap3A_516 : vector<1x16xf32> to vector<16xf32>
        %swap3A_518 = vector.shape_cast %get3A_513 : vector<16xf32> to vector<1x16xf32>
        tpu.vector_store %arg6[%swap3A_514, %swap3A_515], %swap3A_518 {add = true, strides = array<i32>} : memref<64x768xf32, #tpu.memory_space<vmem>>, vector<1x16xf32>,
        %mul3A_519 = arith.constant 16 : i32
        %mul3A_520 = arith.muli %mul3A_519, %and3A_49 : i32
        %get3A_521 = arith.constant 0 : i32
        %get3A_522 = arith.index_cast %get3A_521 : i32 to index
        %get3A_523 = arith.constant 592 : index
        %get3A_524 = tpu.vector_load %arg4[%get3A_522, %get3A_523] {strides = array<i32>} : memref<16x768xf32, #tpu.memory_space<vmem>>, vector<1x16xf32>,
        %get3A_525 = vector.shape_cast %get3A_524 : vector<1x16xf32> to vector<16xf32>
        %swap3A_526 = arith.index_cast %mul3A_520 : i32 to index
        %swap3A_527 = arith.constant 592 : index
        %swap3A_528 = tpu.vector_load %arg6[%swap3A_526, %swap3A_527] {strides = array<i32>} : memref<64x768xf32, #tpu.memory_space<vmem>>, vector<1x16xf32>,
        %swap3A_529 = vector.shape_cast %swap3A_528 : vector<1x16xf32> to vector<16xf32>
        %swap3A_530 = vector.shape_cast %get3A_525 : vector<16xf32> to vector<1x16xf32>
        tpu.vector_store %arg6[%swap3A_526, %swap3A_527], %swap3A_530 {add = true, strides = array<i32>} : memref<64x768xf32, #tpu.memory_space<vmem>>, vector<1x16xf32>,
        %mul3A_531 = arith.constant 16 : i32
        %mul3A_532 = arith.muli %mul3A_531, %and3A_49 : i32
        %get3A_533 = arith.constant 0 : i32
        %get3A_534 = arith.index_cast %get3A_533 : i32 to index
        %get3A_535 = arith.constant 608 : index
        %get3A_536 = tpu.vector_load %arg4[%get3A_534, %get3A_535] {strides = array<i32>} : memref<16x768xf32, #tpu.memory_space<vmem>>, vector<1x16xf32>,
        %get3A_537 = vector.shape_cast %get3A_536 : vector<1x16xf32> to vector<16xf32>
        %swap3A_538 = arith.index_cast %mul3A_532 : i32 to index
        %swap3A_539 = arith.constant 608 : index
        %swap3A_540 = tpu.vector_load %arg6[%swap3A_538, %swap3A_539] {strides = array<i32>} : memref<64x768xf32, #tpu.memory_space<vmem>>, vector<1x16xf32>,
        %swap3A_541 = vector.shape_cast %swap3A_540 : vector<1x16xf32> to vector<16xf32>
        %swap3A_542 = vector.shape_cast %get3A_537 : vector<16xf32> to vector<1x16xf32>
        tpu.vector_store %arg6[%swap3A_538, %swap3A_539], %swap3A_542 {add = true, strides = array<i32>} : memref<64x768xf32, #tpu.memory_space<vmem>>, vector<1x16xf32>,
        %mul3A_543 = arith.constant 16 : i32
        %mul3A_544 = arith.muli %mul3A_543, %and3A_49 : i32
        %get3A_545 = arith.constant 0 : i32
        %get3A_546 = arith.index_cast %get3A_545 : i32 to index
        %get3A_547 = arith.constant 624 : index
        %get3A_548 = tpu.vector_load %arg4[%get3A_546, %get3A_547] {strides = array<i32>} : memref<16x768xf32, #tpu.memory_space<vmem>>, vector<1x16xf32>,
        %get3A_549 = vector.shape_cast %get3A_548 : vector<1x16xf32> to vector<16xf32>
        %swap3A_550 = arith.index_cast %mul3A_544 : i32 to index
        %swap3A_551 = arith.constant 624 : index
        %swap3A_552 = tpu.vector_load %arg6[%swap3A_550, %swap3A_551] {strides = array<i32>} : memref<64x768xf32, #tpu.memory_space<vmem>>, vector<1x16xf32>,
        %swap3A_553 = vector.shape_cast %swap3A_552 : vector<1x16xf32> to vector<16xf32>
        %swap3A_554 = vector.shape_cast %get3A_549 : vector<16xf32> to vector<1x16xf32>
        tpu.vector_store %arg6[%swap3A_550, %swap3A_551], %swap3A_554 {add = true, strides = array<i32>} : memref<64x768xf32, #tpu.memory_space<vmem>>, vector<1x16xf32>,
        %mul3A_555 = arith.constant 16 : i32
        %mul3A_556 = arith.muli %mul3A_555, %and3A_49 : i32
        %get3A_557 = arith.constant 0 : i32
        %get3A_558 = arith.index_cast %get3A_557 : i32 to index
        %get3A_559 = arith.constant 640 : index
        %get3A_560 = tpu.vector_load %arg4[%get3A_558, %get3A_559] {strides = array<i32>} : memref<16x768xf32, #tpu.memory_space<vmem>>, vector<1x16xf32>,
        %get3A_561 = vector.shape_cast %get3A_560 : vector<1x16xf32> to vector<16xf32>
        %swap3A_562 = arith.index_cast %mul3A_556 : i32 to index
        %swap3A_563 = arith.constant 640 : index
        %swap3A_564 = tpu.vector_load %arg6[%swap3A_562, %swap3A_563] {strides = array<i32>} : memref<64x768xf32, #tpu.memory_space<vmem>>, vector<1x16xf32>,
        %swap3A_565 = vector.shape_cast %swap3A_564 : vector<1x16xf32> to vector<16xf32>
        %swap3A_566 = vector.shape_cast %get3A_561 : vector<16xf32> to vector<1x16xf32>
        tpu.vector_store %arg6[%swap3A_562, %swap3A_563], %swap3A_566 {add = true, strides = array<i32>} : memref<64x768xf32, #tpu.memory_space<vmem>>, vector<1x16xf32>,
        %mul3A_567 = arith.constant 16 : i32
        %mul3A_568 = arith.muli %mul3A_567, %and3A_49 : i32
        %get3A_569 = arith.constant 0 : i32
        %get3A_570 = arith.index_cast %get3A_569 : i32 to index
        %get3A_571 = arith.constant 656 : index
        %get3A_572 = tpu.vector_load %arg4[%get3A_570, %get3A_571] {strides = array<i32>} : memref<16x768xf32, #tpu.memory_space<vmem>>, vector<1x16xf32>,
        %get3A_573 = vector.shape_cast %get3A_572 : vector<1x16xf32> to vector<16xf32>
        %swap3A_574 = arith.index_cast %mul3A_568 : i32 to index
        %swap3A_575 = arith.constant 656 : index
        %swap3A_576 = tpu.vector_load %arg6[%swap3A_574, %swap3A_575] {strides = array<i32>} : memref<64x768xf32, #tpu.memory_space<vmem>>, vector<1x16xf32>,
        %swap3A_577 = vector.shape_cast %swap3A_576 : vector<1x16xf32> to vector<16xf32>
        %swap3A_578 = vector.shape_cast %get3A_573 : vector<16xf32> to vector<1x16xf32>
        tpu.vector_store %arg6[%swap3A_574, %swap3A_575], %swap3A_578 {add = true, strides = array<i32>} : memref<64x768xf32, #tpu.memory_space<vmem>>, vector<1x16xf32>,
        %mul3A_579 = arith.constant 16 : i32
        %mul3A_580 = arith.muli %mul3A_579, %and3A_49 : i32
        %get3A_581 = arith.constant 0 : i32
        %get3A_582 = arith.index_cast %get3A_581 : i32 to index
        %get3A_583 = arith.constant 672 : index
        %get3A_584 = tpu.vector_load %arg4[%get3A_582, %get3A_583] {strides = array<i32>} : memref<16x768xf32, #tpu.memory_space<vmem>>, vector<1x16xf32>,
        %get3A_585 = vector.shape_cast %get3A_584 : vector<1x16xf32> to vector<16xf32>
        %swap3A_586 = arith.index_cast %mul3A_580 : i32 to index
        %swap3A_587 = arith.constant 672 : index
        %swap3A_588 = tpu.vector_load %arg6[%swap3A_586, %swap3A_587] {strides = array<i32>} : memref<64x768xf32, #tpu.memory_space<vmem>>, vector<1x16xf32>,
        %swap3A_589 = vector.shape_cast %swap3A_588 : vector<1x16xf32> to vector<16xf32>
        %swap3A_590 = vector.shape_cast %get3A_585 : vector<16xf32> to vector<1x16xf32>
        tpu.vector_store %arg6[%swap3A_586, %swap3A_587], %swap3A_590 {add = true, strides = array<i32>} : memref<64x768xf32, #tpu.memory_space<vmem>>, vector<1x16xf32>,
        %mul3A_591 = arith.constant 16 : i32
        %mul3A_592 = arith.muli %mul3A_591, %and3A_49 : i32
        %get3A_593 = arith.constant 0 : i32
        %get3A_594 = arith.index_cast %get3A_593 : i32 to index
        %get3A_595 = arith.constant 688 : index
        %get3A_596 = tpu.vector_load %arg4[%get3A_594, %get3A_595] {strides = array<i32>} : memref<16x768xf32, #tpu.memory_space<vmem>>, vector<1x16xf32>,
        %get3A_597 = vector.shape_cast %get3A_596 : vector<1x16xf32> to vector<16xf32>
        %swap3A_598 = arith.index_cast %mul3A_592 : i32 to index
        %swap3A_599 = arith.constant 688 : index
        %swap3A_600 = tpu.vector_load %arg6[%swap3A_598, %swap3A_599] {strides = array<i32>} : memref<64x768xf32, #tpu.memory_space<vmem>>, vector<1x16xf32>,
        %swap3A_601 = vector.shape_cast %swap3A_600 : vector<1x16xf32> to vector<16xf32>
        %swap3A_602 = vector.shape_cast %get3A_597 : vector<16xf32> to vector<1x16xf32>
        tpu.vector_store %arg6[%swap3A_598, %swap3A_599], %swap3A_602 {add = true, strides = array<i32>} : memref<64x768xf32, #tpu.memory_space<vmem>>, vector<1x16xf32>,
        %mul3A_603 = arith.constant 16 : i32
        %mul3A_604 = arith.muli %mul3A_603, %and3A_49 : i32
        %get3A_605 = arith.constant 0 : i32
        %get3A_606 = arith.index_cast %get3A_605 : i32 to index
        %get3A_607 = arith.constant 704 : index
        %get3A_608 = tpu.vector_load %arg4[%get3A_606, %get3A_607] {strides = array<i32>} : memref<16x768xf32, #tpu.memory_space<vmem>>, vector<1x16xf32>,
        %get3A_609 = vector.shape_cast %get3A_608 : vector<1x16xf32> to vector<16xf32>
        %swap3A_610 = arith.index_cast %mul3A_604 : i32 to index
        %swap3A_611 = arith.constant 704 : index
        %swap3A_612 = tpu.vector_load %arg6[%swap3A_610, %swap3A_611] {strides = array<i32>} : memref<64x768xf32, #tpu.memory_space<vmem>>, vector<1x16xf32>,
        %swap3A_613 = vector.shape_cast %swap3A_612 : vector<1x16xf32> to vector<16xf32>
        %swap3A_614 = vector.shape_cast %get3A_609 : vector<16xf32> to vector<1x16xf32>
        tpu.vector_store %arg6[%swap3A_610, %swap3A_611], %swap3A_614 {add = true, strides = array<i32>} : memref<64x768xf32, #tpu.memory_space<vmem>>, vector<1x16xf32>,
        %mul3A_615 = arith.constant 16 : i32
        %mul3A_616 = arith.muli %mul3A_615, %and3A_49 : i32
        %get3A_617 = arith.constant 0 : i32
        %get3A_618 = arith.index_cast %get3A_617 : i32 to index
        %get3A_619 = arith.constant 720 : index
        %get3A_620 = tpu.vector_load %arg4[%get3A_618, %get3A_619] {strides = array<i32>} : memref<16x768xf32, #tpu.memory_space<vmem>>, vector<1x16xf32>,
        %get3A_621 = vector.shape_cast %get3A_620 : vector<1x16xf32> to vector<16xf32>
        %swap3A_622 = arith.index_cast %mul3A_616 : i32 to index
        %swap3A_623 = arith.constant 720 : index
        %swap3A_624 = tpu.vector_load %arg6[%swap3A_622, %swap3A_623] {strides = array<i32>} : memref<64x768xf32, #tpu.memory_space<vmem>>, vector<1x16xf32>,
        %swap3A_625 = vector.shape_cast %swap3A_624 : vector<1x16xf32> to vector<16xf32>
        %swap3A_626 = vector.shape_cast %get3A_621 : vector<16xf32> to vector<1x16xf32>
        tpu.vector_store %arg6[%swap3A_622, %swap3A_623], %swap3A_626 {add = true, strides = array<i32>} : memref<64x768xf32, #tpu.memory_space<vmem>>, vector<1x16xf32>,
        %mul3A_627 = arith.constant 16 : i32
        %mul3A_628 = arith.muli %mul3A_627, %and3A_49 : i32
        %get3A_629 = arith.constant 0 : i32
        %get3A_630 = arith.index_cast %get3A_629 : i32 to index
        %get3A_631 = arith.constant 736 : index
        %get3A_632 = tpu.vector_load %arg4[%get3A_630, %get3A_631] {strides = array<i32>} : memref<16x768xf32, #tpu.memory_space<vmem>>, vector<1x16xf32>,
        %get3A_633 = vector.shape_cast %get3A_632 : vector<1x16xf32> to vector<16xf32>
        %swap3A_634 = arith.index_cast %mul3A_628 : i32 to index
        %swap3A_635 = arith.constant 736 : index
        %swap3A_636 = tpu.vector_load %arg6[%swap3A_634, %swap3A_635] {strides = array<i32>} : memref<64x768xf32, #tpu.memory_space<vmem>>, vector<1x16xf32>,
        %swap3A_637 = vector.shape_cast %swap3A_636 : vector<1x16xf32> to vector<16xf32>
        %swap3A_638 = vector.shape_cast %get3A_633 : vector<16xf32> to vector<1x16xf32>
        tpu.vector_store %arg6[%swap3A_634, %swap3A_635], %swap3A_638 {add = true, strides = array<i32>} : memref<64x768xf32, #tpu.memory_space<vmem>>, vector<1x16xf32>,
        %mul3A_639 = arith.constant 16 : i32
        %mul3A_640 = arith.muli %mul3A_639, %and3A_49 : i32
        %get3A_641 = arith.constant 0 : i32
        %get3A_642 = arith.index_cast %get3A_641 : i32 to index
        %get3A_643 = arith.constant 752 : index
        %get3A_644 = tpu.vector_load %arg4[%get3A_642, %get3A_643] {strides = array<i32>} : memref<16x768xf32, #tpu.memory_space<vmem>>, vector<1x16xf32>,
        %get3A_645 = vector.shape_cast %get3A_644 : vector<1x16xf32> to vector<16xf32>
        %swap3A_646 = arith.index_cast %mul3A_640 : i32 to index
        %swap3A_647 = arith.constant 752 : index
        %swap3A_648 = tpu.vector_load %arg6[%swap3A_646, %swap3A_647] {strides = array<i32>} : memref<64x768xf32, #tpu.memory_space<vmem>>, vector<1x16xf32>,
        %swap3A_649 = vector.shape_cast %swap3A_648 : vector<1x16xf32> to vector<16xf32>
        %swap3A_650 = vector.shape_cast %get3A_645 : vector<16xf32> to vector<1x16xf32>
        tpu.vector_store %arg6[%swap3A_646, %swap3A_647], %swap3A_650 {add = true, strides = array<i32>} : memref<64x768xf32, #tpu.memory_space<vmem>>, vector<1x16xf32>,
        %add3A_651 = arith.constant 2 : i32
        %add3A_652 = arith.addi %while3A_48, %add3A_651 : i32
        %lt3A_653 = arith.cmpi slt, %add3A_652, %mul3A_4 : i32
        %convert_element_type3A_654 = arith.extui %lt3A_653 : i1 to i32
        %cond3A_655 = arith.constant 0 : i32
        %cond3A_656 = arith.cmpi ne, %convert_element_type3A_654, %cond3A_655 : i32
        scf.if %cond3A_656 {
          %add3A_657 = arith.constant 2 : i32
          %add3A_658 = arith.addi %while3A_48, %add3A_657 : i32
          %shift_right_arithmetic3A_659 = arith.constant 2 : i32
          %shift_right_arithmetic3A_660 = arith.shrsi %add3A_658, %shift_right_arithmetic3A_659 : i32
          %add3A_661 = arith.constant 1 : i32
          %add3A_662 = arith.addi %shift_right_arithmetic3A_660, %add3A_661 : i32
          %and3A_663 = arith.constant 3 : i32
          %and3A_664 = arith.andi %add3A_658, %and3A_663 : i32
          %mul3A_665 = arith.constant 32 : i32
          %mul3A_666 = arith.muli %mul3A_665, %add3A_662 : i32
          %add3A_667 = arith.addi %mul3A_666, %add3A : i32
          %mul3A_668 = arith.constant 16 : i32
          %mul3A_669 = arith.muli %mul3A_668, %and3A_664 : i32
          %dma_start3A_670 = arith.constant 0 : i32
          %dma_start3A_671 = tpu.memref_slice %arg2[%add3A_667, %mul3A_669, %dma_start3A_670] : memref<196x64x768xf32, #tpu.memory_space<hbm>> -> memref<1x16x768xf32, #tpu.memory_space<hbm>>
          %dma_start3A_672 = tpu.memref_squeeze %dma_start3A_671 : memref<1x16x768xf32, #tpu.memory_space<hbm>> -> memref<16x768xf32, #tpu.memory_space<hbm>>
          %dma_start3A_673 = arith.constant 0 : i32
          %dma_start3A_674 = tpu.memref_slice %arg2[%add3A_667, %mul3A_669, %dma_start3A_673] : memref<196x64x768xf32, #tpu.memory_space<hbm>> -> memref<1x16x768xf32, #tpu.memory_space<hbm>>
          %dma_start3A_675 = tpu.memref_squeeze %dma_start3A_674 : memref<1x16x768xf32, #tpu.memory_space<hbm>> -> memref<16x768xf32, #tpu.memory_space<hbm>>
          tpu.enqueue_dma source(%dma_start3A_675 : memref<16x768xf32, #tpu.memory_space<hbm>>) target(%arg4 : memref<16x768xf32, #tpu.memory_space<vmem>>) target_semaphore(%arg7 : memref<!tpu.dma_semaphore, #tpu.memory_space<semaphore_mem>>)
        } else {
        }
      } else {
      }
      %and3A_54 = arith.constant 1 : i32
      %and3A_55 = arith.andi %while3A_48, %and3A_54 : i32
      %eq3A_56 = arith.constant 1 : i32
      %eq3A_57 = arith.cmpi eq, %and3A_55, %eq3A_56 : i32
      %convert_element_type3A_58 = arith.extui %eq3A_57 : i1 to i32
      %cond3A_59 = arith.constant 0 : i32
      %cond3A_60 = arith.cmpi ne, %convert_element_type3A_58, %cond3A_59 : i32
      scf.if %cond3A_60 {
        %shift_right_arithmetic3A = arith.constant 2 : i32
        %shift_right_arithmetic3A_61 = arith.shrsi %while3A_48, %shift_right_arithmetic3A : i32
        %add3A_62 = arith.constant 1 : i32
        %add3A_63 = arith.addi %shift_right_arithmetic3A_61, %add3A_62 : i32
        %and3A_64 = arith.constant 3 : i32
        %and3A_65 = arith.andi %while3A_48, %and3A_64 : i32
        %mul3A_66 = arith.constant 32 : i32
        %mul3A_67 = arith.muli %mul3A_66, %add3A_63 : i32
        %add3A_68 = arith.addi %mul3A_67, %add3A : i32
        %mul3A_69 = arith.constant 16 : i32
        %mul3A_70 = arith.muli %mul3A_69, %and3A_65 : i32
        %dma_wait3A_71 = arith.constant 0 : i32
        %dma_wait3A_72 = tpu.memref_slice %arg2[%add3A_68, %mul3A_70, %dma_wait3A_71] : memref<196x64x768xf32, #tpu.memory_space<hbm>> -> memref<1x16x768xf32, #tpu.memory_space<hbm>>
        %dma_wait3A_73 = tpu.memref_squeeze %dma_wait3A_72 : memref<1x16x768xf32, #tpu.memory_space<hbm>> -> memref<16x768xf32, #tpu.memory_space<hbm>>
        %dma_wait3A_74 = arith.constant 0 : i32
        %dma_wait3A_75 = tpu.memref_slice %arg2[%add3A_68, %mul3A_70, %dma_wait3A_74] : memref<196x64x768xf32, #tpu.memory_space<hbm>> -> memref<1x16x768xf32, #tpu.memory_space<hbm>>
        %dma_wait3A_76 = tpu.memref_squeeze %dma_wait3A_75 : memref<1x16x768xf32, #tpu.memory_space<hbm>> -> memref<16x768xf32, #tpu.memory_space<hbm>>
        tpu.wait_dma2 semaphore(%arg8 : memref<!tpu.dma_semaphore, #tpu.memory_space<semaphore_mem>>) src(%dma_wait3A_76 : memref<16x768xf32, #tpu.memory_space<hbm>>) dst(%arg5 : memref<16x768xf32, #tpu.memory_space<vmem>>)
        %mul3A_77 = arith.constant 16 : i32
        %mul3A_78 = arith.muli %mul3A_77, %and3A_49 : i32
        %get3A = arith.constant 0 : i32
        %get3A_79 = arith.index_cast %get3A : i32 to index
        %get3A_80 = arith.constant 0 : index
        %get3A_81 = tpu.vector_load %arg5[%get3A_79, %get3A_80] {strides = array<i32>} : memref<16x768xf32, #tpu.memory_space<vmem>>, vector<1x16xf32>,
        %get3A_82 = vector.shape_cast %get3A_81 : vector<1x16xf32> to vector<16xf32>
        %swap3A = arith.index_cast %mul3A_78 : i32 to index
        %swap3A_83 = arith.constant 0 : index
        %swap3A_84 = tpu.vector_load %arg6[%swap3A, %swap3A_83] {strides = array<i32>} : memref<64x768xf32, #tpu.memory_space<vmem>>, vector<1x16xf32>,
        %swap3A_85 = vector.shape_cast %swap3A_84 : vector<1x16xf32> to vector<16xf32>
        %swap3A_86 = vector.shape_cast %get3A_82 : vector<16xf32> to vector<1x16xf32>
        tpu.vector_store %arg6[%swap3A, %swap3A_83], %swap3A_86 {add = true, strides = array<i32>} : memref<64x768xf32, #tpu.memory_space<vmem>>, vector<1x16xf32>,
        %mul3A_87 = arith.constant 16 : i32
        %mul3A_88 = arith.muli %mul3A_87, %and3A_49 : i32
        %get3A_89 = arith.constant 0 : i32
        %get3A_90 = arith.index_cast %get3A_89 : i32 to index
        %get3A_91 = arith.constant 16 : index
        %get3A_92 = tpu.vector_load %arg5[%get3A_90, %get3A_91] {strides = array<i32>} : memref<16x768xf32, #tpu.memory_space<vmem>>, vector<1x16xf32>,
        %get3A_93 = vector.shape_cast %get3A_92 : vector<1x16xf32> to vector<16xf32>
        %swap3A_94 = arith.index_cast %mul3A_88 : i32 to index
        %swap3A_95 = arith.constant 16 : index
        %swap3A_96 = tpu.vector_load %arg6[%swap3A_94, %swap3A_95] {strides = array<i32>} : memref<64x768xf32, #tpu.memory_space<vmem>>, vector<1x16xf32>,
        %swap3A_97 = vector.shape_cast %swap3A_96 : vector<1x16xf32> to vector<16xf32>
        %swap3A_98 = vector.shape_cast %get3A_93 : vector<16xf32> to vector<1x16xf32>
        tpu.vector_store %arg6[%swap3A_94, %swap3A_95], %swap3A_98 {add = true, strides = array<i32>} : memref<64x768xf32, #tpu.memory_space<vmem>>, vector<1x16xf32>,
        %mul3A_99 = arith.constant 16 : i32
        %mul3A_100 = arith.muli %mul3A_99, %and3A_49 : i32
        %get3A_101 = arith.constant 0 : i32
        %get3A_102 = arith.index_cast %get3A_101 : i32 to index
        %get3A_103 = arith.constant 32 : index
        %get3A_104 = tpu.vector_load %arg5[%get3A_102, %get3A_103] {strides = array<i32>} : memref<16x768xf32, #tpu.memory_space<vmem>>, vector<1x16xf32>,
        %get3A_105 = vector.shape_cast %get3A_104 : vector<1x16xf32> to vector<16xf32>
        %swap3A_106 = arith.index_cast %mul3A_100 : i32 to index
        %swap3A_107 = arith.constant 32 : index
        %swap3A_108 = tpu.vector_load %arg6[%swap3A_106, %swap3A_107] {strides = array<i32>} : memref<64x768xf32, #tpu.memory_space<vmem>>, vector<1x16xf32>,
        %swap3A_109 = vector.shape_cast %swap3A_108 : vector<1x16xf32> to vector<16xf32>
        %swap3A_110 = vector.shape_cast %get3A_105 : vector<16xf32> to vector<1x16xf32>
        tpu.vector_store %arg6[%swap3A_106, %swap3A_107], %swap3A_110 {add = true, strides = array<i32>} : memref<64x768xf32, #tpu.memory_space<vmem>>, vector<1x16xf32>,
        %mul3A_111 = arith.constant 16 : i32
        %mul3A_112 = arith.muli %mul3A_111, %and3A_49 : i32
        %get3A_113 = arith.constant 0 : i32
        %get3A_114 = arith.index_cast %get3A_113 : i32 to index
        %get3A_115 = arith.constant 48 : index
        %get3A_116 = tpu.vector_load %arg5[%get3A_114, %get3A_115] {strides = array<i32>} : memref<16x768xf32, #tpu.memory_space<vmem>>, vector<1x16xf32>,
        %get3A_117 = vector.shape_cast %get3A_116 : vector<1x16xf32> to vector<16xf32>
        %swap3A_118 = arith.index_cast %mul3A_112 : i32 to index
        %swap3A_119 = arith.constant 48 : index
        %swap3A_120 = tpu.vector_load %arg6[%swap3A_118, %swap3A_119] {strides = array<i32>} : memref<64x768xf32, #tpu.memory_space<vmem>>, vector<1x16xf32>,
        %swap3A_121 = vector.shape_cast %swap3A_120 : vector<1x16xf32> to vector<16xf32>
        %swap3A_122 = vector.shape_cast %get3A_117 : vector<16xf32> to vector<1x16xf32>
        tpu.vector_store %arg6[%swap3A_118, %swap3A_119], %swap3A_122 {add = true, strides = array<i32>} : memref<64x768xf32, #tpu.memory_space<vmem>>, vector<1x16xf32>,
        %mul3A_123 = arith.constant 16 : i32
        %mul3A_124 = arith.muli %mul3A_123, %and3A_49 : i32
        %get3A_125 = arith.constant 0 : i32
        %get3A_126 = arith.index_cast %get3A_125 : i32 to index
        %get3A_127 = arith.constant 64 : index
        %get3A_128 = tpu.vector_load %arg5[%get3A_126, %get3A_127] {strides = array<i32>} : memref<16x768xf32, #tpu.memory_space<vmem>>, vector<1x16xf32>,
        %get3A_129 = vector.shape_cast %get3A_128 : vector<1x16xf32> to vector<16xf32>
        %swap3A_130 = arith.index_cast %mul3A_124 : i32 to index
        %swap3A_131 = arith.constant 64 : index
        %swap3A_132 = tpu.vector_load %arg6[%swap3A_130, %swap3A_131] {strides = array<i32>} : memref<64x768xf32, #tpu.memory_space<vmem>>, vector<1x16xf32>,
        %swap3A_133 = vector.shape_cast %swap3A_132 : vector<1x16xf32> to vector<16xf32>
        %swap3A_134 = vector.shape_cast %get3A_129 : vector<16xf32> to vector<1x16xf32>
        tpu.vector_store %arg6[%swap3A_130, %swap3A_131], %swap3A_134 {add = true, strides = array<i32>} : memref<64x768xf32, #tpu.memory_space<vmem>>, vector<1x16xf32>,
        %mul3A_135 = arith.constant 16 : i32
        %mul3A_136 = arith.muli %mul3A_135, %and3A_49 : i32
        %get3A_137 = arith.constant 0 : i32
        %get3A_138 = arith.index_cast %get3A_137 : i32 to index
        %get3A_139 = arith.constant 80 : index
        %get3A_140 = tpu.vector_load %arg5[%get3A_138, %get3A_139] {strides = array<i32>} : memref<16x768xf32, #tpu.memory_space<vmem>>, vector<1x16xf32>,
        %get3A_141 = vector.shape_cast %get3A_140 : vector<1x16xf32> to vector<16xf32>
        %swap3A_142 = arith.index_cast %mul3A_136 : i32 to index
        %swap3A_143 = arith.constant 80 : index
        %swap3A_144 = tpu.vector_load %arg6[%swap3A_142, %swap3A_143] {strides = array<i32>} : memref<64x768xf32, #tpu.memory_space<vmem>>, vector<1x16xf32>,
        %swap3A_145 = vector.shape_cast %swap3A_144 : vector<1x16xf32> to vector<16xf32>
        %swap3A_146 = vector.shape_cast %get3A_141 : vector<16xf32> to vector<1x16xf32>
        tpu.vector_store %arg6[%swap3A_142, %swap3A_143], %swap3A_146 {add = true, strides = array<i32>} : memref<64x768xf32, #tpu.memory_space<vmem>>, vector<1x16xf32>,
        %mul3A_147 = arith.constant 16 : i32
        %mul3A_148 = arith.muli %mul3A_147, %and3A_49 : i32
        %get3A_149 = arith.constant 0 : i32
        %get3A_150 = arith.index_cast %get3A_149 : i32 to index
        %get3A_151 = arith.constant 96 : index
        %get3A_152 = tpu.vector_load %arg5[%get3A_150, %get3A_151] {strides = array<i32>} : memref<16x768xf32, #tpu.memory_space<vmem>>, vector<1x16xf32>,
        %get3A_153 = vector.shape_cast %get3A_152 : vector<1x16xf32> to vector<16xf32>
        %swap3A_154 = arith.index_cast %mul3A_148 : i32 to index
        %swap3A_155 = arith.constant 96 : index
        %swap3A_156 = tpu.vector_load %arg6[%swap3A_154, %swap3A_155] {strides = array<i32>} : memref<64x768xf32, #tpu.memory_space<vmem>>, vector<1x16xf32>,
        %swap3A_157 = vector.shape_cast %swap3A_156 : vector<1x16xf32> to vector<16xf32>
        %swap3A_158 = vector.shape_cast %get3A_153 : vector<16xf32> to vector<1x16xf32>
        tpu.vector_store %arg6[%swap3A_154, %swap3A_155], %swap3A_158 {add = true, strides = array<i32>} : memref<64x768xf32, #tpu.memory_space<vmem>>, vector<1x16xf32>,
        %mul3A_159 = arith.constant 16 : i32
        %mul3A_160 = arith.muli %mul3A_159, %and3A_49 : i32
        %get3A_161 = arith.constant 0 : i32
        %get3A_162 = arith.index_cast %get3A_161 : i32 to index
        %get3A_163 = arith.constant 112 : index
        %get3A_164 = tpu.vector_load %arg5[%get3A_162, %get3A_163] {strides = array<i32>} : memref<16x768xf32, #tpu.memory_space<vmem>>, vector<1x16xf32>,
        %get3A_165 = vector.shape_cast %get3A_164 : vector<1x16xf32> to vector<16xf32>
        %swap3A_166 = arith.index_cast %mul3A_160 : i32 to index
        %swap3A_167 = arith.constant 112 : index
        %swap3A_168 = tpu.vector_load %arg6[%swap3A_166, %swap3A_167] {strides = array<i32>} : memref<64x768xf32, #tpu.memory_space<vmem>>, vector<1x16xf32>,
        %swap3A_169 = vector.shape_cast %swap3A_168 : vector<1x16xf32> to vector<16xf32>
        %swap3A_170 = vector.shape_cast %get3A_165 : vector<16xf32> to vector<1x16xf32>
        tpu.vector_store %arg6[%swap3A_166, %swap3A_167], %swap3A_170 {add = true, strides = array<i32>} : memref<64x768xf32, #tpu.memory_space<vmem>>, vector<1x16xf32>,
        %mul3A_171 = arith.constant 16 : i32
        %mul3A_172 = arith.muli %mul3A_171, %and3A_49 : i32
        %get3A_173 = arith.constant 0 : i32
        %get3A_174 = arith.index_cast %get3A_173 : i32 to index
        %get3A_175 = arith.constant 128 : index
        %get3A_176 = tpu.vector_load %arg5[%get3A_174, %get3A_175] {strides = array<i32>} : memref<16x768xf32, #tpu.memory_space<vmem>>, vector<1x16xf32>,
        %get3A_177 = vector.shape_cast %get3A_176 : vector<1x16xf32> to vector<16xf32>
        %swap3A_178 = arith.index_cast %mul3A_172 : i32 to index
        %swap3A_179 = arith.constant 128 : index
        %swap3A_180 = tpu.vector_load %arg6[%swap3A_178, %swap3A_179] {strides = array<i32>} : memref<64x768xf32, #tpu.memory_space<vmem>>, vector<1x16xf32>,
        %swap3A_181 = vector.shape_cast %swap3A_180 : vector<1x16xf32> to vector<16xf32>
        %swap3A_182 = vector.shape_cast %get3A_177 : vector<16xf32> to vector<1x16xf32>
        tpu.vector_store %arg6[%swap3A_178, %swap3A_179], %swap3A_182 {add = true, strides = array<i32>} : memref<64x768xf32, #tpu.memory_space<vmem>>, vector<1x16xf32>,
        %mul3A_183 = arith.constant 16 : i32
        %mul3A_184 = arith.muli %mul3A_183, %and3A_49 : i32
        %get3A_185 = arith.constant 0 : i32
        %get3A_186 = arith.index_cast %get3A_185 : i32 to index
        %get3A_187 = arith.constant 144 : index
        %get3A_188 = tpu.vector_load %arg5[%get3A_186, %get3A_187] {strides = array<i32>} : memref<16x768xf32, #tpu.memory_space<vmem>>, vector<1x16xf32>,
        %get3A_189 = vector.shape_cast %get3A_188 : vector<1x16xf32> to vector<16xf32>
        %swap3A_190 = arith.index_cast %mul3A_184 : i32 to index
        %swap3A_191 = arith.constant 144 : index
        %swap3A_192 = tpu.vector_load %arg6[%swap3A_190, %swap3A_191] {strides = array<i32>} : memref<64x768xf32, #tpu.memory_space<vmem>>, vector<1x16xf32>,
        %swap3A_193 = vector.shape_cast %swap3A_192 : vector<1x16xf32> to vector<16xf32>
        %swap3A_194 = vector.shape_cast %get3A_189 : vector<16xf32> to vector<1x16xf32>
        tpu.vector_store %arg6[%swap3A_190, %swap3A_191], %swap3A_194 {add = true, strides = array<i32>} : memref<64x768xf32, #tpu.memory_space<vmem>>, vector<1x16xf32>,
        %mul3A_195 = arith.constant 16 : i32
        %mul3A_196 = arith.muli %mul3A_195, %and3A_49 : i32
        %get3A_197 = arith.constant 0 : i32
        %get3A_198 = arith.index_cast %get3A_197 : i32 to index
        %get3A_199 = arith.constant 160 : index
        %get3A_200 = tpu.vector_load %arg5[%get3A_198, %get3A_199] {strides = array<i32>} : memref<16x768xf32, #tpu.memory_space<vmem>>, vector<1x16xf32>,
        %get3A_201 = vector.shape_cast %get3A_200 : vector<1x16xf32> to vector<16xf32>
        %swap3A_202 = arith.index_cast %mul3A_196 : i32 to index
        %swap3A_203 = arith.constant 160 : index
        %swap3A_204 = tpu.vector_load %arg6[%swap3A_202, %swap3A_203] {strides = array<i32>} : memref<64x768xf32, #tpu.memory_space<vmem>>, vector<1x16xf32>,
        %swap3A_205 = vector.shape_cast %swap3A_204 : vector<1x16xf32> to vector<16xf32>
        %swap3A_206 = vector.shape_cast %get3A_201 : vector<16xf32> to vector<1x16xf32>
        tpu.vector_store %arg6[%swap3A_202, %swap3A_203], %swap3A_206 {add = true, strides = array<i32>} : memref<64x768xf32, #tpu.memory_space<vmem>>, vector<1x16xf32>,
        %mul3A_207 = arith.constant 16 : i32
        %mul3A_208 = arith.muli %mul3A_207, %and3A_49 : i32
        %get3A_209 = arith.constant 0 : i32
        %get3A_210 = arith.index_cast %get3A_209 : i32 to index
        %get3A_211 = arith.constant 176 : index
        %get3A_212 = tpu.vector_load %arg5[%get3A_210, %get3A_211] {strides = array<i32>} : memref<16x768xf32, #tpu.memory_space<vmem>>, vector<1x16xf32>,
        %get3A_213 = vector.shape_cast %get3A_212 : vector<1x16xf32> to vector<16xf32>
        %swap3A_214 = arith.index_cast %mul3A_208 : i32 to index
        %swap3A_215 = arith.constant 176 : index
        %swap3A_216 = tpu.vector_load %arg6[%swap3A_214, %swap3A_215] {strides = array<i32>} : memref<64x768xf32, #tpu.memory_space<vmem>>, vector<1x16xf32>,
        %swap3A_217 = vector.shape_cast %swap3A_216 : vector<1x16xf32> to vector<16xf32>
        %swap3A_218 = vector.shape_cast %get3A_213 : vector<16xf32> to vector<1x16xf32>
        tpu.vector_store %arg6[%swap3A_214, %swap3A_215], %swap3A_218 {add = true, strides = array<i32>} : memref<64x768xf32, #tpu.memory_space<vmem>>, vector<1x16xf32>,
        %mul3A_219 = arith.constant 16 : i32
        %mul3A_220 = arith.muli %mul3A_219, %and3A_49 : i32
        %get3A_221 = arith.constant 0 : i32
        %get3A_222 = arith.index_cast %get3A_221 : i32 to index
        %get3A_223 = arith.constant 192 : index
        %get3A_224 = tpu.vector_load %arg5[%get3A_222, %get3A_223] {strides = array<i32>} : memref<16x768xf32, #tpu.memory_space<vmem>>, vector<1x16xf32>,
        %get3A_225 = vector.shape_cast %get3A_224 : vector<1x16xf32> to vector<16xf32>
        %swap3A_226 = arith.index_cast %mul3A_220 : i32 to index
        %swap3A_227 = arith.constant 192 : index
        %swap3A_228 = tpu.vector_load %arg6[%swap3A_226, %swap3A_227] {strides = array<i32>} : memref<64x768xf32, #tpu.memory_space<vmem>>, vector<1x16xf32>,
        %swap3A_229 = vector.shape_cast %swap3A_228 : vector<1x16xf32> to vector<16xf32>
        %swap3A_230 = vector.shape_cast %get3A_225 : vector<16xf32> to vector<1x16xf32>
        tpu.vector_store %arg6[%swap3A_226, %swap3A_227], %swap3A_230 {add = true, strides = array<i32>} : memref<64x768xf32, #tpu.memory_space<vmem>>, vector<1x16xf32>,
        %mul3A_231 = arith.constant 16 : i32
        %mul3A_232 = arith.muli %mul3A_231, %and3A_49 : i32
        %get3A_233 = arith.constant 0 : i32
        %get3A_234 = arith.index_cast %get3A_233 : i32 to index
        %get3A_235 = arith.constant 208 : index
        %get3A_236 = tpu.vector_load %arg5[%get3A_234, %get3A_235] {strides = array<i32>} : memref<16x768xf32, #tpu.memory_space<vmem>>, vector<1x16xf32>,
        %get3A_237 = vector.shape_cast %get3A_236 : vector<1x16xf32> to vector<16xf32>
        %swap3A_238 = arith.index_cast %mul3A_232 : i32 to index
        %swap3A_239 = arith.constant 208 : index
        %swap3A_240 = tpu.vector_load %arg6[%swap3A_238, %swap3A_239] {strides = array<i32>} : memref<64x768xf32, #tpu.memory_space<vmem>>, vector<1x16xf32>,
        %swap3A_241 = vector.shape_cast %swap3A_240 : vector<1x16xf32> to vector<16xf32>
        %swap3A_242 = vector.shape_cast %get3A_237 : vector<16xf32> to vector<1x16xf32>
        tpu.vector_store %arg6[%swap3A_238, %swap3A_239], %swap3A_242 {add = true, strides = array<i32>} : memref<64x768xf32, #tpu.memory_space<vmem>>, vector<1x16xf32>,
        %mul3A_243 = arith.constant 16 : i32
        %mul3A_244 = arith.muli %mul3A_243, %and3A_49 : i32
        %get3A_245 = arith.constant 0 : i32
        %get3A_246 = arith.index_cast %get3A_245 : i32 to index
        %get3A_247 = arith.constant 224 : index
        %get3A_248 = tpu.vector_load %arg5[%get3A_246, %get3A_247] {strides = array<i32>} : memref<16x768xf32, #tpu.memory_space<vmem>>, vector<1x16xf32>,
        %get3A_249 = vector.shape_cast %get3A_248 : vector<1x16xf32> to vector<16xf32>
        %swap3A_250 = arith.index_cast %mul3A_244 : i32 to index
        %swap3A_251 = arith.constant 224 : index
        %swap3A_252 = tpu.vector_load %arg6[%swap3A_250, %swap3A_251] {strides = array<i32>} : memref<64x768xf32, #tpu.memory_space<vmem>>, vector<1x16xf32>,
        %swap3A_253 = vector.shape_cast %swap3A_252 : vector<1x16xf32> to vector<16xf32>
        %swap3A_254 = vector.shape_cast %get3A_249 : vector<16xf32> to vector<1x16xf32>
        tpu.vector_store %arg6[%swap3A_250, %swap3A_251], %swap3A_254 {add = true, strides = array<i32>} : memref<64x768xf32, #tpu.memory_space<vmem>>, vector<1x16xf32>,
        %mul3A_255 = arith.constant 16 : i32
        %mul3A_256 = arith.muli %mul3A_255, %and3A_49 : i32
        %get3A_257 = arith.constant 0 : i32
        %get3A_258 = arith.index_cast %get3A_257 : i32 to index
        %get3A_259 = arith.constant 240 : index
        %get3A_260 = tpu.vector_load %arg5[%get3A_258, %get3A_259] {strides = array<i32>} : memref<16x768xf32, #tpu.memory_space<vmem>>, vector<1x16xf32>,
        %get3A_261 = vector.shape_cast %get3A_260 : vector<1x16xf32> to vector<16xf32>
        %swap3A_262 = arith.index_cast %mul3A_256 : i32 to index
        %swap3A_263 = arith.constant 240 : index
        %swap3A_264 = tpu.vector_load %arg6[%swap3A_262, %swap3A_263] {strides = array<i32>} : memref<64x768xf32, #tpu.memory_space<vmem>>, vector<1x16xf32>,
        %swap3A_265 = vector.shape_cast %swap3A_264 : vector<1x16xf32> to vector<16xf32>
        %swap3A_266 = vector.shape_cast %get3A_261 : vector<16xf32> to vector<1x16xf32>
        tpu.vector_store %arg6[%swap3A_262, %swap3A_263], %swap3A_266 {add = true, strides = array<i32>} : memref<64x768xf32, #tpu.memory_space<vmem>>, vector<1x16xf32>,
        %mul3A_267 = arith.constant 16 : i32
        %mul3A_268 = arith.muli %mul3A_267, %and3A_49 : i32
        %get3A_269 = arith.constant 0 : i32
        %get3A_270 = arith.index_cast %get3A_269 : i32 to index
        %get3A_271 = arith.constant 256 : index
        %get3A_272 = tpu.vector_load %arg5[%get3A_270, %get3A_271] {strides = array<i32>} : memref<16x768xf32, #tpu.memory_space<vmem>>, vector<1x16xf32>,
        %get3A_273 = vector.shape_cast %get3A_272 : vector<1x16xf32> to vector<16xf32>
        %swap3A_274 = arith.index_cast %mul3A_268 : i32 to index
        %swap3A_275 = arith.constant 256 : index
        %swap3A_276 = tpu.vector_load %arg6[%swap3A_274, %swap3A_275] {strides = array<i32>} : memref<64x768xf32, #tpu.memory_space<vmem>>, vector<1x16xf32>,
        %swap3A_277 = vector.shape_cast %swap3A_276 : vector<1x16xf32> to vector<16xf32>
        %swap3A_278 = vector.shape_cast %get3A_273 : vector<16xf32> to vector<1x16xf32>
        tpu.vector_store %arg6[%swap3A_274, %swap3A_275], %swap3A_278 {add = true, strides = array<i32>} : memref<64x768xf32, #tpu.memory_space<vmem>>, vector<1x16xf32>,
        %mul3A_279 = arith.constant 16 : i32
        %mul3A_280 = arith.muli %mul3A_279, %and3A_49 : i32
        %get3A_281 = arith.constant 0 : i32
        %get3A_282 = arith.index_cast %get3A_281 : i32 to index
        %get3A_283 = arith.constant 272 : index
        %get3A_284 = tpu.vector_load %arg5[%get3A_282, %get3A_283] {strides = array<i32>} : memref<16x768xf32, #tpu.memory_space<vmem>>, vector<1x16xf32>,
        %get3A_285 = vector.shape_cast %get3A_284 : vector<1x16xf32> to vector<16xf32>
        %swap3A_286 = arith.index_cast %mul3A_280 : i32 to index
        %swap3A_287 = arith.constant 272 : index
        %swap3A_288 = tpu.vector_load %arg6[%swap3A_286, %swap3A_287] {strides = array<i32>} : memref<64x768xf32, #tpu.memory_space<vmem>>, vector<1x16xf32>,
        %swap3A_289 = vector.shape_cast %swap3A_288 : vector<1x16xf32> to vector<16xf32>
        %swap3A_290 = vector.shape_cast %get3A_285 : vector<16xf32> to vector<1x16xf32>
        tpu.vector_store %arg6[%swap3A_286, %swap3A_287], %swap3A_290 {add = true, strides = array<i32>} : memref<64x768xf32, #tpu.memory_space<vmem>>, vector<1x16xf32>,
        %mul3A_291 = arith.constant 16 : i32
        %mul3A_292 = arith.muli %mul3A_291, %and3A_49 : i32
        %get3A_293 = arith.constant 0 : i32
        %get3A_294 = arith.index_cast %get3A_293 : i32 to index
        %get3A_295 = arith.constant 288 : index
        %get3A_296 = tpu.vector_load %arg5[%get3A_294, %get3A_295] {strides = array<i32>} : memref<16x768xf32, #tpu.memory_space<vmem>>, vector<1x16xf32>,
        %get3A_297 = vector.shape_cast %get3A_296 : vector<1x16xf32> to vector<16xf32>
        %swap3A_298 = arith.index_cast %mul3A_292 : i32 to index
        %swap3A_299 = arith.constant 288 : index
        %swap3A_300 = tpu.vector_load %arg6[%swap3A_298, %swap3A_299] {strides = array<i32>} : memref<64x768xf32, #tpu.memory_space<vmem>>, vector<1x16xf32>,
        %swap3A_301 = vector.shape_cast %swap3A_300 : vector<1x16xf32> to vector<16xf32>
        %swap3A_302 = vector.shape_cast %get3A_297 : vector<16xf32> to vector<1x16xf32>
        tpu.vector_store %arg6[%swap3A_298, %swap3A_299], %swap3A_302 {add = true, strides = array<i32>} : memref<64x768xf32, #tpu.memory_space<vmem>>, vector<1x16xf32>,
        %mul3A_303 = arith.constant 16 : i32
        %mul3A_304 = arith.muli %mul3A_303, %and3A_49 : i32
        %get3A_305 = arith.constant 0 : i32
        %get3A_306 = arith.index_cast %get3A_305 : i32 to index
        %get3A_307 = arith.constant 304 : index
        %get3A_308 = tpu.vector_load %arg5[%get3A_306, %get3A_307] {strides = array<i32>} : memref<16x768xf32, #tpu.memory_space<vmem>>, vector<1x16xf32>,
        %get3A_309 = vector.shape_cast %get3A_308 : vector<1x16xf32> to vector<16xf32>
        %swap3A_310 = arith.index_cast %mul3A_304 : i32 to index
        %swap3A_311 = arith.constant 304 : index
        %swap3A_312 = tpu.vector_load %arg6[%swap3A_310, %swap3A_311] {strides = array<i32>} : memref<64x768xf32, #tpu.memory_space<vmem>>, vector<1x16xf32>,
        %swap3A_313 = vector.shape_cast %swap3A_312 : vector<1x16xf32> to vector<16xf32>
        %swap3A_314 = vector.shape_cast %get3A_309 : vector<16xf32> to vector<1x16xf32>
        tpu.vector_store %arg6[%swap3A_310, %swap3A_311], %swap3A_314 {add = true, strides = array<i32>} : memref<64x768xf32, #tpu.memory_space<vmem>>, vector<1x16xf32>,
        %mul3A_315 = arith.constant 16 : i32
        %mul3A_316 = arith.muli %mul3A_315, %and3A_49 : i32
        %get3A_317 = arith.constant 0 : i32
        %get3A_318 = arith.index_cast %get3A_317 : i32 to index
        %get3A_319 = arith.constant 320 : index
        %get3A_320 = tpu.vector_load %arg5[%get3A_318, %get3A_319] {strides = array<i32>} : memref<16x768xf32, #tpu.memory_space<vmem>>, vector<1x16xf32>,
        %get3A_321 = vector.shape_cast %get3A_320 : vector<1x16xf32> to vector<16xf32>
        %swap3A_322 = arith.index_cast %mul3A_316 : i32 to index
        %swap3A_323 = arith.constant 320 : index
        %swap3A_324 = tpu.vector_load %arg6[%swap3A_322, %swap3A_323] {strides = array<i32>} : memref<64x768xf32, #tpu.memory_space<vmem>>, vector<1x16xf32>,
        %swap3A_325 = vector.shape_cast %swap3A_324 : vector<1x16xf32> to vector<16xf32>
        %swap3A_326 = vector.shape_cast %get3A_321 : vector<16xf32> to vector<1x16xf32>
        tpu.vector_store %arg6[%swap3A_322, %swap3A_323], %swap3A_326 {add = true, strides = array<i32>} : memref<64x768xf32, #tpu.memory_space<vmem>>, vector<1x16xf32>,
        %mul3A_327 = arith.constant 16 : i32
        %mul3A_328 = arith.muli %mul3A_327, %and3A_49 : i32
        %get3A_329 = arith.constant 0 : i32
        %get3A_330 = arith.index_cast %get3A_329 : i32 to index
        %get3A_331 = arith.constant 336 : index
        %get3A_332 = tpu.vector_load %arg5[%get3A_330, %get3A_331] {strides = array<i32>} : memref<16x768xf32, #tpu.memory_space<vmem>>, vector<1x16xf32>,
        %get3A_333 = vector.shape_cast %get3A_332 : vector<1x16xf32> to vector<16xf32>
        %swap3A_334 = arith.index_cast %mul3A_328 : i32 to index
        %swap3A_335 = arith.constant 336 : index
        %swap3A_336 = tpu.vector_load %arg6[%swap3A_334, %swap3A_335] {strides = array<i32>} : memref<64x768xf32, #tpu.memory_space<vmem>>, vector<1x16xf32>,
        %swap3A_337 = vector.shape_cast %swap3A_336 : vector<1x16xf32> to vector<16xf32>
        %swap3A_338 = vector.shape_cast %get3A_333 : vector<16xf32> to vector<1x16xf32>
        tpu.vector_store %arg6[%swap3A_334, %swap3A_335], %swap3A_338 {add = true, strides = array<i32>} : memref<64x768xf32, #tpu.memory_space<vmem>>, vector<1x16xf32>,
        %mul3A_339 = arith.constant 16 : i32
        %mul3A_340 = arith.muli %mul3A_339, %and3A_49 : i32
        %get3A_341 = arith.constant 0 : i32
        %get3A_342 = arith.index_cast %get3A_341 : i32 to index
        %get3A_343 = arith.constant 352 : index
        %get3A_344 = tpu.vector_load %arg5[%get3A_342, %get3A_343] {strides = array<i32>} : memref<16x768xf32, #tpu.memory_space<vmem>>, vector<1x16xf32>,
        %get3A_345 = vector.shape_cast %get3A_344 : vector<1x16xf32> to vector<16xf32>
        %swap3A_346 = arith.index_cast %mul3A_340 : i32 to index
        %swap3A_347 = arith.constant 352 : index
        %swap3A_348 = tpu.vector_load %arg6[%swap3A_346, %swap3A_347] {strides = array<i32>} : memref<64x768xf32, #tpu.memory_space<vmem>>, vector<1x16xf32>,
        %swap3A_349 = vector.shape_cast %swap3A_348 : vector<1x16xf32> to vector<16xf32>
        %swap3A_350 = vector.shape_cast %get3A_345 : vector<16xf32> to vector<1x16xf32>
        tpu.vector_store %arg6[%swap3A_346, %swap3A_347], %swap3A_350 {add = true, strides = array<i32>} : memref<64x768xf32, #tpu.memory_space<vmem>>, vector<1x16xf32>,
        %mul3A_351 = arith.constant 16 : i32
        %mul3A_352 = arith.muli %mul3A_351, %and3A_49 : i32
        %get3A_353 = arith.constant 0 : i32
        %get3A_354 = arith.index_cast %get3A_353 : i32 to index
        %get3A_355 = arith.constant 368 : index
        %get3A_356 = tpu.vector_load %arg5[%get3A_354, %get3A_355] {strides = array<i32>} : memref<16x768xf32, #tpu.memory_space<vmem>>, vector<1x16xf32>,
        %get3A_357 = vector.shape_cast %get3A_356 : vector<1x16xf32> to vector<16xf32>
        %swap3A_358 = arith.index_cast %mul3A_352 : i32 to index
        %swap3A_359 = arith.constant 368 : index
        %swap3A_360 = tpu.vector_load %arg6[%swap3A_358, %swap3A_359] {strides = array<i32>} : memref<64x768xf32, #tpu.memory_space<vmem>>, vector<1x16xf32>,
        %swap3A_361 = vector.shape_cast %swap3A_360 : vector<1x16xf32> to vector<16xf32>
        %swap3A_362 = vector.shape_cast %get3A_357 : vector<16xf32> to vector<1x16xf32>
        tpu.vector_store %arg6[%swap3A_358, %swap3A_359], %swap3A_362 {add = true, strides = array<i32>} : memref<64x768xf32, #tpu.memory_space<vmem>>, vector<1x16xf32>,
        %mul3A_363 = arith.constant 16 : i32
        %mul3A_364 = arith.muli %mul3A_363, %and3A_49 : i32
        %get3A_365 = arith.constant 0 : i32
        %get3A_366 = arith.index_cast %get3A_365 : i32 to index
        %get3A_367 = arith.constant 384 : index
        %get3A_368 = tpu.vector_load %arg5[%get3A_366, %get3A_367] {strides = array<i32>} : memref<16x768xf32, #tpu.memory_space<vmem>>, vector<1x16xf32>,
        %get3A_369 = vector.shape_cast %get3A_368 : vector<1x16xf32> to vector<16xf32>
        %swap3A_370 = arith.index_cast %mul3A_364 : i32 to index
        %swap3A_371 = arith.constant 384 : index
        %swap3A_372 = tpu.vector_load %arg6[%swap3A_370, %swap3A_371] {strides = array<i32>} : memref<64x768xf32, #tpu.memory_space<vmem>>, vector<1x16xf32>,
        %swap3A_373 = vector.shape_cast %swap3A_372 : vector<1x16xf32> to vector<16xf32>
        %swap3A_374 = vector.shape_cast %get3A_369 : vector<16xf32> to vector<1x16xf32>
        tpu.vector_store %arg6[%swap3A_370, %swap3A_371], %swap3A_374 {add = true, strides = array<i32>} : memref<64x768xf32, #tpu.memory_space<vmem>>, vector<1x16xf32>,
        %mul3A_375 = arith.constant 16 : i32
        %mul3A_376 = arith.muli %mul3A_375, %and3A_49 : i32
        %get3A_377 = arith.constant 0 : i32
        %get3A_378 = arith.index_cast %get3A_377 : i32 to index
        %get3A_379 = arith.constant 400 : index
        %get3A_380 = tpu.vector_load %arg5[%get3A_378, %get3A_379] {strides = array<i32>} : memref<16x768xf32, #tpu.memory_space<vmem>>, vector<1x16xf32>,
        %get3A_381 = vector.shape_cast %get3A_380 : vector<1x16xf32> to vector<16xf32>
        %swap3A_382 = arith.index_cast %mul3A_376 : i32 to index
        %swap3A_383 = arith.constant 400 : index
        %swap3A_384 = tpu.vector_load %arg6[%swap3A_382, %swap3A_383] {strides = array<i32>} : memref<64x768xf32, #tpu.memory_space<vmem>>, vector<1x16xf32>,
        %swap3A_385 = vector.shape_cast %swap3A_384 : vector<1x16xf32> to vector<16xf32>
        %swap3A_386 = vector.shape_cast %get3A_381 : vector<16xf32> to vector<1x16xf32>
        tpu.vector_store %arg6[%swap3A_382, %swap3A_383], %swap3A_386 {add = true, strides = array<i32>} : memref<64x768xf32, #tpu.memory_space<vmem>>, vector<1x16xf32>,
        %mul3A_387 = arith.constant 16 : i32
        %mul3A_388 = arith.muli %mul3A_387, %and3A_49 : i32
        %get3A_389 = arith.constant 0 : i32
        %get3A_390 = arith.index_cast %get3A_389 : i32 to index
        %get3A_391 = arith.constant 416 : index
        %get3A_392 = tpu.vector_load %arg5[%get3A_390, %get3A_391] {strides = array<i32>} : memref<16x768xf32, #tpu.memory_space<vmem>>, vector<1x16xf32>,
        %get3A_393 = vector.shape_cast %get3A_392 : vector<1x16xf32> to vector<16xf32>
        %swap3A_394 = arith.index_cast %mul3A_388 : i32 to index
        %swap3A_395 = arith.constant 416 : index
        %swap3A_396 = tpu.vector_load %arg6[%swap3A_394, %swap3A_395] {strides = array<i32>} : memref<64x768xf32, #tpu.memory_space<vmem>>, vector<1x16xf32>,
        %swap3A_397 = vector.shape_cast %swap3A_396 : vector<1x16xf32> to vector<16xf32>
        %swap3A_398 = vector.shape_cast %get3A_393 : vector<16xf32> to vector<1x16xf32>
        tpu.vector_store %arg6[%swap3A_394, %swap3A_395], %swap3A_398 {add = true, strides = array<i32>} : memref<64x768xf32, #tpu.memory_space<vmem>>, vector<1x16xf32>,
        %mul3A_399 = arith.constant 16 : i32
        %mul3A_400 = arith.muli %mul3A_399, %and3A_49 : i32
        %get3A_401 = arith.constant 0 : i32
        %get3A_402 = arith.index_cast %get3A_401 : i32 to index
        %get3A_403 = arith.constant 432 : index
        %get3A_404 = tpu.vector_load %arg5[%get3A_402, %get3A_403] {strides = array<i32>} : memref<16x768xf32, #tpu.memory_space<vmem>>, vector<1x16xf32>,
        %get3A_405 = vector.shape_cast %get3A_404 : vector<1x16xf32> to vector<16xf32>
        %swap3A_406 = arith.index_cast %mul3A_400 : i32 to index
        %swap3A_407 = arith.constant 432 : index
        %swap3A_408 = tpu.vector_load %arg6[%swap3A_406, %swap3A_407] {strides = array<i32>} : memref<64x768xf32, #tpu.memory_space<vmem>>, vector<1x16xf32>,
        %swap3A_409 = vector.shape_cast %swap3A_408 : vector<1x16xf32> to vector<16xf32>
        %swap3A_410 = vector.shape_cast %get3A_405 : vector<16xf32> to vector<1x16xf32>
        tpu.vector_store %arg6[%swap3A_406, %swap3A_407], %swap3A_410 {add = true, strides = array<i32>} : memref<64x768xf32, #tpu.memory_space<vmem>>, vector<1x16xf32>,
        %mul3A_411 = arith.constant 16 : i32
        %mul3A_412 = arith.muli %mul3A_411, %and3A_49 : i32
        %get3A_413 = arith.constant 0 : i32
        %get3A_414 = arith.index_cast %get3A_413 : i32 to index
        %get3A_415 = arith.constant 448 : index
        %get3A_416 = tpu.vector_load %arg5[%get3A_414, %get3A_415] {strides = array<i32>} : memref<16x768xf32, #tpu.memory_space<vmem>>, vector<1x16xf32>,
        %get3A_417 = vector.shape_cast %get3A_416 : vector<1x16xf32> to vector<16xf32>
        %swap3A_418 = arith.index_cast %mul3A_412 : i32 to index
        %swap3A_419 = arith.constant 448 : index
        %swap3A_420 = tpu.vector_load %arg6[%swap3A_418, %swap3A_419] {strides = array<i32>} : memref<64x768xf32, #tpu.memory_space<vmem>>, vector<1x16xf32>,
        %swap3A_421 = vector.shape_cast %swap3A_420 : vector<1x16xf32> to vector<16xf32>
        %swap3A_422 = vector.shape_cast %get3A_417 : vector<16xf32> to vector<1x16xf32>
        tpu.vector_store %arg6[%swap3A_418, %swap3A_419], %swap3A_422 {add = true, strides = array<i32>} : memref<64x768xf32, #tpu.memory_space<vmem>>, vector<1x16xf32>,
        %mul3A_423 = arith.constant 16 : i32
        %mul3A_424 = arith.muli %mul3A_423, %and3A_49 : i32
        %get3A_425 = arith.constant 0 : i32
        %get3A_426 = arith.index_cast %get3A_425 : i32 to index
        %get3A_427 = arith.constant 464 : index
        %get3A_428 = tpu.vector_load %arg5[%get3A_426, %get3A_427] {strides = array<i32>} : memref<16x768xf32, #tpu.memory_space<vmem>>, vector<1x16xf32>,
        %get3A_429 = vector.shape_cast %get3A_428 : vector<1x16xf32> to vector<16xf32>
        %swap3A_430 = arith.index_cast %mul3A_424 : i32 to index
        %swap3A_431 = arith.constant 464 : index
        %swap3A_432 = tpu.vector_load %arg6[%swap3A_430, %swap3A_431] {strides = array<i32>} : memref<64x768xf32, #tpu.memory_space<vmem>>, vector<1x16xf32>,
        %swap3A_433 = vector.shape_cast %swap3A_432 : vector<1x16xf32> to vector<16xf32>
        %swap3A_434 = vector.shape_cast %get3A_429 : vector<16xf32> to vector<1x16xf32>
        tpu.vector_store %arg6[%swap3A_430, %swap3A_431], %swap3A_434 {add = true, strides = array<i32>} : memref<64x768xf32, #tpu.memory_space<vmem>>, vector<1x16xf32>,
        %mul3A_435 = arith.constant 16 : i32
        %mul3A_436 = arith.muli %mul3A_435, %and3A_49 : i32
        %get3A_437 = arith.constant 0 : i32
        %get3A_438 = arith.index_cast %get3A_437 : i32 to index
        %get3A_439 = arith.constant 480 : index
        %get3A_440 = tpu.vector_load %arg5[%get3A_438, %get3A_439] {strides = array<i32>} : memref<16x768xf32, #tpu.memory_space<vmem>>, vector<1x16xf32>,
        %get3A_441 = vector.shape_cast %get3A_440 : vector<1x16xf32> to vector<16xf32>
        %swap3A_442 = arith.index_cast %mul3A_436 : i32 to index
        %swap3A_443 = arith.constant 480 : index
        %swap3A_444 = tpu.vector_load %arg6[%swap3A_442, %swap3A_443] {strides = array<i32>} : memref<64x768xf32, #tpu.memory_space<vmem>>, vector<1x16xf32>,
        %swap3A_445 = vector.shape_cast %swap3A_444 : vector<1x16xf32> to vector<16xf32>
        %swap3A_446 = vector.shape_cast %get3A_441 : vector<16xf32> to vector<1x16xf32>
        tpu.vector_store %arg6[%swap3A_442, %swap3A_443], %swap3A_446 {add = true, strides = array<i32>} : memref<64x768xf32, #tpu.memory_space<vmem>>, vector<1x16xf32>,
        %mul3A_447 = arith.constant 16 : i32
        %mul3A_448 = arith.muli %mul3A_447, %and3A_49 : i32
        %get3A_449 = arith.constant 0 : i32
        %get3A_450 = arith.index_cast %get3A_449 : i32 to index
        %get3A_451 = arith.constant 496 : index
        %get3A_452 = tpu.vector_load %arg5[%get3A_450, %get3A_451] {strides = array<i32>} : memref<16x768xf32, #tpu.memory_space<vmem>>, vector<1x16xf32>,
        %get3A_453 = vector.shape_cast %get3A_452 : vector<1x16xf32> to vector<16xf32>
        %swap3A_454 = arith.index_cast %mul3A_448 : i32 to index
        %swap3A_455 = arith.constant 496 : index
        %swap3A_456 = tpu.vector_load %arg6[%swap3A_454, %swap3A_455] {strides = array<i32>} : memref<64x768xf32, #tpu.memory_space<vmem>>, vector<1x16xf32>,
        %swap3A_457 = vector.shape_cast %swap3A_456 : vector<1x16xf32> to vector<16xf32>
        %swap3A_458 = vector.shape_cast %get3A_453 : vector<16xf32> to vector<1x16xf32>
        tpu.vector_store %arg6[%swap3A_454, %swap3A_455], %swap3A_458 {add = true, strides = array<i32>} : memref<64x768xf32, #tpu.memory_space<vmem>>, vector<1x16xf32>,
        %mul3A_459 = arith.constant 16 : i32
        %mul3A_460 = arith.muli %mul3A_459, %and3A_49 : i32
        %get3A_461 = arith.constant 0 : i32
        %get3A_462 = arith.index_cast %get3A_461 : i32 to index
        %get3A_463 = arith.constant 512 : index
        %get3A_464 = tpu.vector_load %arg5[%get3A_462, %get3A_463] {strides = array<i32>} : memref<16x768xf32, #tpu.memory_space<vmem>>, vector<1x16xf32>,
        %get3A_465 = vector.shape_cast %get3A_464 : vector<1x16xf32> to vector<16xf32>
        %swap3A_466 = arith.index_cast %mul3A_460 : i32 to index
        %swap3A_467 = arith.constant 512 : index
        %swap3A_468 = tpu.vector_load %arg6[%swap3A_466, %swap3A_467] {strides = array<i32>} : memref<64x768xf32, #tpu.memory_space<vmem>>, vector<1x16xf32>,
        %swap3A_469 = vector.shape_cast %swap3A_468 : vector<1x16xf32> to vector<16xf32>
        %swap3A_470 = vector.shape_cast %get3A_465 : vector<16xf32> to vector<1x16xf32>
        tpu.vector_store %arg6[%swap3A_466, %swap3A_467], %swap3A_470 {add = true, strides = array<i32>} : memref<64x768xf32, #tpu.memory_space<vmem>>, vector<1x16xf32>,
        %mul3A_471 = arith.constant 16 : i32
        %mul3A_472 = arith.muli %mul3A_471, %and3A_49 : i32
        %get3A_473 = arith.constant 0 : i32
        %get3A_474 = arith.index_cast %get3A_473 : i32 to index
        %get3A_475 = arith.constant 528 : index
        %get3A_476 = tpu.vector_load %arg5[%get3A_474, %get3A_475] {strides = array<i32>} : memref<16x768xf32, #tpu.memory_space<vmem>>, vector<1x16xf32>,
        %get3A_477 = vector.shape_cast %get3A_476 : vector<1x16xf32> to vector<16xf32>
        %swap3A_478 = arith.index_cast %mul3A_472 : i32 to index
        %swap3A_479 = arith.constant 528 : index
        %swap3A_480 = tpu.vector_load %arg6[%swap3A_478, %swap3A_479] {strides = array<i32>} : memref<64x768xf32, #tpu.memory_space<vmem>>, vector<1x16xf32>,
        %swap3A_481 = vector.shape_cast %swap3A_480 : vector<1x16xf32> to vector<16xf32>
        %swap3A_482 = vector.shape_cast %get3A_477 : vector<16xf32> to vector<1x16xf32>
        tpu.vector_store %arg6[%swap3A_478, %swap3A_479], %swap3A_482 {add = true, strides = array<i32>} : memref<64x768xf32, #tpu.memory_space<vmem>>, vector<1x16xf32>,
        %mul3A_483 = arith.constant 16 : i32
        %mul3A_484 = arith.muli %mul3A_483, %and3A_49 : i32
        %get3A_485 = arith.constant 0 : i32
        %get3A_486 = arith.index_cast %get3A_485 : i32 to index
        %get3A_487 = arith.constant 544 : index
        %get3A_488 = tpu.vector_load %arg5[%get3A_486, %get3A_487] {strides = array<i32>} : memref<16x768xf32, #tpu.memory_space<vmem>>, vector<1x16xf32>,
        %get3A_489 = vector.shape_cast %get3A_488 : vector<1x16xf32> to vector<16xf32>
        %swap3A_490 = arith.index_cast %mul3A_484 : i32 to index
        %swap3A_491 = arith.constant 544 : index
        %swap3A_492 = tpu.vector_load %arg6[%swap3A_490, %swap3A_491] {strides = array<i32>} : memref<64x768xf32, #tpu.memory_space<vmem>>, vector<1x16xf32>,
        %swap3A_493 = vector.shape_cast %swap3A_492 : vector<1x16xf32> to vector<16xf32>
        %swap3A_494 = vector.shape_cast %get3A_489 : vector<16xf32> to vector<1x16xf32>
        tpu.vector_store %arg6[%swap3A_490, %swap3A_491], %swap3A_494 {add = true, strides = array<i32>} : memref<64x768xf32, #tpu.memory_space<vmem>>, vector<1x16xf32>,
        %mul3A_495 = arith.constant 16 : i32
        %mul3A_496 = arith.muli %mul3A_495, %and3A_49 : i32
        %get3A_497 = arith.constant 0 : i32
        %get3A_498 = arith.index_cast %get3A_497 : i32 to index
        %get3A_499 = arith.constant 560 : index
        %get3A_500 = tpu.vector_load %arg5[%get3A_498, %get3A_499] {strides = array<i32>} : memref<16x768xf32, #tpu.memory_space<vmem>>, vector<1x16xf32>,
        %get3A_501 = vector.shape_cast %get3A_500 : vector<1x16xf32> to vector<16xf32>
        %swap3A_502 = arith.index_cast %mul3A_496 : i32 to index
        %swap3A_503 = arith.constant 560 : index
        %swap3A_504 = tpu.vector_load %arg6[%swap3A_502, %swap3A_503] {strides = array<i32>} : memref<64x768xf32, #tpu.memory_space<vmem>>, vector<1x16xf32>,
        %swap3A_505 = vector.shape_cast %swap3A_504 : vector<1x16xf32> to vector<16xf32>
        %swap3A_506 = vector.shape_cast %get3A_501 : vector<16xf32> to vector<1x16xf32>
        tpu.vector_store %arg6[%swap3A_502, %swap3A_503], %swap3A_506 {add = true, strides = array<i32>} : memref<64x768xf32, #tpu.memory_space<vmem>>, vector<1x16xf32>,
        %mul3A_507 = arith.constant 16 : i32
        %mul3A_508 = arith.muli %mul3A_507, %and3A_49 : i32
        %get3A_509 = arith.constant 0 : i32
        %get3A_510 = arith.index_cast %get3A_509 : i32 to index
        %get3A_511 = arith.constant 576 : index
        %get3A_512 = tpu.vector_load %arg5[%get3A_510, %get3A_511] {strides = array<i32>} : memref<16x768xf32, #tpu.memory_space<vmem>>, vector<1x16xf32>,
        %get3A_513 = vector.shape_cast %get3A_512 : vector<1x16xf32> to vector<16xf32>
        %swap3A_514 = arith.index_cast %mul3A_508 : i32 to index
        %swap3A_515 = arith.constant 576 : index
        %swap3A_516 = tpu.vector_load %arg6[%swap3A_514, %swap3A_515] {strides = array<i32>} : memref<64x768xf32, #tpu.memory_space<vmem>>, vector<1x16xf32>,
        %swap3A_517 = vector.shape_cast %swap3A_516 : vector<1x16xf32> to vector<16xf32>
        %swap3A_518 = vector.shape_cast %get3A_513 : vector<16xf32> to vector<1x16xf32>
        tpu.vector_store %arg6[%swap3A_514, %swap3A_515], %swap3A_518 {add = true, strides = array<i32>} : memref<64x768xf32, #tpu.memory_space<vmem>>, vector<1x16xf32>,
        %mul3A_519 = arith.constant 16 : i32
        %mul3A_520 = arith.muli %mul3A_519, %and3A_49 : i32
        %get3A_521 = arith.constant 0 : i32
        %get3A_522 = arith.index_cast %get3A_521 : i32 to index
        %get3A_523 = arith.constant 592 : index
        %get3A_524 = tpu.vector_load %arg5[%get3A_522, %get3A_523] {strides = array<i32>} : memref<16x768xf32, #tpu.memory_space<vmem>>, vector<1x16xf32>,
        %get3A_525 = vector.shape_cast %get3A_524 : vector<1x16xf32> to vector<16xf32>
        %swap3A_526 = arith.index_cast %mul3A_520 : i32 to index
        %swap3A_527 = arith.constant 592 : index
        %swap3A_528 = tpu.vector_load %arg6[%swap3A_526, %swap3A_527] {strides = array<i32>} : memref<64x768xf32, #tpu.memory_space<vmem>>, vector<1x16xf32>,
        %swap3A_529 = vector.shape_cast %swap3A_528 : vector<1x16xf32> to vector<16xf32>
        %swap3A_530 = vector.shape_cast %get3A_525 : vector<16xf32> to vector<1x16xf32>
        tpu.vector_store %arg6[%swap3A_526, %swap3A_527], %swap3A_530 {add = true, strides = array<i32>} : memref<64x768xf32, #tpu.memory_space<vmem>>, vector<1x16xf32>,
        %mul3A_531 = arith.constant 16 : i32
        %mul3A_532 = arith.muli %mul3A_531, %and3A_49 : i32
        %get3A_533 = arith.constant 0 : i32
        %get3A_534 = arith.index_cast %get3A_533 : i32 to index
        %get3A_535 = arith.constant 608 : index
        %get3A_536 = tpu.vector_load %arg5[%get3A_534, %get3A_535] {strides = array<i32>} : memref<16x768xf32, #tpu.memory_space<vmem>>, vector<1x16xf32>,
        %get3A_537 = vector.shape_cast %get3A_536 : vector<1x16xf32> to vector<16xf32>
        %swap3A_538 = arith.index_cast %mul3A_532 : i32 to index
        %swap3A_539 = arith.constant 608 : index
        %swap3A_540 = tpu.vector_load %arg6[%swap3A_538, %swap3A_539] {strides = array<i32>} : memref<64x768xf32, #tpu.memory_space<vmem>>, vector<1x16xf32>,
        %swap3A_541 = vector.shape_cast %swap3A_540 : vector<1x16xf32> to vector<16xf32>
        %swap3A_542 = vector.shape_cast %get3A_537 : vector<16xf32> to vector<1x16xf32>
        tpu.vector_store %arg6[%swap3A_538, %swap3A_539], %swap3A_542 {add = true, strides = array<i32>} : memref<64x768xf32, #tpu.memory_space<vmem>>, vector<1x16xf32>,
        %mul3A_543 = arith.constant 16 : i32
        %mul3A_544 = arith.muli %mul3A_543, %and3A_49 : i32
        %get3A_545 = arith.constant 0 : i32
        %get3A_546 = arith.index_cast %get3A_545 : i32 to index
        %get3A_547 = arith.constant 624 : index
        %get3A_548 = tpu.vector_load %arg5[%get3A_546, %get3A_547] {strides = array<i32>} : memref<16x768xf32, #tpu.memory_space<vmem>>, vector<1x16xf32>,
        %get3A_549 = vector.shape_cast %get3A_548 : vector<1x16xf32> to vector<16xf32>
        %swap3A_550 = arith.index_cast %mul3A_544 : i32 to index
        %swap3A_551 = arith.constant 624 : index
        %swap3A_552 = tpu.vector_load %arg6[%swap3A_550, %swap3A_551] {strides = array<i32>} : memref<64x768xf32, #tpu.memory_space<vmem>>, vector<1x16xf32>,
        %swap3A_553 = vector.shape_cast %swap3A_552 : vector<1x16xf32> to vector<16xf32>
        %swap3A_554 = vector.shape_cast %get3A_549 : vector<16xf32> to vector<1x16xf32>
        tpu.vector_store %arg6[%swap3A_550, %swap3A_551], %swap3A_554 {add = true, strides = array<i32>} : memref<64x768xf32, #tpu.memory_space<vmem>>, vector<1x16xf32>,
        %mul3A_555 = arith.constant 16 : i32
        %mul3A_556 = arith.muli %mul3A_555, %and3A_49 : i32
        %get3A_557 = arith.constant 0 : i32
        %get3A_558 = arith.index_cast %get3A_557 : i32 to index
        %get3A_559 = arith.constant 640 : index
        %get3A_560 = tpu.vector_load %arg5[%get3A_558, %get3A_559] {strides = array<i32>} : memref<16x768xf32, #tpu.memory_space<vmem>>, vector<1x16xf32>,
        %get3A_561 = vector.shape_cast %get3A_560 : vector<1x16xf32> to vector<16xf32>
        %swap3A_562 = arith.index_cast %mul3A_556 : i32 to index
        %swap3A_563 = arith.constant 640 : index
        %swap3A_564 = tpu.vector_load %arg6[%swap3A_562, %swap3A_563] {strides = array<i32>} : memref<64x768xf32, #tpu.memory_space<vmem>>, vector<1x16xf32>,
        %swap3A_565 = vector.shape_cast %swap3A_564 : vector<1x16xf32> to vector<16xf32>
        %swap3A_566 = vector.shape_cast %get3A_561 : vector<16xf32> to vector<1x16xf32>
        tpu.vector_store %arg6[%swap3A_562, %swap3A_563], %swap3A_566 {add = true, strides = array<i32>} : memref<64x768xf32, #tpu.memory_space<vmem>>, vector<1x16xf32>,
        %mul3A_567 = arith.constant 16 : i32
        %mul3A_568 = arith.muli %mul3A_567, %and3A_49 : i32
        %get3A_569 = arith.constant 0 : i32
        %get3A_570 = arith.index_cast %get3A_569 : i32 to index
        %get3A_571 = arith.constant 656 : index
        %get3A_572 = tpu.vector_load %arg5[%get3A_570, %get3A_571] {strides = array<i32>} : memref<16x768xf32, #tpu.memory_space<vmem>>, vector<1x16xf32>,
        %get3A_573 = vector.shape_cast %get3A_572 : vector<1x16xf32> to vector<16xf32>
        %swap3A_574 = arith.index_cast %mul3A_568 : i32 to index
        %swap3A_575 = arith.constant 656 : index
        %swap3A_576 = tpu.vector_load %arg6[%swap3A_574, %swap3A_575] {strides = array<i32>} : memref<64x768xf32, #tpu.memory_space<vmem>>, vector<1x16xf32>,
        %swap3A_577 = vector.shape_cast %swap3A_576 : vector<1x16xf32> to vector<16xf32>
        %swap3A_578 = vector.shape_cast %get3A_573 : vector<16xf32> to vector<1x16xf32>
        tpu.vector_store %arg6[%swap3A_574, %swap3A_575], %swap3A_578 {add = true, strides = array<i32>} : memref<64x768xf32, #tpu.memory_space<vmem>>, vector<1x16xf32>,
        %mul3A_579 = arith.constant 16 : i32
        %mul3A_580 = arith.muli %mul3A_579, %and3A_49 : i32
        %get3A_581 = arith.constant 0 : i32
        %get3A_582 = arith.index_cast %get3A_581 : i32 to index
        %get3A_583 = arith.constant 672 : index
        %get3A_584 = tpu.vector_load %arg5[%get3A_582, %get3A_583] {strides = array<i32>} : memref<16x768xf32, #tpu.memory_space<vmem>>, vector<1x16xf32>,
        %get3A_585 = vector.shape_cast %get3A_584 : vector<1x16xf32> to vector<16xf32>
        %swap3A_586 = arith.index_cast %mul3A_580 : i32 to index
        %swap3A_587 = arith.constant 672 : index
        %swap3A_588 = tpu.vector_load %arg6[%swap3A_586, %swap3A_587] {strides = array<i32>} : memref<64x768xf32, #tpu.memory_space<vmem>>, vector<1x16xf32>,
        %swap3A_589 = vector.shape_cast %swap3A_588 : vector<1x16xf32> to vector<16xf32>
        %swap3A_590 = vector.shape_cast %get3A_585 : vector<16xf32> to vector<1x16xf32>
        tpu.vector_store %arg6[%swap3A_586, %swap3A_587], %swap3A_590 {add = true, strides = array<i32>} : memref<64x768xf32, #tpu.memory_space<vmem>>, vector<1x16xf32>,
        %mul3A_591 = arith.constant 16 : i32
        %mul3A_592 = arith.muli %mul3A_591, %and3A_49 : i32
        %get3A_593 = arith.constant 0 : i32
        %get3A_594 = arith.index_cast %get3A_593 : i32 to index
        %get3A_595 = arith.constant 688 : index
        %get3A_596 = tpu.vector_load %arg5[%get3A_594, %get3A_595] {strides = array<i32>} : memref<16x768xf32, #tpu.memory_space<vmem>>, vector<1x16xf32>,
        %get3A_597 = vector.shape_cast %get3A_596 : vector<1x16xf32> to vector<16xf32>
        %swap3A_598 = arith.index_cast %mul3A_592 : i32 to index
        %swap3A_599 = arith.constant 688 : index
        %swap3A_600 = tpu.vector_load %arg6[%swap3A_598, %swap3A_599] {strides = array<i32>} : memref<64x768xf32, #tpu.memory_space<vmem>>, vector<1x16xf32>,
        %swap3A_601 = vector.shape_cast %swap3A_600 : vector<1x16xf32> to vector<16xf32>
        %swap3A_602 = vector.shape_cast %get3A_597 : vector<16xf32> to vector<1x16xf32>
        tpu.vector_store %arg6[%swap3A_598, %swap3A_599], %swap3A_602 {add = true, strides = array<i32>} : memref<64x768xf32, #tpu.memory_space<vmem>>, vector<1x16xf32>,
        %mul3A_603 = arith.constant 16 : i32
        %mul3A_604 = arith.muli %mul3A_603, %and3A_49 : i32
        %get3A_605 = arith.constant 0 : i32
        %get3A_606 = arith.index_cast %get3A_605 : i32 to index
        %get3A_607 = arith.constant 704 : index
        %get3A_608 = tpu.vector_load %arg5[%get3A_606, %get3A_607] {strides = array<i32>} : memref<16x768xf32, #tpu.memory_space<vmem>>, vector<1x16xf32>,
        %get3A_609 = vector.shape_cast %get3A_608 : vector<1x16xf32> to vector<16xf32>
        %swap3A_610 = arith.index_cast %mul3A_604 : i32 to index
        %swap3A_611 = arith.constant 704 : index
        %swap3A_612 = tpu.vector_load %arg6[%swap3A_610, %swap3A_611] {strides = array<i32>} : memref<64x768xf32, #tpu.memory_space<vmem>>, vector<1x16xf32>,
        %swap3A_613 = vector.shape_cast %swap3A_612 : vector<1x16xf32> to vector<16xf32>
        %swap3A_614 = vector.shape_cast %get3A_609 : vector<16xf32> to vector<1x16xf32>
        tpu.vector_store %arg6[%swap3A_610, %swap3A_611], %swap3A_614 {add = true, strides = array<i32>} : memref<64x768xf32, #tpu.memory_space<vmem>>, vector<1x16xf32>,
        %mul3A_615 = arith.constant 16 : i32
        %mul3A_616 = arith.muli %mul3A_615, %and3A_49 : i32
        %get3A_617 = arith.constant 0 : i32
        %get3A_618 = arith.index_cast %get3A_617 : i32 to index
        %get3A_619 = arith.constant 720 : index
        %get3A_620 = tpu.vector_load %arg5[%get3A_618, %get3A_619] {strides = array<i32>} : memref<16x768xf32, #tpu.memory_space<vmem>>, vector<1x16xf32>,
        %get3A_621 = vector.shape_cast %get3A_620 : vector<1x16xf32> to vector<16xf32>
        %swap3A_622 = arith.index_cast %mul3A_616 : i32 to index
        %swap3A_623 = arith.constant 720 : index
        %swap3A_624 = tpu.vector_load %arg6[%swap3A_622, %swap3A_623] {strides = array<i32>} : memref<64x768xf32, #tpu.memory_space<vmem>>, vector<1x16xf32>,
        %swap3A_625 = vector.shape_cast %swap3A_624 : vector<1x16xf32> to vector<16xf32>
        %swap3A_626 = vector.shape_cast %get3A_621 : vector<16xf32> to vector<1x16xf32>
        tpu.vector_store %arg6[%swap3A_622, %swap3A_623], %swap3A_626 {add = true, strides = array<i32>} : memref<64x768xf32, #tpu.memory_space<vmem>>, vector<1x16xf32>,
        %mul3A_627 = arith.constant 16 : i32
        %mul3A_628 = arith.muli %mul3A_627, %and3A_49 : i32
        %get3A_629 = arith.constant 0 : i32
        %get3A_630 = arith.index_cast %get3A_629 : i32 to index
        %get3A_631 = arith.constant 736 : index
        %get3A_632 = tpu.vector_load %arg5[%get3A_630, %get3A_631] {strides = array<i32>} : memref<16x768xf32, #tpu.memory_space<vmem>>, vector<1x16xf32>,
        %get3A_633 = vector.shape_cast %get3A_632 : vector<1x16xf32> to vector<16xf32>
        %swap3A_634 = arith.index_cast %mul3A_628 : i32 to index
        %swap3A_635 = arith.constant 736 : index
        %swap3A_636 = tpu.vector_load %arg6[%swap3A_634, %swap3A_635] {strides = array<i32>} : memref<64x768xf32, #tpu.memory_space<vmem>>, vector<1x16xf32>,
        %swap3A_637 = vector.shape_cast %swap3A_636 : vector<1x16xf32> to vector<16xf32>
        %swap3A_638 = vector.shape_cast %get3A_633 : vector<16xf32> to vector<1x16xf32>
        tpu.vector_store %arg6[%swap3A_634, %swap3A_635], %swap3A_638 {add = true, strides = array<i32>} : memref<64x768xf32, #tpu.memory_space<vmem>>, vector<1x16xf32>,
        %mul3A_639 = arith.constant 16 : i32
        %mul3A_640 = arith.muli %mul3A_639, %and3A_49 : i32
        %get3A_641 = arith.constant 0 : i32
        %get3A_642 = arith.index_cast %get3A_641 : i32 to index
        %get3A_643 = arith.constant 752 : index
        %get3A_644 = tpu.vector_load %arg5[%get3A_642, %get3A_643] {strides = array<i32>} : memref<16x768xf32, #tpu.memory_space<vmem>>, vector<1x16xf32>,
        %get3A_645 = vector.shape_cast %get3A_644 : vector<1x16xf32> to vector<16xf32>
        %swap3A_646 = arith.index_cast %mul3A_640 : i32 to index
        %swap3A_647 = arith.constant 752 : index
        %swap3A_648 = tpu.vector_load %arg6[%swap3A_646, %swap3A_647] {strides = array<i32>} : memref<64x768xf32, #tpu.memory_space<vmem>>, vector<1x16xf32>,
        %swap3A_649 = vector.shape_cast %swap3A_648 : vector<1x16xf32> to vector<16xf32>
        %swap3A_650 = vector.shape_cast %get3A_645 : vector<16xf32> to vector<1x16xf32>
        tpu.vector_store %arg6[%swap3A_646, %swap3A_647], %swap3A_650 {add = true, strides = array<i32>} : memref<64x768xf32, #tpu.memory_space<vmem>>, vector<1x16xf32>,
        %add3A_651 = arith.constant 2 : i32
        %add3A_652 = arith.addi %while3A_48, %add3A_651 : i32
        %lt3A_653 = arith.cmpi slt, %add3A_652, %mul3A_4 : i32
        %convert_element_type3A_654 = arith.extui %lt3A_653 : i1 to i32
        %cond3A_655 = arith.constant 0 : i32
        %cond3A_656 = arith.cmpi ne, %convert_element_type3A_654, %cond3A_655 : i32
        scf.if %cond3A_656 {
          %add3A_657 = arith.constant 2 : i32
          %add3A_658 = arith.addi %while3A_48, %add3A_657 : i32
          %shift_right_arithmetic3A_659 = arith.constant 2 : i32
          %shift_right_arithmetic3A_660 = arith.shrsi %add3A_658, %shift_right_arithmetic3A_659 : i32
          %add3A_661 = arith.constant 1 : i32
          %add3A_662 = arith.addi %shift_right_arithmetic3A_660, %add3A_661 : i32
          %and3A_663 = arith.constant 3 : i32
          %and3A_664 = arith.andi %add3A_658, %and3A_663 : i32
          %mul3A_665 = arith.constant 32 : i32
          %mul3A_666 = arith.muli %mul3A_665, %add3A_662 : i32
          %add3A_667 = arith.addi %mul3A_666, %add3A : i32
          %mul3A_668 = arith.constant 16 : i32
          %mul3A_669 = arith.muli %mul3A_668, %and3A_664 : i32
          %dma_start3A_670 = arith.constant 0 : i32
          %dma_start3A_671 = tpu.memref_slice %arg2[%add3A_667, %mul3A_669, %dma_start3A_670] : memref<196x64x768xf32, #tpu.memory_space<hbm>> -> memref<1x16x768xf32, #tpu.memory_space<hbm>>
          %dma_start3A_672 = tpu.memref_squeeze %dma_start3A_671 : memref<1x16x768xf32, #tpu.memory_space<hbm>> -> memref<16x768xf32, #tpu.memory_space<hbm>>
          %dma_start3A_673 = arith.constant 0 : i32
          %dma_start3A_674 = tpu.memref_slice %arg2[%add3A_667, %mul3A_669, %dma_start3A_673] : memref<196x64x768xf32, #tpu.memory_space<hbm>> -> memref<1x16x768xf32, #tpu.memory_space<hbm>>
          %dma_start3A_675 = tpu.memref_squeeze %dma_start3A_674 : memref<1x16x768xf32, #tpu.memory_space<hbm>> -> memref<16x768xf32, #tpu.memory_space<hbm>>
          tpu.enqueue_dma source(%dma_start3A_675 : memref<16x768xf32, #tpu.memory_space<hbm>>) target(%arg5 : memref<16x768xf32, #tpu.memory_space<vmem>>) target_semaphore(%arg8 : memref<!tpu.dma_semaphore, #tpu.memory_space<semaphore_mem>>)
        } else {
        }
      } else {
      }
    }
    %while3A_47 = arith.constant 1 : i32
    scf.for %while3A_48 = %while3A_45 to %while3A_41 step %while3A_47  : i32 {
      %and3A = arith.constant 3 : i32
      %and3A_49 = arith.andi %while3A_48, %and3A : i32
      %and3A_50 = arith.constant 1 : i32
      %and3A_51 = arith.andi %while3A_48, %and3A_50 : i32
      %eq3A = arith.constant 0 : i32
      %eq3A_52 = arith.cmpi eq, %and3A_51, %eq3A : i32
      %convert_element_type3A = arith.extui %eq3A_52 : i1 to i32
      %cond3A = arith.constant 0 : i32
      %cond3A_53 = arith.cmpi ne, %convert_element_type3A, %cond3A : i32
      scf.if %cond3A_53 {
        %shift_right_arithmetic3A = arith.constant 2 : i32
        %shift_right_arithmetic3A_61 = arith.shrsi %while3A_48, %shift_right_arithmetic3A : i32
        %add3A_62 = arith.constant 1 : i32
        %add3A_63 = arith.addi %shift_right_arithmetic3A_61, %add3A_62 : i32
        %and3A_64 = arith.constant 3 : i32
        %and3A_65 = arith.andi %while3A_48, %and3A_64 : i32
        %mul3A_66 = arith.constant 32 : i32
        %mul3A_67 = arith.muli %mul3A_66, %add3A_63 : i32
        %add3A_68 = arith.addi %mul3A_67, %add3A : i32
        %mul3A_69 = arith.constant 16 : i32
        %mul3A_70 = arith.muli %mul3A_69, %and3A_65 : i32
        %dma_wait3A_71 = arith.constant 0 : i32
        %dma_wait3A_72 = tpu.memref_slice %arg2[%add3A_68, %mul3A_70, %dma_wait3A_71] : memref<196x64x768xf32, #tpu.memory_space<hbm>> -> memref<1x16x768xf32, #tpu.memory_space<hbm>>
        %dma_wait3A_73 = tpu.memref_squeeze %dma_wait3A_72 : memref<1x16x768xf32, #tpu.memory_space<hbm>> -> memref<16x768xf32, #tpu.memory_space<hbm>>
        %dma_wait3A_74 = arith.constant 0 : i32
        %dma_wait3A_75 = tpu.memref_slice %arg2[%add3A_68, %mul3A_70, %dma_wait3A_74] : memref<196x64x768xf32, #tpu.memory_space<hbm>> -> memref<1x16x768xf32, #tpu.memory_space<hbm>>
        %dma_wait3A_76 = tpu.memref_squeeze %dma_wait3A_75 : memref<1x16x768xf32, #tpu.memory_space<hbm>> -> memref<16x768xf32, #tpu.memory_space<hbm>>
        tpu.wait_dma2 semaphore(%arg7 : memref<!tpu.dma_semaphore, #tpu.memory_space<semaphore_mem>>) src(%dma_wait3A_76 : memref<16x768xf32, #tpu.memory_space<hbm>>) dst(%arg4 : memref<16x768xf32, #tpu.memory_space<vmem>>)
        %mul3A_77 = arith.constant 16 : i32
        %mul3A_78 = arith.muli %mul3A_77, %and3A_49 : i32
        %get3A = arith.constant 0 : i32
        %get3A_79 = arith.index_cast %get3A : i32 to index
        %get3A_80 = arith.constant 0 : index
        %get3A_81 = tpu.vector_load %arg4[%get3A_79, %get3A_80] {strides = array<i32>} : memref<16x768xf32, #tpu.memory_space<vmem>>, vector<1x16xf32>,
        %get3A_82 = vector.shape_cast %get3A_81 : vector<1x16xf32> to vector<16xf32>
        %swap3A = arith.index_cast %mul3A_78 : i32 to index
        %swap3A_83 = arith.constant 0 : index
        %swap3A_84 = tpu.vector_load %arg6[%swap3A, %swap3A_83] {strides = array<i32>} : memref<64x768xf32, #tpu.memory_space<vmem>>, vector<1x16xf32>,
        %swap3A_85 = vector.shape_cast %swap3A_84 : vector<1x16xf32> to vector<16xf32>
        %swap3A_86 = vector.shape_cast %get3A_82 : vector<16xf32> to vector<1x16xf32>
        tpu.vector_store %arg6[%swap3A, %swap3A_83], %swap3A_86 {add = true, strides = array<i32>} : memref<64x768xf32, #tpu.memory_space<vmem>>, vector<1x16xf32>,
        %mul3A_87 = arith.constant 16 : i32
        %mul3A_88 = arith.muli %mul3A_87, %and3A_49 : i32
        %get3A_89 = arith.constant 0 : i32
        %get3A_90 = arith.index_cast %get3A_89 : i32 to index
        %get3A_91 = arith.constant 16 : index
        %get3A_92 = tpu.vector_load %arg4[%get3A_90, %get3A_91] {strides = array<i32>} : memref<16x768xf32, #tpu.memory_space<vmem>>, vector<1x16xf32>,
        %get3A_93 = vector.shape_cast %get3A_92 : vector<1x16xf32> to vector<16xf32>
        %swap3A_94 = arith.index_cast %mul3A_88 : i32 to index
        %swap3A_95 = arith.constant 16 : index
        %swap3A_96 = tpu.vector_load %arg6[%swap3A_94, %swap3A_95] {strides = array<i32>} : memref<64x768xf32, #tpu.memory_space<vmem>>, vector<1x16xf32>,
        %swap3A_97 = vector.shape_cast %swap3A_96 : vector<1x16xf32> to vector<16xf32>
        %swap3A_98 = vector.shape_cast %get3A_93 : vector<16xf32> to vector<1x16xf32>
        tpu.vector_store %arg6[%swap3A_94, %swap3A_95], %swap3A_98 {add = true, strides = array<i32>} : memref<64x768xf32, #tpu.memory_space<vmem>>, vector<1x16xf32>,
        %mul3A_99 = arith.constant 16 : i32
        %mul3A_100 = arith.muli %mul3A_99, %and3A_49 : i32
        %get3A_101 = arith.constant 0 : i32
        %get3A_102 = arith.index_cast %get3A_101 : i32 to index
        %get3A_103 = arith.constant 32 : index
        %get3A_104 = tpu.vector_load %arg4[%get3A_102, %get3A_103] {strides = array<i32>} : memref<16x768xf32, #tpu.memory_space<vmem>>, vector<1x16xf32>,
        %get3A_105 = vector.shape_cast %get3A_104 : vector<1x16xf32> to vector<16xf32>
        %swap3A_106 = arith.index_cast %mul3A_100 : i32 to index
        %swap3A_107 = arith.constant 32 : index
        %swap3A_108 = tpu.vector_load %arg6[%swap3A_106, %swap3A_107] {strides = array<i32>} : memref<64x768xf32, #tpu.memory_space<vmem>>, vector<1x16xf32>,
        %swap3A_109 = vector.shape_cast %swap3A_108 : vector<1x16xf32> to vector<16xf32>
        %swap3A_110 = vector.shape_cast %get3A_105 : vector<16xf32> to vector<1x16xf32>
        tpu.vector_store %arg6[%swap3A_106, %swap3A_107], %swap3A_110 {add = true, strides = array<i32>} : memref<64x768xf32, #tpu.memory_space<vmem>>, vector<1x16xf32>,
        %mul3A_111 = arith.constant 16 : i32
        %mul3A_112 = arith.muli %mul3A_111, %and3A_49 : i32
        %get3A_113 = arith.constant 0 : i32
        %get3A_114 = arith.index_cast %get3A_113 : i32 to index
        %get3A_115 = arith.constant 48 : index
        %get3A_116 = tpu.vector_load %arg4[%get3A_114, %get3A_115] {strides = array<i32>} : memref<16x768xf32, #tpu.memory_space<vmem>>, vector<1x16xf32>,
        %get3A_117 = vector.shape_cast %get3A_116 : vector<1x16xf32> to vector<16xf32>
        %swap3A_118 = arith.index_cast %mul3A_112 : i32 to index
        %swap3A_119 = arith.constant 48 : index
        %swap3A_120 = tpu.vector_load %arg6[%swap3A_118, %swap3A_119] {strides = array<i32>} : memref<64x768xf32, #tpu.memory_space<vmem>>, vector<1x16xf32>,
        %swap3A_121 = vector.shape_cast %swap3A_120 : vector<1x16xf32> to vector<16xf32>
        %swap3A_122 = vector.shape_cast %get3A_117 : vector<16xf32> to vector<1x16xf32>
        tpu.vector_store %arg6[%swap3A_118, %swap3A_119], %swap3A_122 {add = true, strides = array<i32>} : memref<64x768xf32, #tpu.memory_space<vmem>>, vector<1x16xf32>,
        %mul3A_123 = arith.constant 16 : i32
        %mul3A_124 = arith.muli %mul3A_123, %and3A_49 : i32
        %get3A_125 = arith.constant 0 : i32
        %get3A_126 = arith.index_cast %get3A_125 : i32 to index
        %get3A_127 = arith.constant 64 : index
        %get3A_128 = tpu.vector_load %arg4[%get3A_126, %get3A_127] {strides = array<i32>} : memref<16x768xf32, #tpu.memory_space<vmem>>, vector<1x16xf32>,
        %get3A_129 = vector.shape_cast %get3A_128 : vector<1x16xf32> to vector<16xf32>
        %swap3A_130 = arith.index_cast %mul3A_124 : i32 to index
        %swap3A_131 = arith.constant 64 : index
        %swap3A_132 = tpu.vector_load %arg6[%swap3A_130, %swap3A_131] {strides = array<i32>} : memref<64x768xf32, #tpu.memory_space<vmem>>, vector<1x16xf32>,
        %swap3A_133 = vector.shape_cast %swap3A_132 : vector<1x16xf32> to vector<16xf32>
        %swap3A_134 = vector.shape_cast %get3A_129 : vector<16xf32> to vector<1x16xf32>
        tpu.vector_store %arg6[%swap3A_130, %swap3A_131], %swap3A_134 {add = true, strides = array<i32>} : memref<64x768xf32, #tpu.memory_space<vmem>>, vector<1x16xf32>,
        %mul3A_135 = arith.constant 16 : i32
        %mul3A_136 = arith.muli %mul3A_135, %and3A_49 : i32
        %get3A_137 = arith.constant 0 : i32
        %get3A_138 = arith.index_cast %get3A_137 : i32 to index
        %get3A_139 = arith.constant 80 : index
        %get3A_140 = tpu.vector_load %arg4[%get3A_138, %get3A_139] {strides = array<i32>} : memref<16x768xf32, #tpu.memory_space<vmem>>, vector<1x16xf32>,
        %get3A_141 = vector.shape_cast %get3A_140 : vector<1x16xf32> to vector<16xf32>
        %swap3A_142 = arith.index_cast %mul3A_136 : i32 to index
        %swap3A_143 = arith.constant 80 : index
        %swap3A_144 = tpu.vector_load %arg6[%swap3A_142, %swap3A_143] {strides = array<i32>} : memref<64x768xf32, #tpu.memory_space<vmem>>, vector<1x16xf32>,
        %swap3A_145 = vector.shape_cast %swap3A_144 : vector<1x16xf32> to vector<16xf32>
        %swap3A_146 = vector.shape_cast %get3A_141 : vector<16xf32> to vector<1x16xf32>
        tpu.vector_store %arg6[%swap3A_142, %swap3A_143], %swap3A_146 {add = true, strides = array<i32>} : memref<64x768xf32, #tpu.memory_space<vmem>>, vector<1x16xf32>,
        %mul3A_147 = arith.constant 16 : i32
        %mul3A_148 = arith.muli %mul3A_147, %and3A_49 : i32
        %get3A_149 = arith.constant 0 : i32
        %get3A_150 = arith.index_cast %get3A_149 : i32 to index
        %get3A_151 = arith.constant 96 : index
        %get3A_152 = tpu.vector_load %arg4[%get3A_150, %get3A_151] {strides = array<i32>} : memref<16x768xf32, #tpu.memory_space<vmem>>, vector<1x16xf32>,
        %get3A_153 = vector.shape_cast %get3A_152 : vector<1x16xf32> to vector<16xf32>
        %swap3A_154 = arith.index_cast %mul3A_148 : i32 to index
        %swap3A_155 = arith.constant 96 : index
        %swap3A_156 = tpu.vector_load %arg6[%swap3A_154, %swap3A_155] {strides = array<i32>} : memref<64x768xf32, #tpu.memory_space<vmem>>, vector<1x16xf32>,
        %swap3A_157 = vector.shape_cast %swap3A_156 : vector<1x16xf32> to vector<16xf32>
        %swap3A_158 = vector.shape_cast %get3A_153 : vector<16xf32> to vector<1x16xf32>
        tpu.vector_store %arg6[%swap3A_154, %swap3A_155], %swap3A_158 {add = true, strides = array<i32>} : memref<64x768xf32, #tpu.memory_space<vmem>>, vector<1x16xf32>,
        %mul3A_159 = arith.constant 16 : i32
        %mul3A_160 = arith.muli %mul3A_159, %and3A_49 : i32
        %get3A_161 = arith.constant 0 : i32
        %get3A_162 = arith.index_cast %get3A_161 : i32 to index
        %get3A_163 = arith.constant 112 : index
        %get3A_164 = tpu.vector_load %arg4[%get3A_162, %get3A_163] {strides = array<i32>} : memref<16x768xf32, #tpu.memory_space<vmem>>, vector<1x16xf32>,
        %get3A_165 = vector.shape_cast %get3A_164 : vector<1x16xf32> to vector<16xf32>
        %swap3A_166 = arith.index_cast %mul3A_160 : i32 to index
        %swap3A_167 = arith.constant 112 : index
        %swap3A_168 = tpu.vector_load %arg6[%swap3A_166, %swap3A_167] {strides = array<i32>} : memref<64x768xf32, #tpu.memory_space<vmem>>, vector<1x16xf32>,
        %swap3A_169 = vector.shape_cast %swap3A_168 : vector<1x16xf32> to vector<16xf32>
        %swap3A_170 = vector.shape_cast %get3A_165 : vector<16xf32> to vector<1x16xf32>
        tpu.vector_store %arg6[%swap3A_166, %swap3A_167], %swap3A_170 {add = true, strides = array<i32>} : memref<64x768xf32, #tpu.memory_space<vmem>>, vector<1x16xf32>,
        %mul3A_171 = arith.constant 16 : i32
        %mul3A_172 = arith.muli %mul3A_171, %and3A_49 : i32
        %get3A_173 = arith.constant 0 : i32
        %get3A_174 = arith.index_cast %get3A_173 : i32 to index
        %get3A_175 = arith.constant 128 : index
        %get3A_176 = tpu.vector_load %arg4[%get3A_174, %get3A_175] {strides = array<i32>} : memref<16x768xf32, #tpu.memory_space<vmem>>, vector<1x16xf32>,
        %get3A_177 = vector.shape_cast %get3A_176 : vector<1x16xf32> to vector<16xf32>
        %swap3A_178 = arith.index_cast %mul3A_172 : i32 to index
        %swap3A_179 = arith.constant 128 : index
        %swap3A_180 = tpu.vector_load %arg6[%swap3A_178, %swap3A_179] {strides = array<i32>} : memref<64x768xf32, #tpu.memory_space<vmem>>, vector<1x16xf32>,
        %swap3A_181 = vector.shape_cast %swap3A_180 : vector<1x16xf32> to vector<16xf32>
        %swap3A_182 = vector.shape_cast %get3A_177 : vector<16xf32> to vector<1x16xf32>
        tpu.vector_store %arg6[%swap3A_178, %swap3A_179], %swap3A_182 {add = true, strides = array<i32>} : memref<64x768xf32, #tpu.memory_space<vmem>>, vector<1x16xf32>,
        %mul3A_183 = arith.constant 16 : i32
        %mul3A_184 = arith.muli %mul3A_183, %and3A_49 : i32
        %get3A_185 = arith.constant 0 : i32
        %get3A_186 = arith.index_cast %get3A_185 : i32 to index
        %get3A_187 = arith.constant 144 : index
        %get3A_188 = tpu.vector_load %arg4[%get3A_186, %get3A_187] {strides = array<i32>} : memref<16x768xf32, #tpu.memory_space<vmem>>, vector<1x16xf32>,
        %get3A_189 = vector.shape_cast %get3A_188 : vector<1x16xf32> to vector<16xf32>
        %swap3A_190 = arith.index_cast %mul3A_184 : i32 to index
        %swap3A_191 = arith.constant 144 : index
        %swap3A_192 = tpu.vector_load %arg6[%swap3A_190, %swap3A_191] {strides = array<i32>} : memref<64x768xf32, #tpu.memory_space<vmem>>, vector<1x16xf32>,
        %swap3A_193 = vector.shape_cast %swap3A_192 : vector<1x16xf32> to vector<16xf32>
        %swap3A_194 = vector.shape_cast %get3A_189 : vector<16xf32> to vector<1x16xf32>
        tpu.vector_store %arg6[%swap3A_190, %swap3A_191], %swap3A_194 {add = true, strides = array<i32>} : memref<64x768xf32, #tpu.memory_space<vmem>>, vector<1x16xf32>,
        %mul3A_195 = arith.constant 16 : i32
        %mul3A_196 = arith.muli %mul3A_195, %and3A_49 : i32
        %get3A_197 = arith.constant 0 : i32
        %get3A_198 = arith.index_cast %get3A_197 : i32 to index
        %get3A_199 = arith.constant 160 : index
        %get3A_200 = tpu.vector_load %arg4[%get3A_198, %get3A_199] {strides = array<i32>} : memref<16x768xf32, #tpu.memory_space<vmem>>, vector<1x16xf32>,
        %get3A_201 = vector.shape_cast %get3A_200 : vector<1x16xf32> to vector<16xf32>
        %swap3A_202 = arith.index_cast %mul3A_196 : i32 to index
        %swap3A_203 = arith.constant 160 : index
        %swap3A_204 = tpu.vector_load %arg6[%swap3A_202, %swap3A_203] {strides = array<i32>} : memref<64x768xf32, #tpu.memory_space<vmem>>, vector<1x16xf32>,
        %swap3A_205 = vector.shape_cast %swap3A_204 : vector<1x16xf32> to vector<16xf32>
        %swap3A_206 = vector.shape_cast %get3A_201 : vector<16xf32> to vector<1x16xf32>
        tpu.vector_store %arg6[%swap3A_202, %swap3A_203], %swap3A_206 {add = true, strides = array<i32>} : memref<64x768xf32, #tpu.memory_space<vmem>>, vector<1x16xf32>,
        %mul3A_207 = arith.constant 16 : i32
        %mul3A_208 = arith.muli %mul3A_207, %and3A_49 : i32
        %get3A_209 = arith.constant 0 : i32
        %get3A_210 = arith.index_cast %get3A_209 : i32 to index
        %get3A_211 = arith.constant 176 : index
        %get3A_212 = tpu.vector_load %arg4[%get3A_210, %get3A_211] {strides = array<i32>} : memref<16x768xf32, #tpu.memory_space<vmem>>, vector<1x16xf32>,
        %get3A_213 = vector.shape_cast %get3A_212 : vector<1x16xf32> to vector<16xf32>
        %swap3A_214 = arith.index_cast %mul3A_208 : i32 to index
        %swap3A_215 = arith.constant 176 : index
        %swap3A_216 = tpu.vector_load %arg6[%swap3A_214, %swap3A_215] {strides = array<i32>} : memref<64x768xf32, #tpu.memory_space<vmem>>, vector<1x16xf32>,
        %swap3A_217 = vector.shape_cast %swap3A_216 : vector<1x16xf32> to vector<16xf32>
        %swap3A_218 = vector.shape_cast %get3A_213 : vector<16xf32> to vector<1x16xf32>
        tpu.vector_store %arg6[%swap3A_214, %swap3A_215], %swap3A_218 {add = true, strides = array<i32>} : memref<64x768xf32, #tpu.memory_space<vmem>>, vector<1x16xf32>,
        %mul3A_219 = arith.constant 16 : i32
        %mul3A_220 = arith.muli %mul3A_219, %and3A_49 : i32
        %get3A_221 = arith.constant 0 : i32
        %get3A_222 = arith.index_cast %get3A_221 : i32 to index
        %get3A_223 = arith.constant 192 : index
        %get3A_224 = tpu.vector_load %arg4[%get3A_222, %get3A_223] {strides = array<i32>} : memref<16x768xf32, #tpu.memory_space<vmem>>, vector<1x16xf32>,
        %get3A_225 = vector.shape_cast %get3A_224 : vector<1x16xf32> to vector<16xf32>
        %swap3A_226 = arith.index_cast %mul3A_220 : i32 to index
        %swap3A_227 = arith.constant 192 : index
        %swap3A_228 = tpu.vector_load %arg6[%swap3A_226, %swap3A_227] {strides = array<i32>} : memref<64x768xf32, #tpu.memory_space<vmem>>, vector<1x16xf32>,
        %swap3A_229 = vector.shape_cast %swap3A_228 : vector<1x16xf32> to vector<16xf32>
        %swap3A_230 = vector.shape_cast %get3A_225 : vector<16xf32> to vector<1x16xf32>
        tpu.vector_store %arg6[%swap3A_226, %swap3A_227], %swap3A_230 {add = true, strides = array<i32>} : memref<64x768xf32, #tpu.memory_space<vmem>>, vector<1x16xf32>,
        %mul3A_231 = arith.constant 16 : i32
        %mul3A_232 = arith.muli %mul3A_231, %and3A_49 : i32
        %get3A_233 = arith.constant 0 : i32
        %get3A_234 = arith.index_cast %get3A_233 : i32 to index
        %get3A_235 = arith.constant 208 : index
        %get3A_236 = tpu.vector_load %arg4[%get3A_234, %get3A_235] {strides = array<i32>} : memref<16x768xf32, #tpu.memory_space<vmem>>, vector<1x16xf32>,
        %get3A_237 = vector.shape_cast %get3A_236 : vector<1x16xf32> to vector<16xf32>
        %swap3A_238 = arith.index_cast %mul3A_232 : i32 to index
        %swap3A_239 = arith.constant 208 : index
        %swap3A_240 = tpu.vector_load %arg6[%swap3A_238, %swap3A_239] {strides = array<i32>} : memref<64x768xf32, #tpu.memory_space<vmem>>, vector<1x16xf32>,
        %swap3A_241 = vector.shape_cast %swap3A_240 : vector<1x16xf32> to vector<16xf32>
        %swap3A_242 = vector.shape_cast %get3A_237 : vector<16xf32> to vector<1x16xf32>
        tpu.vector_store %arg6[%swap3A_238, %swap3A_239], %swap3A_242 {add = true, strides = array<i32>} : memref<64x768xf32, #tpu.memory_space<vmem>>, vector<1x16xf32>,
        %mul3A_243 = arith.constant 16 : i32
        %mul3A_244 = arith.muli %mul3A_243, %and3A_49 : i32
        %get3A_245 = arith.constant 0 : i32
        %get3A_246 = arith.index_cast %get3A_245 : i32 to index
        %get3A_247 = arith.constant 224 : index
        %get3A_248 = tpu.vector_load %arg4[%get3A_246, %get3A_247] {strides = array<i32>} : memref<16x768xf32, #tpu.memory_space<vmem>>, vector<1x16xf32>,
        %get3A_249 = vector.shape_cast %get3A_248 : vector<1x16xf32> to vector<16xf32>
        %swap3A_250 = arith.index_cast %mul3A_244 : i32 to index
        %swap3A_251 = arith.constant 224 : index
        %swap3A_252 = tpu.vector_load %arg6[%swap3A_250, %swap3A_251] {strides = array<i32>} : memref<64x768xf32, #tpu.memory_space<vmem>>, vector<1x16xf32>,
        %swap3A_253 = vector.shape_cast %swap3A_252 : vector<1x16xf32> to vector<16xf32>
        %swap3A_254 = vector.shape_cast %get3A_249 : vector<16xf32> to vector<1x16xf32>
        tpu.vector_store %arg6[%swap3A_250, %swap3A_251], %swap3A_254 {add = true, strides = array<i32>} : memref<64x768xf32, #tpu.memory_space<vmem>>, vector<1x16xf32>,
        %mul3A_255 = arith.constant 16 : i32
        %mul3A_256 = arith.muli %mul3A_255, %and3A_49 : i32
        %get3A_257 = arith.constant 0 : i32
        %get3A_258 = arith.index_cast %get3A_257 : i32 to index
        %get3A_259 = arith.constant 240 : index
        %get3A_260 = tpu.vector_load %arg4[%get3A_258, %get3A_259] {strides = array<i32>} : memref<16x768xf32, #tpu.memory_space<vmem>>, vector<1x16xf32>,
        %get3A_261 = vector.shape_cast %get3A_260 : vector<1x16xf32> to vector<16xf32>
        %swap3A_262 = arith.index_cast %mul3A_256 : i32 to index
        %swap3A_263 = arith.constant 240 : index
        %swap3A_264 = tpu.vector_load %arg6[%swap3A_262, %swap3A_263] {strides = array<i32>} : memref<64x768xf32, #tpu.memory_space<vmem>>, vector<1x16xf32>,
        %swap3A_265 = vector.shape_cast %swap3A_264 : vector<1x16xf32> to vector<16xf32>
        %swap3A_266 = vector.shape_cast %get3A_261 : vector<16xf32> to vector<1x16xf32>
        tpu.vector_store %arg6[%swap3A_262, %swap3A_263], %swap3A_266 {add = true, strides = array<i32>} : memref<64x768xf32, #tpu.memory_space<vmem>>, vector<1x16xf32>,
        %mul3A_267 = arith.constant 16 : i32
        %mul3A_268 = arith.muli %mul3A_267, %and3A_49 : i32
        %get3A_269 = arith.constant 0 : i32
        %get3A_270 = arith.index_cast %get3A_269 : i32 to index
        %get3A_271 = arith.constant 256 : index
        %get3A_272 = tpu.vector_load %arg4[%get3A_270, %get3A_271] {strides = array<i32>} : memref<16x768xf32, #tpu.memory_space<vmem>>, vector<1x16xf32>,
        %get3A_273 = vector.shape_cast %get3A_272 : vector<1x16xf32> to vector<16xf32>
        %swap3A_274 = arith.index_cast %mul3A_268 : i32 to index
        %swap3A_275 = arith.constant 256 : index
        %swap3A_276 = tpu.vector_load %arg6[%swap3A_274, %swap3A_275] {strides = array<i32>} : memref<64x768xf32, #tpu.memory_space<vmem>>, vector<1x16xf32>,
        %swap3A_277 = vector.shape_cast %swap3A_276 : vector<1x16xf32> to vector<16xf32>
        %swap3A_278 = vector.shape_cast %get3A_273 : vector<16xf32> to vector<1x16xf32>
        tpu.vector_store %arg6[%swap3A_274, %swap3A_275], %swap3A_278 {add = true, strides = array<i32>} : memref<64x768xf32, #tpu.memory_space<vmem>>, vector<1x16xf32>,
        %mul3A_279 = arith.constant 16 : i32
        %mul3A_280 = arith.muli %mul3A_279, %and3A_49 : i32
        %get3A_281 = arith.constant 0 : i32
        %get3A_282 = arith.index_cast %get3A_281 : i32 to index
        %get3A_283 = arith.constant 272 : index
        %get3A_284 = tpu.vector_load %arg4[%get3A_282, %get3A_283] {strides = array<i32>} : memref<16x768xf32, #tpu.memory_space<vmem>>, vector<1x16xf32>,
        %get3A_285 = vector.shape_cast %get3A_284 : vector<1x16xf32> to vector<16xf32>
        %swap3A_286 = arith.index_cast %mul3A_280 : i32 to index
        %swap3A_287 = arith.constant 272 : index
        %swap3A_288 = tpu.vector_load %arg6[%swap3A_286, %swap3A_287] {strides = array<i32>} : memref<64x768xf32, #tpu.memory_space<vmem>>, vector<1x16xf32>,
        %swap3A_289 = vector.shape_cast %swap3A_288 : vector<1x16xf32> to vector<16xf32>
        %swap3A_290 = vector.shape_cast %get3A_285 : vector<16xf32> to vector<1x16xf32>
        tpu.vector_store %arg6[%swap3A_286, %swap3A_287], %swap3A_290 {add = true, strides = array<i32>} : memref<64x768xf32, #tpu.memory_space<vmem>>, vector<1x16xf32>,
        %mul3A_291 = arith.constant 16 : i32
        %mul3A_292 = arith.muli %mul3A_291, %and3A_49 : i32
        %get3A_293 = arith.constant 0 : i32
        %get3A_294 = arith.index_cast %get3A_293 : i32 to index
        %get3A_295 = arith.constant 288 : index
        %get3A_296 = tpu.vector_load %arg4[%get3A_294, %get3A_295] {strides = array<i32>} : memref<16x768xf32, #tpu.memory_space<vmem>>, vector<1x16xf32>,
        %get3A_297 = vector.shape_cast %get3A_296 : vector<1x16xf32> to vector<16xf32>
        %swap3A_298 = arith.index_cast %mul3A_292 : i32 to index
        %swap3A_299 = arith.constant 288 : index
        %swap3A_300 = tpu.vector_load %arg6[%swap3A_298, %swap3A_299] {strides = array<i32>} : memref<64x768xf32, #tpu.memory_space<vmem>>, vector<1x16xf32>,
        %swap3A_301 = vector.shape_cast %swap3A_300 : vector<1x16xf32> to vector<16xf32>
        %swap3A_302 = vector.shape_cast %get3A_297 : vector<16xf32> to vector<1x16xf32>
        tpu.vector_store %arg6[%swap3A_298, %swap3A_299], %swap3A_302 {add = true, strides = array<i32>} : memref<64x768xf32, #tpu.memory_space<vmem>>, vector<1x16xf32>,
        %mul3A_303 = arith.constant 16 : i32
        %mul3A_304 = arith.muli %mul3A_303, %and3A_49 : i32
        %get3A_305 = arith.constant 0 : i32
        %get3A_306 = arith.index_cast %get3A_305 : i32 to index
        %get3A_307 = arith.constant 304 : index
        %get3A_308 = tpu.vector_load %arg4[%get3A_306, %get3A_307] {strides = array<i32>} : memref<16x768xf32, #tpu.memory_space<vmem>>, vector<1x16xf32>,
        %get3A_309 = vector.shape_cast %get3A_308 : vector<1x16xf32> to vector<16xf32>
        %swap3A_310 = arith.index_cast %mul3A_304 : i32 to index
        %swap3A_311 = arith.constant 304 : index
        %swap3A_312 = tpu.vector_load %arg6[%swap3A_310, %swap3A_311] {strides = array<i32>} : memref<64x768xf32, #tpu.memory_space<vmem>>, vector<1x16xf32>,
        %swap3A_313 = vector.shape_cast %swap3A_312 : vector<1x16xf32> to vector<16xf32>
        %swap3A_314 = vector.shape_cast %get3A_309 : vector<16xf32> to vector<1x16xf32>
        tpu.vector_store %arg6[%swap3A_310, %swap3A_311], %swap3A_314 {add = true, strides = array<i32>} : memref<64x768xf32, #tpu.memory_space<vmem>>, vector<1x16xf32>,
        %mul3A_315 = arith.constant 16 : i32
        %mul3A_316 = arith.muli %mul3A_315, %and3A_49 : i32
        %get3A_317 = arith.constant 0 : i32
        %get3A_318 = arith.index_cast %get3A_317 : i32 to index
        %get3A_319 = arith.constant 320 : index
        %get3A_320 = tpu.vector_load %arg4[%get3A_318, %get3A_319] {strides = array<i32>} : memref<16x768xf32, #tpu.memory_space<vmem>>, vector<1x16xf32>,
        %get3A_321 = vector.shape_cast %get3A_320 : vector<1x16xf32> to vector<16xf32>
        %swap3A_322 = arith.index_cast %mul3A_316 : i32 to index
        %swap3A_323 = arith.constant 320 : index
        %swap3A_324 = tpu.vector_load %arg6[%swap3A_322, %swap3A_323] {strides = array<i32>} : memref<64x768xf32, #tpu.memory_space<vmem>>, vector<1x16xf32>,
        %swap3A_325 = vector.shape_cast %swap3A_324 : vector<1x16xf32> to vector<16xf32>
        %swap3A_326 = vector.shape_cast %get3A_321 : vector<16xf32> to vector<1x16xf32>
        tpu.vector_store %arg6[%swap3A_322, %swap3A_323], %swap3A_326 {add = true, strides = array<i32>} : memref<64x768xf32, #tpu.memory_space<vmem>>, vector<1x16xf32>,
        %mul3A_327 = arith.constant 16 : i32
        %mul3A_328 = arith.muli %mul3A_327, %and3A_49 : i32
        %get3A_329 = arith.constant 0 : i32
        %get3A_330 = arith.index_cast %get3A_329 : i32 to index
        %get3A_331 = arith.constant 336 : index
        %get3A_332 = tpu.vector_load %arg4[%get3A_330, %get3A_331] {strides = array<i32>} : memref<16x768xf32, #tpu.memory_space<vmem>>, vector<1x16xf32>,
        %get3A_333 = vector.shape_cast %get3A_332 : vector<1x16xf32> to vector<16xf32>
        %swap3A_334 = arith.index_cast %mul3A_328 : i32 to index
        %swap3A_335 = arith.constant 336 : index
        %swap3A_336 = tpu.vector_load %arg6[%swap3A_334, %swap3A_335] {strides = array<i32>} : memref<64x768xf32, #tpu.memory_space<vmem>>, vector<1x16xf32>,
        %swap3A_337 = vector.shape_cast %swap3A_336 : vector<1x16xf32> to vector<16xf32>
        %swap3A_338 = vector.shape_cast %get3A_333 : vector<16xf32> to vector<1x16xf32>
        tpu.vector_store %arg6[%swap3A_334, %swap3A_335], %swap3A_338 {add = true, strides = array<i32>} : memref<64x768xf32, #tpu.memory_space<vmem>>, vector<1x16xf32>,
        %mul3A_339 = arith.constant 16 : i32
        %mul3A_340 = arith.muli %mul3A_339, %and3A_49 : i32
        %get3A_341 = arith.constant 0 : i32
        %get3A_342 = arith.index_cast %get3A_341 : i32 to index
        %get3A_343 = arith.constant 352 : index
        %get3A_344 = tpu.vector_load %arg4[%get3A_342, %get3A_343] {strides = array<i32>} : memref<16x768xf32, #tpu.memory_space<vmem>>, vector<1x16xf32>,
        %get3A_345 = vector.shape_cast %get3A_344 : vector<1x16xf32> to vector<16xf32>
        %swap3A_346 = arith.index_cast %mul3A_340 : i32 to index
        %swap3A_347 = arith.constant 352 : index
        %swap3A_348 = tpu.vector_load %arg6[%swap3A_346, %swap3A_347] {strides = array<i32>} : memref<64x768xf32, #tpu.memory_space<vmem>>, vector<1x16xf32>,
        %swap3A_349 = vector.shape_cast %swap3A_348 : vector<1x16xf32> to vector<16xf32>
        %swap3A_350 = vector.shape_cast %get3A_345 : vector<16xf32> to vector<1x16xf32>
        tpu.vector_store %arg6[%swap3A_346, %swap3A_347], %swap3A_350 {add = true, strides = array<i32>} : memref<64x768xf32, #tpu.memory_space<vmem>>, vector<1x16xf32>,
        %mul3A_351 = arith.constant 16 : i32
        %mul3A_352 = arith.muli %mul3A_351, %and3A_49 : i32
        %get3A_353 = arith.constant 0 : i32
        %get3A_354 = arith.index_cast %get3A_353 : i32 to index
        %get3A_355 = arith.constant 368 : index
        %get3A_356 = tpu.vector_load %arg4[%get3A_354, %get3A_355] {strides = array<i32>} : memref<16x768xf32, #tpu.memory_space<vmem>>, vector<1x16xf32>,
        %get3A_357 = vector.shape_cast %get3A_356 : vector<1x16xf32> to vector<16xf32>
        %swap3A_358 = arith.index_cast %mul3A_352 : i32 to index
        %swap3A_359 = arith.constant 368 : index
        %swap3A_360 = tpu.vector_load %arg6[%swap3A_358, %swap3A_359] {strides = array<i32>} : memref<64x768xf32, #tpu.memory_space<vmem>>, vector<1x16xf32>,
        %swap3A_361 = vector.shape_cast %swap3A_360 : vector<1x16xf32> to vector<16xf32>
        %swap3A_362 = vector.shape_cast %get3A_357 : vector<16xf32> to vector<1x16xf32>
        tpu.vector_store %arg6[%swap3A_358, %swap3A_359], %swap3A_362 {add = true, strides = array<i32>} : memref<64x768xf32, #tpu.memory_space<vmem>>, vector<1x16xf32>,
        %mul3A_363 = arith.constant 16 : i32
        %mul3A_364 = arith.muli %mul3A_363, %and3A_49 : i32
        %get3A_365 = arith.constant 0 : i32
        %get3A_366 = arith.index_cast %get3A_365 : i32 to index
        %get3A_367 = arith.constant 384 : index
        %get3A_368 = tpu.vector_load %arg4[%get3A_366, %get3A_367] {strides = array<i32>} : memref<16x768xf32, #tpu.memory_space<vmem>>, vector<1x16xf32>,
        %get3A_369 = vector.shape_cast %get3A_368 : vector<1x16xf32> to vector<16xf32>
        %swap3A_370 = arith.index_cast %mul3A_364 : i32 to index
        %swap3A_371 = arith.constant 384 : index
        %swap3A_372 = tpu.vector_load %arg6[%swap3A_370, %swap3A_371] {strides = array<i32>} : memref<64x768xf32, #tpu.memory_space<vmem>>, vector<1x16xf32>,
        %swap3A_373 = vector.shape_cast %swap3A_372 : vector<1x16xf32> to vector<16xf32>
        %swap3A_374 = vector.shape_cast %get3A_369 : vector<16xf32> to vector<1x16xf32>
        tpu.vector_store %arg6[%swap3A_370, %swap3A_371], %swap3A_374 {add = true, strides = array<i32>} : memref<64x768xf32, #tpu.memory_space<vmem>>, vector<1x16xf32>,
        %mul3A_375 = arith.constant 16 : i32
        %mul3A_376 = arith.muli %mul3A_375, %and3A_49 : i32
        %get3A_377 = arith.constant 0 : i32
        %get3A_378 = arith.index_cast %get3A_377 : i32 to index
        %get3A_379 = arith.constant 400 : index
        %get3A_380 = tpu.vector_load %arg4[%get3A_378, %get3A_379] {strides = array<i32>} : memref<16x768xf32, #tpu.memory_space<vmem>>, vector<1x16xf32>,
        %get3A_381 = vector.shape_cast %get3A_380 : vector<1x16xf32> to vector<16xf32>
        %swap3A_382 = arith.index_cast %mul3A_376 : i32 to index
        %swap3A_383 = arith.constant 400 : index
        %swap3A_384 = tpu.vector_load %arg6[%swap3A_382, %swap3A_383] {strides = array<i32>} : memref<64x768xf32, #tpu.memory_space<vmem>>, vector<1x16xf32>,
        %swap3A_385 = vector.shape_cast %swap3A_384 : vector<1x16xf32> to vector<16xf32>
        %swap3A_386 = vector.shape_cast %get3A_381 : vector<16xf32> to vector<1x16xf32>
        tpu.vector_store %arg6[%swap3A_382, %swap3A_383], %swap3A_386 {add = true, strides = array<i32>} : memref<64x768xf32, #tpu.memory_space<vmem>>, vector<1x16xf32>,
        %mul3A_387 = arith.constant 16 : i32
        %mul3A_388 = arith.muli %mul3A_387, %and3A_49 : i32
        %get3A_389 = arith.constant 0 : i32
        %get3A_390 = arith.index_cast %get3A_389 : i32 to index
        %get3A_391 = arith.constant 416 : index
        %get3A_392 = tpu.vector_load %arg4[%get3A_390, %get3A_391] {strides = array<i32>} : memref<16x768xf32, #tpu.memory_space<vmem>>, vector<1x16xf32>,
        %get3A_393 = vector.shape_cast %get3A_392 : vector<1x16xf32> to vector<16xf32>
        %swap3A_394 = arith.index_cast %mul3A_388 : i32 to index
        %swap3A_395 = arith.constant 416 : index
        %swap3A_396 = tpu.vector_load %arg6[%swap3A_394, %swap3A_395] {strides = array<i32>} : memref<64x768xf32, #tpu.memory_space<vmem>>, vector<1x16xf32>,
        %swap3A_397 = vector.shape_cast %swap3A_396 : vector<1x16xf32> to vector<16xf32>
        %swap3A_398 = vector.shape_cast %get3A_393 : vector<16xf32> to vector<1x16xf32>
        tpu.vector_store %arg6[%swap3A_394, %swap3A_395], %swap3A_398 {add = true, strides = array<i32>} : memref<64x768xf32, #tpu.memory_space<vmem>>, vector<1x16xf32>,
        %mul3A_399 = arith.constant 16 : i32
        %mul3A_400 = arith.muli %mul3A_399, %and3A_49 : i32
        %get3A_401 = arith.constant 0 : i32
        %get3A_402 = arith.index_cast %get3A_401 : i32 to index
        %get3A_403 = arith.constant 432 : index
        %get3A_404 = tpu.vector_load %arg4[%get3A_402, %get3A_403] {strides = array<i32>} : memref<16x768xf32, #tpu.memory_space<vmem>>, vector<1x16xf32>,
        %get3A_405 = vector.shape_cast %get3A_404 : vector<1x16xf32> to vector<16xf32>
        %swap3A_406 = arith.index_cast %mul3A_400 : i32 to index
        %swap3A_407 = arith.constant 432 : index
        %swap3A_408 = tpu.vector_load %arg6[%swap3A_406, %swap3A_407] {strides = array<i32>} : memref<64x768xf32, #tpu.memory_space<vmem>>, vector<1x16xf32>,
        %swap3A_409 = vector.shape_cast %swap3A_408 : vector<1x16xf32> to vector<16xf32>
        %swap3A_410 = vector.shape_cast %get3A_405 : vector<16xf32> to vector<1x16xf32>
        tpu.vector_store %arg6[%swap3A_406, %swap3A_407], %swap3A_410 {add = true, strides = array<i32>} : memref<64x768xf32, #tpu.memory_space<vmem>>, vector<1x16xf32>,
        %mul3A_411 = arith.constant 16 : i32
        %mul3A_412 = arith.muli %mul3A_411, %and3A_49 : i32
        %get3A_413 = arith.constant 0 : i32
        %get3A_414 = arith.index_cast %get3A_413 : i32 to index
        %get3A_415 = arith.constant 448 : index
        %get3A_416 = tpu.vector_load %arg4[%get3A_414, %get3A_415] {strides = array<i32>} : memref<16x768xf32, #tpu.memory_space<vmem>>, vector<1x16xf32>,
        %get3A_417 = vector.shape_cast %get3A_416 : vector<1x16xf32> to vector<16xf32>
        %swap3A_418 = arith.index_cast %mul3A_412 : i32 to index
        %swap3A_419 = arith.constant 448 : index
        %swap3A_420 = tpu.vector_load %arg6[%swap3A_418, %swap3A_419] {strides = array<i32>} : memref<64x768xf32, #tpu.memory_space<vmem>>, vector<1x16xf32>,
        %swap3A_421 = vector.shape_cast %swap3A_420 : vector<1x16xf32> to vector<16xf32>
        %swap3A_422 = vector.shape_cast %get3A_417 : vector<16xf32> to vector<1x16xf32>
        tpu.vector_store %arg6[%swap3A_418, %swap3A_419], %swap3A_422 {add = true, strides = array<i32>} : memref<64x768xf32, #tpu.memory_space<vmem>>, vector<1x16xf32>,
        %mul3A_423 = arith.constant 16 : i32
        %mul3A_424 = arith.muli %mul3A_423, %and3A_49 : i32
        %get3A_425 = arith.constant 0 : i32
        %get3A_426 = arith.index_cast %get3A_425 : i32 to index
        %get3A_427 = arith.constant 464 : index
        %get3A_428 = tpu.vector_load %arg4[%get3A_426, %get3A_427] {strides = array<i32>} : memref<16x768xf32, #tpu.memory_space<vmem>>, vector<1x16xf32>,
        %get3A_429 = vector.shape_cast %get3A_428 : vector<1x16xf32> to vector<16xf32>
        %swap3A_430 = arith.index_cast %mul3A_424 : i32 to index
        %swap3A_431 = arith.constant 464 : index
        %swap3A_432 = tpu.vector_load %arg6[%swap3A_430, %swap3A_431] {strides = array<i32>} : memref<64x768xf32, #tpu.memory_space<vmem>>, vector<1x16xf32>,
        %swap3A_433 = vector.shape_cast %swap3A_432 : vector<1x16xf32> to vector<16xf32>
        %swap3A_434 = vector.shape_cast %get3A_429 : vector<16xf32> to vector<1x16xf32>
        tpu.vector_store %arg6[%swap3A_430, %swap3A_431], %swap3A_434 {add = true, strides = array<i32>} : memref<64x768xf32, #tpu.memory_space<vmem>>, vector<1x16xf32>,
        %mul3A_435 = arith.constant 16 : i32
        %mul3A_436 = arith.muli %mul3A_435, %and3A_49 : i32
        %get3A_437 = arith.constant 0 : i32
        %get3A_438 = arith.index_cast %get3A_437 : i32 to index
        %get3A_439 = arith.constant 480 : index
        %get3A_440 = tpu.vector_load %arg4[%get3A_438, %get3A_439] {strides = array<i32>} : memref<16x768xf32, #tpu.memory_space<vmem>>, vector<1x16xf32>,
        %get3A_441 = vector.shape_cast %get3A_440 : vector<1x16xf32> to vector<16xf32>
        %swap3A_442 = arith.index_cast %mul3A_436 : i32 to index
        %swap3A_443 = arith.constant 480 : index
        %swap3A_444 = tpu.vector_load %arg6[%swap3A_442, %swap3A_443] {strides = array<i32>} : memref<64x768xf32, #tpu.memory_space<vmem>>, vector<1x16xf32>,
        %swap3A_445 = vector.shape_cast %swap3A_444 : vector<1x16xf32> to vector<16xf32>
        %swap3A_446 = vector.shape_cast %get3A_441 : vector<16xf32> to vector<1x16xf32>
        tpu.vector_store %arg6[%swap3A_442, %swap3A_443], %swap3A_446 {add = true, strides = array<i32>} : memref<64x768xf32, #tpu.memory_space<vmem>>, vector<1x16xf32>,
        %mul3A_447 = arith.constant 16 : i32
        %mul3A_448 = arith.muli %mul3A_447, %and3A_49 : i32
        %get3A_449 = arith.constant 0 : i32
        %get3A_450 = arith.index_cast %get3A_449 : i32 to index
        %get3A_451 = arith.constant 496 : index
        %get3A_452 = tpu.vector_load %arg4[%get3A_450, %get3A_451] {strides = array<i32>} : memref<16x768xf32, #tpu.memory_space<vmem>>, vector<1x16xf32>,
        %get3A_453 = vector.shape_cast %get3A_452 : vector<1x16xf32> to vector<16xf32>
        %swap3A_454 = arith.index_cast %mul3A_448 : i32 to index
        %swap3A_455 = arith.constant 496 : index
        %swap3A_456 = tpu.vector_load %arg6[%swap3A_454, %swap3A_455] {strides = array<i32>} : memref<64x768xf32, #tpu.memory_space<vmem>>, vector<1x16xf32>,
        %swap3A_457 = vector.shape_cast %swap3A_456 : vector<1x16xf32> to vector<16xf32>
        %swap3A_458 = vector.shape_cast %get3A_453 : vector<16xf32> to vector<1x16xf32>
        tpu.vector_store %arg6[%swap3A_454, %swap3A_455], %swap3A_458 {add = true, strides = array<i32>} : memref<64x768xf32, #tpu.memory_space<vmem>>, vector<1x16xf32>,
        %mul3A_459 = arith.constant 16 : i32
        %mul3A_460 = arith.muli %mul3A_459, %and3A_49 : i32
        %get3A_461 = arith.constant 0 : i32
        %get3A_462 = arith.index_cast %get3A_461 : i32 to index
        %get3A_463 = arith.constant 512 : index
        %get3A_464 = tpu.vector_load %arg4[%get3A_462, %get3A_463] {strides = array<i32>} : memref<16x768xf32, #tpu.memory_space<vmem>>, vector<1x16xf32>,
        %get3A_465 = vector.shape_cast %get3A_464 : vector<1x16xf32> to vector<16xf32>
        %swap3A_466 = arith.index_cast %mul3A_460 : i32 to index
        %swap3A_467 = arith.constant 512 : index
        %swap3A_468 = tpu.vector_load %arg6[%swap3A_466, %swap3A_467] {strides = array<i32>} : memref<64x768xf32, #tpu.memory_space<vmem>>, vector<1x16xf32>,
        %swap3A_469 = vector.shape_cast %swap3A_468 : vector<1x16xf32> to vector<16xf32>
        %swap3A_470 = vector.shape_cast %get3A_465 : vector<16xf32> to vector<1x16xf32>
        tpu.vector_store %arg6[%swap3A_466, %swap3A_467], %swap3A_470 {add = true, strides = array<i32>} : memref<64x768xf32, #tpu.memory_space<vmem>>, vector<1x16xf32>,
        %mul3A_471 = arith.constant 16 : i32
        %mul3A_472 = arith.muli %mul3A_471, %and3A_49 : i32
        %get3A_473 = arith.constant 0 : i32
        %get3A_474 = arith.index_cast %get3A_473 : i32 to index
        %get3A_475 = arith.constant 528 : index
        %get3A_476 = tpu.vector_load %arg4[%get3A_474, %get3A_475] {strides = array<i32>} : memref<16x768xf32, #tpu.memory_space<vmem>>, vector<1x16xf32>,
        %get3A_477 = vector.shape_cast %get3A_476 : vector<1x16xf32> to vector<16xf32>
        %swap3A_478 = arith.index_cast %mul3A_472 : i32 to index
        %swap3A_479 = arith.constant 528 : index
        %swap3A_480 = tpu.vector_load %arg6[%swap3A_478, %swap3A_479] {strides = array<i32>} : memref<64x768xf32, #tpu.memory_space<vmem>>, vector<1x16xf32>,
        %swap3A_481 = vector.shape_cast %swap3A_480 : vector<1x16xf32> to vector<16xf32>
        %swap3A_482 = vector.shape_cast %get3A_477 : vector<16xf32> to vector<1x16xf32>
        tpu.vector_store %arg6[%swap3A_478, %swap3A_479], %swap3A_482 {add = true, strides = array<i32>} : memref<64x768xf32, #tpu.memory_space<vmem>>, vector<1x16xf32>,
        %mul3A_483 = arith.constant 16 : i32
        %mul3A_484 = arith.muli %mul3A_483, %and3A_49 : i32
        %get3A_485 = arith.constant 0 : i32
        %get3A_486 = arith.index_cast %get3A_485 : i32 to index
        %get3A_487 = arith.constant 544 : index
        %get3A_488 = tpu.vector_load %arg4[%get3A_486, %get3A_487] {strides = array<i32>} : memref<16x768xf32, #tpu.memory_space<vmem>>, vector<1x16xf32>,
        %get3A_489 = vector.shape_cast %get3A_488 : vector<1x16xf32> to vector<16xf32>
        %swap3A_490 = arith.index_cast %mul3A_484 : i32 to index
        %swap3A_491 = arith.constant 544 : index
        %swap3A_492 = tpu.vector_load %arg6[%swap3A_490, %swap3A_491] {strides = array<i32>} : memref<64x768xf32, #tpu.memory_space<vmem>>, vector<1x16xf32>,
        %swap3A_493 = vector.shape_cast %swap3A_492 : vector<1x16xf32> to vector<16xf32>
        %swap3A_494 = vector.shape_cast %get3A_489 : vector<16xf32> to vector<1x16xf32>
        tpu.vector_store %arg6[%swap3A_490, %swap3A_491], %swap3A_494 {add = true, strides = array<i32>} : memref<64x768xf32, #tpu.memory_space<vmem>>, vector<1x16xf32>,
        %mul3A_495 = arith.constant 16 : i32
        %mul3A_496 = arith.muli %mul3A_495, %and3A_49 : i32
        %get3A_497 = arith.constant 0 : i32
        %get3A_498 = arith.index_cast %get3A_497 : i32 to index
        %get3A_499 = arith.constant 560 : index
        %get3A_500 = tpu.vector_load %arg4[%get3A_498, %get3A_499] {strides = array<i32>} : memref<16x768xf32, #tpu.memory_space<vmem>>, vector<1x16xf32>,
        %get3A_501 = vector.shape_cast %get3A_500 : vector<1x16xf32> to vector<16xf32>
        %swap3A_502 = arith.index_cast %mul3A_496 : i32 to index
        %swap3A_503 = arith.constant 560 : index
        %swap3A_504 = tpu.vector_load %arg6[%swap3A_502, %swap3A_503] {strides = array<i32>} : memref<64x768xf32, #tpu.memory_space<vmem>>, vector<1x16xf32>,
        %swap3A_505 = vector.shape_cast %swap3A_504 : vector<1x16xf32> to vector<16xf32>
        %swap3A_506 = vector.shape_cast %get3A_501 : vector<16xf32> to vector<1x16xf32>
        tpu.vector_store %arg6[%swap3A_502, %swap3A_503], %swap3A_506 {add = true, strides = array<i32>} : memref<64x768xf32, #tpu.memory_space<vmem>>, vector<1x16xf32>,
        %mul3A_507 = arith.constant 16 : i32
        %mul3A_508 = arith.muli %mul3A_507, %and3A_49 : i32
        %get3A_509 = arith.constant 0 : i32
        %get3A_510 = arith.index_cast %get3A_509 : i32 to index
        %get3A_511 = arith.constant 576 : index
        %get3A_512 = tpu.vector_load %arg4[%get3A_510, %get3A_511] {strides = array<i32>} : memref<16x768xf32, #tpu.memory_space<vmem>>, vector<1x16xf32>,
        %get3A_513 = vector.shape_cast %get3A_512 : vector<1x16xf32> to vector<16xf32>
        %swap3A_514 = arith.index_cast %mul3A_508 : i32 to index
        %swap3A_515 = arith.constant 576 : index
        %swap3A_516 = tpu.vector_load %arg6[%swap3A_514, %swap3A_515] {strides = array<i32>} : memref<64x768xf32, #tpu.memory_space<vmem>>, vector<1x16xf32>,
        %swap3A_517 = vector.shape_cast %swap3A_516 : vector<1x16xf32> to vector<16xf32>
        %swap3A_518 = vector.shape_cast %get3A_513 : vector<16xf32> to vector<1x16xf32>
        tpu.vector_store %arg6[%swap3A_514, %swap3A_515], %swap3A_518 {add = true, strides = array<i32>} : memref<64x768xf32, #tpu.memory_space<vmem>>, vector<1x16xf32>,
        %mul3A_519 = arith.constant 16 : i32
        %mul3A_520 = arith.muli %mul3A_519, %and3A_49 : i32
        %get3A_521 = arith.constant 0 : i32
        %get3A_522 = arith.index_cast %get3A_521 : i32 to index
        %get3A_523 = arith.constant 592 : index
        %get3A_524 = tpu.vector_load %arg4[%get3A_522, %get3A_523] {strides = array<i32>} : memref<16x768xf32, #tpu.memory_space<vmem>>, vector<1x16xf32>,
        %get3A_525 = vector.shape_cast %get3A_524 : vector<1x16xf32> to vector<16xf32>
        %swap3A_526 = arith.index_cast %mul3A_520 : i32 to index
        %swap3A_527 = arith.constant 592 : index
        %swap3A_528 = tpu.vector_load %arg6[%swap3A_526, %swap3A_527] {strides = array<i32>} : memref<64x768xf32, #tpu.memory_space<vmem>>, vector<1x16xf32>,
        %swap3A_529 = vector.shape_cast %swap3A_528 : vector<1x16xf32> to vector<16xf32>
        %swap3A_530 = vector.shape_cast %get3A_525 : vector<16xf32> to vector<1x16xf32>
        tpu.vector_store %arg6[%swap3A_526, %swap3A_527], %swap3A_530 {add = true, strides = array<i32>} : memref<64x768xf32, #tpu.memory_space<vmem>>, vector<1x16xf32>,
        %mul3A_531 = arith.constant 16 : i32
        %mul3A_532 = arith.muli %mul3A_531, %and3A_49 : i32
        %get3A_533 = arith.constant 0 : i32
        %get3A_534 = arith.index_cast %get3A_533 : i32 to index
        %get3A_535 = arith.constant 608 : index
        %get3A_536 = tpu.vector_load %arg4[%get3A_534, %get3A_535] {strides = array<i32>} : memref<16x768xf32, #tpu.memory_space<vmem>>, vector<1x16xf32>,
        %get3A_537 = vector.shape_cast %get3A_536 : vector<1x16xf32> to vector<16xf32>
        %swap3A_538 = arith.index_cast %mul3A_532 : i32 to index
        %swap3A_539 = arith.constant 608 : index
        %swap3A_540 = tpu.vector_load %arg6[%swap3A_538, %swap3A_539] {strides = array<i32>} : memref<64x768xf32, #tpu.memory_space<vmem>>, vector<1x16xf32>,
        %swap3A_541 = vector.shape_cast %swap3A_540 : vector<1x16xf32> to vector<16xf32>
        %swap3A_542 = vector.shape_cast %get3A_537 : vector<16xf32> to vector<1x16xf32>
        tpu.vector_store %arg6[%swap3A_538, %swap3A_539], %swap3A_542 {add = true, strides = array<i32>} : memref<64x768xf32, #tpu.memory_space<vmem>>, vector<1x16xf32>,
        %mul3A_543 = arith.constant 16 : i32
        %mul3A_544 = arith.muli %mul3A_543, %and3A_49 : i32
        %get3A_545 = arith.constant 0 : i32
        %get3A_546 = arith.index_cast %get3A_545 : i32 to index
        %get3A_547 = arith.constant 624 : index
        %get3A_548 = tpu.vector_load %arg4[%get3A_546, %get3A_547] {strides = array<i32>} : memref<16x768xf32, #tpu.memory_space<vmem>>, vector<1x16xf32>,
        %get3A_549 = vector.shape_cast %get3A_548 : vector<1x16xf32> to vector<16xf32>
        %swap3A_550 = arith.index_cast %mul3A_544 : i32 to index
        %swap3A_551 = arith.constant 624 : index
        %swap3A_552 = tpu.vector_load %arg6[%swap3A_550, %swap3A_551] {strides = array<i32>} : memref<64x768xf32, #tpu.memory_space<vmem>>, vector<1x16xf32>,
        %swap3A_553 = vector.shape_cast %swap3A_552 : vector<1x16xf32> to vector<16xf32>
        %swap3A_554 = vector.shape_cast %get3A_549 : vector<16xf32> to vector<1x16xf32>
        tpu.vector_store %arg6[%swap3A_550, %swap3A_551], %swap3A_554 {add = true, strides = array<i32>} : memref<64x768xf32, #tpu.memory_space<vmem>>, vector<1x16xf32>,
        %mul3A_555 = arith.constant 16 : i32
        %mul3A_556 = arith.muli %mul3A_555, %and3A_49 : i32
        %get3A_557 = arith.constant 0 : i32
        %get3A_558 = arith.index_cast %get3A_557 : i32 to index
        %get3A_559 = arith.constant 640 : index
        %get3A_560 = tpu.vector_load %arg4[%get3A_558, %get3A_559] {strides = array<i32>} : memref<16x768xf32, #tpu.memory_space<vmem>>, vector<1x16xf32>,
        %get3A_561 = vector.shape_cast %get3A_560 : vector<1x16xf32> to vector<16xf32>
        %swap3A_562 = arith.index_cast %mul3A_556 : i32 to index
        %swap3A_563 = arith.constant 640 : index
        %swap3A_564 = tpu.vector_load %arg6[%swap3A_562, %swap3A_563] {strides = array<i32>} : memref<64x768xf32, #tpu.memory_space<vmem>>, vector<1x16xf32>,
        %swap3A_565 = vector.shape_cast %swap3A_564 : vector<1x16xf32> to vector<16xf32>
        %swap3A_566 = vector.shape_cast %get3A_561 : vector<16xf32> to vector<1x16xf32>
        tpu.vector_store %arg6[%swap3A_562, %swap3A_563], %swap3A_566 {add = true, strides = array<i32>} : memref<64x768xf32, #tpu.memory_space<vmem>>, vector<1x16xf32>,
        %mul3A_567 = arith.constant 16 : i32
        %mul3A_568 = arith.muli %mul3A_567, %and3A_49 : i32
        %get3A_569 = arith.constant 0 : i32
        %get3A_570 = arith.index_cast %get3A_569 : i32 to index
        %get3A_571 = arith.constant 656 : index
        %get3A_572 = tpu.vector_load %arg4[%get3A_570, %get3A_571] {strides = array<i32>} : memref<16x768xf32, #tpu.memory_space<vmem>>, vector<1x16xf32>,
        %get3A_573 = vector.shape_cast %get3A_572 : vector<1x16xf32> to vector<16xf32>
        %swap3A_574 = arith.index_cast %mul3A_568 : i32 to index
        %swap3A_575 = arith.constant 656 : index
        %swap3A_576 = tpu.vector_load %arg6[%swap3A_574, %swap3A_575] {strides = array<i32>} : memref<64x768xf32, #tpu.memory_space<vmem>>, vector<1x16xf32>,
        %swap3A_577 = vector.shape_cast %swap3A_576 : vector<1x16xf32> to vector<16xf32>
        %swap3A_578 = vector.shape_cast %get3A_573 : vector<16xf32> to vector<1x16xf32>
        tpu.vector_store %arg6[%swap3A_574, %swap3A_575], %swap3A_578 {add = true, strides = array<i32>} : memref<64x768xf32, #tpu.memory_space<vmem>>, vector<1x16xf32>,
        %mul3A_579 = arith.constant 16 : i32
        %mul3A_580 = arith.muli %mul3A_579, %and3A_49 : i32
        %get3A_581 = arith.constant 0 : i32
        %get3A_582 = arith.index_cast %get3A_581 : i32 to index
        %get3A_583 = arith.constant 672 : index
        %get3A_584 = tpu.vector_load %arg4[%get3A_582, %get3A_583] {strides = array<i32>} : memref<16x768xf32, #tpu.memory_space<vmem>>, vector<1x16xf32>,
        %get3A_585 = vector.shape_cast %get3A_584 : vector<1x16xf32> to vector<16xf32>
        %swap3A_586 = arith.index_cast %mul3A_580 : i32 to index
        %swap3A_587 = arith.constant 672 : index
        %swap3A_588 = tpu.vector_load %arg6[%swap3A_586, %swap3A_587] {strides = array<i32>} : memref<64x768xf32, #tpu.memory_space<vmem>>, vector<1x16xf32>,
        %swap3A_589 = vector.shape_cast %swap3A_588 : vector<1x16xf32> to vector<16xf32>
        %swap3A_590 = vector.shape_cast %get3A_585 : vector<16xf32> to vector<1x16xf32>
        tpu.vector_store %arg6[%swap3A_586, %swap3A_587], %swap3A_590 {add = true, strides = array<i32>} : memref<64x768xf32, #tpu.memory_space<vmem>>, vector<1x16xf32>,
        %mul3A_591 = arith.constant 16 : i32
        %mul3A_592 = arith.muli %mul3A_591, %and3A_49 : i32
        %get3A_593 = arith.constant 0 : i32
        %get3A_594 = arith.index_cast %get3A_593 : i32 to index
        %get3A_595 = arith.constant 688 : index
        %get3A_596 = tpu.vector_load %arg4[%get3A_594, %get3A_595] {strides = array<i32>} : memref<16x768xf32, #tpu.memory_space<vmem>>, vector<1x16xf32>,
        %get3A_597 = vector.shape_cast %get3A_596 : vector<1x16xf32> to vector<16xf32>
        %swap3A_598 = arith.index_cast %mul3A_592 : i32 to index
        %swap3A_599 = arith.constant 688 : index
        %swap3A_600 = tpu.vector_load %arg6[%swap3A_598, %swap3A_599] {strides = array<i32>} : memref<64x768xf32, #tpu.memory_space<vmem>>, vector<1x16xf32>,
        %swap3A_601 = vector.shape_cast %swap3A_600 : vector<1x16xf32> to vector<16xf32>
        %swap3A_602 = vector.shape_cast %get3A_597 : vector<16xf32> to vector<1x16xf32>
        tpu.vector_store %arg6[%swap3A_598, %swap3A_599], %swap3A_602 {add = true, strides = array<i32>} : memref<64x768xf32, #tpu.memory_space<vmem>>, vector<1x16xf32>,
        %mul3A_603 = arith.constant 16 : i32
        %mul3A_604 = arith.muli %mul3A_603, %and3A_49 : i32
        %get3A_605 = arith.constant 0 : i32
        %get3A_606 = arith.index_cast %get3A_605 : i32 to index
        %get3A_607 = arith.constant 704 : index
        %get3A_608 = tpu.vector_load %arg4[%get3A_606, %get3A_607] {strides = array<i32>} : memref<16x768xf32, #tpu.memory_space<vmem>>, vector<1x16xf32>,
        %get3A_609 = vector.shape_cast %get3A_608 : vector<1x16xf32> to vector<16xf32>
        %swap3A_610 = arith.index_cast %mul3A_604 : i32 to index
        %swap3A_611 = arith.constant 704 : index
        %swap3A_612 = tpu.vector_load %arg6[%swap3A_610, %swap3A_611] {strides = array<i32>} : memref<64x768xf32, #tpu.memory_space<vmem>>, vector<1x16xf32>,
        %swap3A_613 = vector.shape_cast %swap3A_612 : vector<1x16xf32> to vector<16xf32>
        %swap3A_614 = vector.shape_cast %get3A_609 : vector<16xf32> to vector<1x16xf32>
        tpu.vector_store %arg6[%swap3A_610, %swap3A_611], %swap3A_614 {add = true, strides = array<i32>} : memref<64x768xf32, #tpu.memory_space<vmem>>, vector<1x16xf32>,
        %mul3A_615 = arith.constant 16 : i32
        %mul3A_616 = arith.muli %mul3A_615, %and3A_49 : i32
        %get3A_617 = arith.constant 0 : i32
        %get3A_618 = arith.index_cast %get3A_617 : i32 to index
        %get3A_619 = arith.constant 720 : index
        %get3A_620 = tpu.vector_load %arg4[%get3A_618, %get3A_619] {strides = array<i32>} : memref<16x768xf32, #tpu.memory_space<vmem>>, vector<1x16xf32>,
        %get3A_621 = vector.shape_cast %get3A_620 : vector<1x16xf32> to vector<16xf32>
        %swap3A_622 = arith.index_cast %mul3A_616 : i32 to index
        %swap3A_623 = arith.constant 720 : index
        %swap3A_624 = tpu.vector_load %arg6[%swap3A_622, %swap3A_623] {strides = array<i32>} : memref<64x768xf32, #tpu.memory_space<vmem>>, vector<1x16xf32>,
        %swap3A_625 = vector.shape_cast %swap3A_624 : vector<1x16xf32> to vector<16xf32>
        %swap3A_626 = vector.shape_cast %get3A_621 : vector<16xf32> to vector<1x16xf32>
        tpu.vector_store %arg6[%swap3A_622, %swap3A_623], %swap3A_626 {add = true, strides = array<i32>} : memref<64x768xf32, #tpu.memory_space<vmem>>, vector<1x16xf32>,
        %mul3A_627 = arith.constant 16 : i32
        %mul3A_628 = arith.muli %mul3A_627, %and3A_49 : i32
        %get3A_629 = arith.constant 0 : i32
        %get3A_630 = arith.index_cast %get3A_629 : i32 to index
        %get3A_631 = arith.constant 736 : index
        %get3A_632 = tpu.vector_load %arg4[%get3A_630, %get3A_631] {strides = array<i32>} : memref<16x768xf32, #tpu.memory_space<vmem>>, vector<1x16xf32>,
        %get3A_633 = vector.shape_cast %get3A_632 : vector<1x16xf32> to vector<16xf32>
        %swap3A_634 = arith.index_cast %mul3A_628 : i32 to index
        %swap3A_635 = arith.constant 736 : index
        %swap3A_636 = tpu.vector_load %arg6[%swap3A_634, %swap3A_635] {strides = array<i32>} : memref<64x768xf32, #tpu.memory_space<vmem>>, vector<1x16xf32>,
        %swap3A_637 = vector.shape_cast %swap3A_636 : vector<1x16xf32> to vector<16xf32>
        %swap3A_638 = vector.shape_cast %get3A_633 : vector<16xf32> to vector<1x16xf32>
        tpu.vector_store %arg6[%swap3A_634, %swap3A_635], %swap3A_638 {add = true, strides = array<i32>} : memref<64x768xf32, #tpu.memory_space<vmem>>, vector<1x16xf32>,
        %mul3A_639 = arith.constant 16 : i32
        %mul3A_640 = arith.muli %mul3A_639, %and3A_49 : i32
        %get3A_641 = arith.constant 0 : i32
        %get3A_642 = arith.index_cast %get3A_641 : i32 to index
        %get3A_643 = arith.constant 752 : index
        %get3A_644 = tpu.vector_load %arg4[%get3A_642, %get3A_643] {strides = array<i32>} : memref<16x768xf32, #tpu.memory_space<vmem>>, vector<1x16xf32>,
        %get3A_645 = vector.shape_cast %get3A_644 : vector<1x16xf32> to vector<16xf32>
        %swap3A_646 = arith.index_cast %mul3A_640 : i32 to index
        %swap3A_647 = arith.constant 752 : index
        %swap3A_648 = tpu.vector_load %arg6[%swap3A_646, %swap3A_647] {strides = array<i32>} : memref<64x768xf32, #tpu.memory_space<vmem>>, vector<1x16xf32>,
        %swap3A_649 = vector.shape_cast %swap3A_648 : vector<1x16xf32> to vector<16xf32>
        %swap3A_650 = vector.shape_cast %get3A_645 : vector<16xf32> to vector<1x16xf32>
        tpu.vector_store %arg6[%swap3A_646, %swap3A_647], %swap3A_650 {add = true, strides = array<i32>} : memref<64x768xf32, #tpu.memory_space<vmem>>, vector<1x16xf32>,
        %add3A_651 = arith.constant 2 : i32
        %add3A_652 = arith.addi %while3A_48, %add3A_651 : i32
        %lt3A_653 = arith.cmpi slt, %add3A_652, %mul3A_4 : i32
        %convert_element_type3A_654 = arith.extui %lt3A_653 : i1 to i32
        %cond3A_655 = arith.constant 0 : i32
        %cond3A_656 = arith.cmpi ne, %convert_element_type3A_654, %cond3A_655 : i32
        scf.if %cond3A_656 {
          %add3A_657 = arith.constant 2 : i32
          %add3A_658 = arith.addi %while3A_48, %add3A_657 : i32
          %shift_right_arithmetic3A_659 = arith.constant 2 : i32
          %shift_right_arithmetic3A_660 = arith.shrsi %add3A_658, %shift_right_arithmetic3A_659 : i32
          %add3A_661 = arith.constant 1 : i32
          %add3A_662 = arith.addi %shift_right_arithmetic3A_660, %add3A_661 : i32
          %and3A_663 = arith.constant 3 : i32
          %and3A_664 = arith.andi %add3A_658, %and3A_663 : i32
          %mul3A_665 = arith.constant 32 : i32
          %mul3A_666 = arith.muli %mul3A_665, %add3A_662 : i32
          %add3A_667 = arith.addi %mul3A_666, %add3A : i32
          %mul3A_668 = arith.constant 16 : i32
          %mul3A_669 = arith.muli %mul3A_668, %and3A_664 : i32
          %dma_start3A_670 = arith.constant 0 : i32
          %dma_start3A_671 = tpu.memref_slice %arg2[%add3A_667, %mul3A_669, %dma_start3A_670] : memref<196x64x768xf32, #tpu.memory_space<hbm>> -> memref<1x16x768xf32, #tpu.memory_space<hbm>>
          %dma_start3A_672 = tpu.memref_squeeze %dma_start3A_671 : memref<1x16x768xf32, #tpu.memory_space<hbm>> -> memref<16x768xf32, #tpu.memory_space<hbm>>
          %dma_start3A_673 = arith.constant 0 : i32
          %dma_start3A_674 = tpu.memref_slice %arg2[%add3A_667, %mul3A_669, %dma_start3A_673] : memref<196x64x768xf32, #tpu.memory_space<hbm>> -> memref<1x16x768xf32, #tpu.memory_space<hbm>>
          %dma_start3A_675 = tpu.memref_squeeze %dma_start3A_674 : memref<1x16x768xf32, #tpu.memory_space<hbm>> -> memref<16x768xf32, #tpu.memory_space<hbm>>
          tpu.enqueue_dma source(%dma_start3A_675 : memref<16x768xf32, #tpu.memory_space<hbm>>) target(%arg4 : memref<16x768xf32, #tpu.memory_space<vmem>>) target_semaphore(%arg7 : memref<!tpu.dma_semaphore, #tpu.memory_space<semaphore_mem>>)
        } else {
        }
      } else {
      }
      %and3A_54 = arith.constant 1 : i32
      %and3A_55 = arith.andi %while3A_48, %and3A_54 : i32
      %eq3A_56 = arith.constant 1 : i32
      %eq3A_57 = arith.cmpi eq, %and3A_55, %eq3A_56 : i32
      %convert_element_type3A_58 = arith.extui %eq3A_57 : i1 to i32
      %cond3A_59 = arith.constant 0 : i32
      %cond3A_60 = arith.cmpi ne, %convert_element_type3A_58, %cond3A_59 : i32
      scf.if %cond3A_60 {
        %shift_right_arithmetic3A = arith.constant 2 : i32
        %shift_right_arithmetic3A_61 = arith.shrsi %while3A_48, %shift_right_arithmetic3A : i32
        %add3A_62 = arith.constant 1 : i32
        %add3A_63 = arith.addi %shift_right_arithmetic3A_61, %add3A_62 : i32
        %and3A_64 = arith.constant 3 : i32
        %and3A_65 = arith.andi %while3A_48, %and3A_64 : i32
        %mul3A_66 = arith.constant 32 : i32
        %mul3A_67 = arith.muli %mul3A_66, %add3A_63 : i32
        %add3A_68 = arith.addi %mul3A_67, %add3A : i32
        %mul3A_69 = arith.constant 16 : i32
        %mul3A_70 = arith.muli %mul3A_69, %and3A_65 : i32
        %dma_wait3A_71 = arith.constant 0 : i32
        %dma_wait3A_72 = tpu.memref_slice %arg2[%add3A_68, %mul3A_70, %dma_wait3A_71] : memref<196x64x768xf32, #tpu.memory_space<hbm>> -> memref<1x16x768xf32, #tpu.memory_space<hbm>>
        %dma_wait3A_73 = tpu.memref_squeeze %dma_wait3A_72 : memref<1x16x768xf32, #tpu.memory_space<hbm>> -> memref<16x768xf32, #tpu.memory_space<hbm>>
        %dma_wait3A_74 = arith.constant 0 : i32
        %dma_wait3A_75 = tpu.memref_slice %arg2[%add3A_68, %mul3A_70, %dma_wait3A_74] : memref<196x64x768xf32, #tpu.memory_space<hbm>> -> memref<1x16x768xf32, #tpu.memory_space<hbm>>
        %dma_wait3A_76 = tpu.memref_squeeze %dma_wait3A_75 : memref<1x16x768xf32, #tpu.memory_space<hbm>> -> memref<16x768xf32, #tpu.memory_space<hbm>>
        tpu.wait_dma2 semaphore(%arg8 : memref<!tpu.dma_semaphore, #tpu.memory_space<semaphore_mem>>) src(%dma_wait3A_76 : memref<16x768xf32, #tpu.memory_space<hbm>>) dst(%arg5 : memref<16x768xf32, #tpu.memory_space<vmem>>)
        %mul3A_77 = arith.constant 16 : i32
        %mul3A_78 = arith.muli %mul3A_77, %and3A_49 : i32
        %get3A = arith.constant 0 : i32
        %get3A_79 = arith.index_cast %get3A : i32 to index
        %get3A_80 = arith.constant 0 : index
        %get3A_81 = tpu.vector_load %arg5[%get3A_79, %get3A_80] {strides = array<i32>} : memref<16x768xf32, #tpu.memory_space<vmem>>, vector<1x16xf32>,
        %get3A_82 = vector.shape_cast %get3A_81 : vector<1x16xf32> to vector<16xf32>
        %swap3A = arith.index_cast %mul3A_78 : i32 to index
        %swap3A_83 = arith.constant 0 : index
        %swap3A_84 = tpu.vector_load %arg6[%swap3A, %swap3A_83] {strides = array<i32>} : memref<64x768xf32, #tpu.memory_space<vmem>>, vector<1x16xf32>,
        %swap3A_85 = vector.shape_cast %swap3A_84 : vector<1x16xf32> to vector<16xf32>
        %swap3A_86 = vector.shape_cast %get3A_82 : vector<16xf32> to vector<1x16xf32>
        tpu.vector_store %arg6[%swap3A, %swap3A_83], %swap3A_86 {add = true, strides = array<i32>} : memref<64x768xf32, #tpu.memory_space<vmem>>, vector<1x16xf32>,
        %mul3A_87 = arith.constant 16 : i32
        %mul3A_88 = arith.muli %mul3A_87, %and3A_49 : i32
        %get3A_89 = arith.constant 0 : i32
        %get3A_90 = arith.index_cast %get3A_89 : i32 to index
        %get3A_91 = arith.constant 16 : index
        %get3A_92 = tpu.vector_load %arg5[%get3A_90, %get3A_91] {strides = array<i32>} : memref<16x768xf32, #tpu.memory_space<vmem>>, vector<1x16xf32>,
        %get3A_93 = vector.shape_cast %get3A_92 : vector<1x16xf32> to vector<16xf32>
        %swap3A_94 = arith.index_cast %mul3A_88 : i32 to index
        %swap3A_95 = arith.constant 16 : index
        %swap3A_96 = tpu.vector_load %arg6[%swap3A_94, %swap3A_95] {strides = array<i32>} : memref<64x768xf32, #tpu.memory_space<vmem>>, vector<1x16xf32>,
        %swap3A_97 = vector.shape_cast %swap3A_96 : vector<1x16xf32> to vector<16xf32>
        %swap3A_98 = vector.shape_cast %get3A_93 : vector<16xf32> to vector<1x16xf32>
        tpu.vector_store %arg6[%swap3A_94, %swap3A_95], %swap3A_98 {add = true, strides = array<i32>} : memref<64x768xf32, #tpu.memory_space<vmem>>, vector<1x16xf32>,
        %mul3A_99 = arith.constant 16 : i32
        %mul3A_100 = arith.muli %mul3A_99, %and3A_49 : i32
        %get3A_101 = arith.constant 0 : i32
        %get3A_102 = arith.index_cast %get3A_101 : i32 to index
        %get3A_103 = arith.constant 32 : index
        %get3A_104 = tpu.vector_load %arg5[%get3A_102, %get3A_103] {strides = array<i32>} : memref<16x768xf32, #tpu.memory_space<vmem>>, vector<1x16xf32>,
        %get3A_105 = vector.shape_cast %get3A_104 : vector<1x16xf32> to vector<16xf32>
        %swap3A_106 = arith.index_cast %mul3A_100 : i32 to index
        %swap3A_107 = arith.constant 32 : index
        %swap3A_108 = tpu.vector_load %arg6[%swap3A_106, %swap3A_107] {strides = array<i32>} : memref<64x768xf32, #tpu.memory_space<vmem>>, vector<1x16xf32>,
        %swap3A_109 = vector.shape_cast %swap3A_108 : vector<1x16xf32> to vector<16xf32>
        %swap3A_110 = vector.shape_cast %get3A_105 : vector<16xf32> to vector<1x16xf32>
        tpu.vector_store %arg6[%swap3A_106, %swap3A_107], %swap3A_110 {add = true, strides = array<i32>} : memref<64x768xf32, #tpu.memory_space<vmem>>, vector<1x16xf32>,
        %mul3A_111 = arith.constant 16 : i32
        %mul3A_112 = arith.muli %mul3A_111, %and3A_49 : i32
        %get3A_113 = arith.constant 0 : i32
        %get3A_114 = arith.index_cast %get3A_113 : i32 to index
        %get3A_115 = arith.constant 48 : index
        %get3A_116 = tpu.vector_load %arg5[%get3A_114, %get3A_115] {strides = array<i32>} : memref<16x768xf32, #tpu.memory_space<vmem>>, vector<1x16xf32>,
        %get3A_117 = vector.shape_cast %get3A_116 : vector<1x16xf32> to vector<16xf32>
        %swap3A_118 = arith.index_cast %mul3A_112 : i32 to index
        %swap3A_119 = arith.constant 48 : index
        %swap3A_120 = tpu.vector_load %arg6[%swap3A_118, %swap3A_119] {strides = array<i32>} : memref<64x768xf32, #tpu.memory_space<vmem>>, vector<1x16xf32>,
        %swap3A_121 = vector.shape_cast %swap3A_120 : vector<1x16xf32> to vector<16xf32>
        %swap3A_122 = vector.shape_cast %get3A_117 : vector<16xf32> to vector<1x16xf32>
        tpu.vector_store %arg6[%swap3A_118, %swap3A_119], %swap3A_122 {add = true, strides = array<i32>} : memref<64x768xf32, #tpu.memory_space<vmem>>, vector<1x16xf32>,
        %mul3A_123 = arith.constant 16 : i32
        %mul3A_124 = arith.muli %mul3A_123, %and3A_49 : i32
        %get3A_125 = arith.constant 0 : i32
        %get3A_126 = arith.index_cast %get3A_125 : i32 to index
        %get3A_127 = arith.constant 64 : index
        %get3A_128 = tpu.vector_load %arg5[%get3A_126, %get3A_127] {strides = array<i32>} : memref<16x768xf32, #tpu.memory_space<vmem>>, vector<1x16xf32>,
        %get3A_129 = vector.shape_cast %get3A_128 : vector<1x16xf32> to vector<16xf32>
        %swap3A_130 = arith.index_cast %mul3A_124 : i32 to index
        %swap3A_131 = arith.constant 64 : index
        %swap3A_132 = tpu.vector_load %arg6[%swap3A_130, %swap3A_131] {strides = array<i32>} : memref<64x768xf32, #tpu.memory_space<vmem>>, vector<1x16xf32>,
        %swap3A_133 = vector.shape_cast %swap3A_132 : vector<1x16xf32> to vector<16xf32>
        %swap3A_134 = vector.shape_cast %get3A_129 : vector<16xf32> to vector<1x16xf32>
        tpu.vector_store %arg6[%swap3A_130, %swap3A_131], %swap3A_134 {add = true, strides = array<i32>} : memref<64x768xf32, #tpu.memory_space<vmem>>, vector<1x16xf32>,
        %mul3A_135 = arith.constant 16 : i32
        %mul3A_136 = arith.muli %mul3A_135, %and3A_49 : i32
        %get3A_137 = arith.constant 0 : i32
        %get3A_138 = arith.index_cast %get3A_137 : i32 to index
        %get3A_139 = arith.constant 80 : index
        %get3A_140 = tpu.vector_load %arg5[%get3A_138, %get3A_139] {strides = array<i32>} : memref<16x768xf32, #tpu.memory_space<vmem>>, vector<1x16xf32>,
        %get3A_141 = vector.shape_cast %get3A_140 : vector<1x16xf32> to vector<16xf32>
        %swap3A_142 = arith.index_cast %mul3A_136 : i32 to index
        %swap3A_143 = arith.constant 80 : index
        %swap3A_144 = tpu.vector_load %arg6[%swap3A_142, %swap3A_143] {strides = array<i32>} : memref<64x768xf32, #tpu.memory_space<vmem>>, vector<1x16xf32>,
        %swap3A_145 = vector.shape_cast %swap3A_144 : vector<1x16xf32> to vector<16xf32>
        %swap3A_146 = vector.shape_cast %get3A_141 : vector<16xf32> to vector<1x16xf32>
        tpu.vector_store %arg6[%swap3A_142, %swap3A_143], %swap3A_146 {add = true, strides = array<i32>} : memref<64x768xf32, #tpu.memory_space<vmem>>, vector<1x16xf32>,
        %mul3A_147 = arith.constant 16 : i32
        %mul3A_148 = arith.muli %mul3A_147, %and3A_49 : i32
        %get3A_149 = arith.constant 0 : i32
        %get3A_150 = arith.index_cast %get3A_149 : i32 to index
        %get3A_151 = arith.constant 96 : index
        %get3A_152 = tpu.vector_load %arg5[%get3A_150, %get3A_151] {strides = array<i32>} : memref<16x768xf32, #tpu.memory_space<vmem>>, vector<1x16xf32>,
        %get3A_153 = vector.shape_cast %get3A_152 : vector<1x16xf32> to vector<16xf32>
        %swap3A_154 = arith.index_cast %mul3A_148 : i32 to index
        %swap3A_155 = arith.constant 96 : index
        %swap3A_156 = tpu.vector_load %arg6[%swap3A_154, %swap3A_155] {strides = array<i32>} : memref<64x768xf32, #tpu.memory_space<vmem>>, vector<1x16xf32>,
        %swap3A_157 = vector.shape_cast %swap3A_156 : vector<1x16xf32> to vector<16xf32>
        %swap3A_158 = vector.shape_cast %get3A_153 : vector<16xf32> to vector<1x16xf32>
        tpu.vector_store %arg6[%swap3A_154, %swap3A_155], %swap3A_158 {add = true, strides = array<i32>} : memref<64x768xf32, #tpu.memory_space<vmem>>, vector<1x16xf32>,
        %mul3A_159 = arith.constant 16 : i32
        %mul3A_160 = arith.muli %mul3A_159, %and3A_49 : i32
        %get3A_161 = arith.constant 0 : i32
        %get3A_162 = arith.index_cast %get3A_161 : i32 to index
        %get3A_163 = arith.constant 112 : index
        %get3A_164 = tpu.vector_load %arg5[%get3A_162, %get3A_163] {strides = array<i32>} : memref<16x768xf32, #tpu.memory_space<vmem>>, vector<1x16xf32>,
        %get3A_165 = vector.shape_cast %get3A_164 : vector<1x16xf32> to vector<16xf32>
        %swap3A_166 = arith.index_cast %mul3A_160 : i32 to index
        %swap3A_167 = arith.constant 112 : index
        %swap3A_168 = tpu.vector_load %arg6[%swap3A_166, %swap3A_167] {strides = array<i32>} : memref<64x768xf32, #tpu.memory_space<vmem>>, vector<1x16xf32>,
        %swap3A_169 = vector.shape_cast %swap3A_168 : vector<1x16xf32> to vector<16xf32>
        %swap3A_170 = vector.shape_cast %get3A_165 : vector<16xf32> to vector<1x16xf32>
        tpu.vector_store %arg6[%swap3A_166, %swap3A_167], %swap3A_170 {add = true, strides = array<i32>} : memref<64x768xf32, #tpu.memory_space<vmem>>, vector<1x16xf32>,
        %mul3A_171 = arith.constant 16 : i32
        %mul3A_172 = arith.muli %mul3A_171, %and3A_49 : i32
        %get3A_173 = arith.constant 0 : i32
        %get3A_174 = arith.index_cast %get3A_173 : i32 to index
        %get3A_175 = arith.constant 128 : index
        %get3A_176 = tpu.vector_load %arg5[%get3A_174, %get3A_175] {strides = array<i32>} : memref<16x768xf32, #tpu.memory_space<vmem>>, vector<1x16xf32>,
        %get3A_177 = vector.shape_cast %get3A_176 : vector<1x16xf32> to vector<16xf32>
        %swap3A_178 = arith.index_cast %mul3A_172 : i32 to index
        %swap3A_179 = arith.constant 128 : index
        %swap3A_180 = tpu.vector_load %arg6[%swap3A_178, %swap3A_179] {strides = array<i32>} : memref<64x768xf32, #tpu.memory_space<vmem>>, vector<1x16xf32>,
        %swap3A_181 = vector.shape_cast %swap3A_180 : vector<1x16xf32> to vector<16xf32>
        %swap3A_182 = vector.shape_cast %get3A_177 : vector<16xf32> to vector<1x16xf32>
        tpu.vector_store %arg6[%swap3A_178, %swap3A_179], %swap3A_182 {add = true, strides = array<i32>} : memref<64x768xf32, #tpu.memory_space<vmem>>, vector<1x16xf32>,
        %mul3A_183 = arith.constant 16 : i32
        %mul3A_184 = arith.muli %mul3A_183, %and3A_49 : i32
        %get3A_185 = arith.constant 0 : i32
        %get3A_186 = arith.index_cast %get3A_185 : i32 to index
        %get3A_187 = arith.constant 144 : index
        %get3A_188 = tpu.vector_load %arg5[%get3A_186, %get3A_187] {strides = array<i32>} : memref<16x768xf32, #tpu.memory_space<vmem>>, vector<1x16xf32>,
        %get3A_189 = vector.shape_cast %get3A_188 : vector<1x16xf32> to vector<16xf32>
        %swap3A_190 = arith.index_cast %mul3A_184 : i32 to index
        %swap3A_191 = arith.constant 144 : index
        %swap3A_192 = tpu.vector_load %arg6[%swap3A_190, %swap3A_191] {strides = array<i32>} : memref<64x768xf32, #tpu.memory_space<vmem>>, vector<1x16xf32>,
        %swap3A_193 = vector.shape_cast %swap3A_192 : vector<1x16xf32> to vector<16xf32>
        %swap3A_194 = vector.shape_cast %get3A_189 : vector<16xf32> to vector<1x16xf32>
        tpu.vector_store %arg6[%swap3A_190, %swap3A_191], %swap3A_194 {add = true, strides = array<i32>} : memref<64x768xf32, #tpu.memory_space<vmem>>, vector<1x16xf32>,
        %mul3A_195 = arith.constant 16 : i32
        %mul3A_196 = arith.muli %mul3A_195, %and3A_49 : i32
        %get3A_197 = arith.constant 0 : i32
        %get3A_198 = arith.index_cast %get3A_197 : i32 to index
        %get3A_199 = arith.constant 160 : index
        %get3A_200 = tpu.vector_load %arg5[%get3A_198, %get3A_199] {strides = array<i32>} : memref<16x768xf32, #tpu.memory_space<vmem>>, vector<1x16xf32>,
        %get3A_201 = vector.shape_cast %get3A_200 : vector<1x16xf32> to vector<16xf32>
        %swap3A_202 = arith.index_cast %mul3A_196 : i32 to index
        %swap3A_203 = arith.constant 160 : index
        %swap3A_204 = tpu.vector_load %arg6[%swap3A_202, %swap3A_203] {strides = array<i32>} : memref<64x768xf32, #tpu.memory_space<vmem>>, vector<1x16xf32>,
        %swap3A_205 = vector.shape_cast %swap3A_204 : vector<1x16xf32> to vector<16xf32>
        %swap3A_206 = vector.shape_cast %get3A_201 : vector<16xf32> to vector<1x16xf32>
        tpu.vector_store %arg6[%swap3A_202, %swap3A_203], %swap3A_206 {add = true, strides = array<i32>} : memref<64x768xf32, #tpu.memory_space<vmem>>, vector<1x16xf32>,
        %mul3A_207 = arith.constant 16 : i32
        %mul3A_208 = arith.muli %mul3A_207, %and3A_49 : i32
        %get3A_209 = arith.constant 0 : i32
        %get3A_210 = arith.index_cast %get3A_209 : i32 to index
        %get3A_211 = arith.constant 176 : index
        %get3A_212 = tpu.vector_load %arg5[%get3A_210, %get3A_211] {strides = array<i32>} : memref<16x768xf32, #tpu.memory_space<vmem>>, vector<1x16xf32>,
        %get3A_213 = vector.shape_cast %get3A_212 : vector<1x16xf32> to vector<16xf32>
        %swap3A_214 = arith.index_cast %mul3A_208 : i32 to index
        %swap3A_215 = arith.constant 176 : index
        %swap3A_216 = tpu.vector_load %arg6[%swap3A_214, %swap3A_215] {strides = array<i32>} : memref<64x768xf32, #tpu.memory_space<vmem>>, vector<1x16xf32>,
        %swap3A_217 = vector.shape_cast %swap3A_216 : vector<1x16xf32> to vector<16xf32>
        %swap3A_218 = vector.shape_cast %get3A_213 : vector<16xf32> to vector<1x16xf32>
        tpu.vector_store %arg6[%swap3A_214, %swap3A_215], %swap3A_218 {add = true, strides = array<i32>} : memref<64x768xf32, #tpu.memory_space<vmem>>, vector<1x16xf32>,
        %mul3A_219 = arith.constant 16 : i32
        %mul3A_220 = arith.muli %mul3A_219, %and3A_49 : i32
        %get3A_221 = arith.constant 0 : i32
        %get3A_222 = arith.index_cast %get3A_221 : i32 to index
        %get3A_223 = arith.constant 192 : index
        %get3A_224 = tpu.vector_load %arg5[%get3A_222, %get3A_223] {strides = array<i32>} : memref<16x768xf32, #tpu.memory_space<vmem>>, vector<1x16xf32>,
        %get3A_225 = vector.shape_cast %get3A_224 : vector<1x16xf32> to vector<16xf32>
        %swap3A_226 = arith.index_cast %mul3A_220 : i32 to index
        %swap3A_227 = arith.constant 192 : index
        %swap3A_228 = tpu.vector_load %arg6[%swap3A_226, %swap3A_227] {strides = array<i32>} : memref<64x768xf32, #tpu.memory_space<vmem>>, vector<1x16xf32>,
        %swap3A_229 = vector.shape_cast %swap3A_228 : vector<1x16xf32> to vector<16xf32>
        %swap3A_230 = vector.shape_cast %get3A_225 : vector<16xf32> to vector<1x16xf32>
        tpu.vector_store %arg6[%swap3A_226, %swap3A_227], %swap3A_230 {add = true, strides = array<i32>} : memref<64x768xf32, #tpu.memory_space<vmem>>, vector<1x16xf32>,
        %mul3A_231 = arith.constant 16 : i32
        %mul3A_232 = arith.muli %mul3A_231, %and3A_49 : i32
        %get3A_233 = arith.constant 0 : i32
        %get3A_234 = arith.index_cast %get3A_233 : i32 to index
        %get3A_235 = arith.constant 208 : index
        %get3A_236 = tpu.vector_load %arg5[%get3A_234, %get3A_235] {strides = array<i32>} : memref<16x768xf32, #tpu.memory_space<vmem>>, vector<1x16xf32>,
        %get3A_237 = vector.shape_cast %get3A_236 : vector<1x16xf32> to vector<16xf32>
        %swap3A_238 = arith.index_cast %mul3A_232 : i32 to index
        %swap3A_239 = arith.constant 208 : index
        %swap3A_240 = tpu.vector_load %arg6[%swap3A_238, %swap3A_239] {strides = array<i32>} : memref<64x768xf32, #tpu.memory_space<vmem>>, vector<1x16xf32>,
        %swap3A_241 = vector.shape_cast %swap3A_240 : vector<1x16xf32> to vector<16xf32>
        %swap3A_242 = vector.shape_cast %get3A_237 : vector<16xf32> to vector<1x16xf32>
        tpu.vector_store %arg6[%swap3A_238, %swap3A_239], %swap3A_242 {add = true, strides = array<i32>} : memref<64x768xf32, #tpu.memory_space<vmem>>, vector<1x16xf32>,
        %mul3A_243 = arith.constant 16 : i32
        %mul3A_244 = arith.muli %mul3A_243, %and3A_49 : i32
        %get3A_245 = arith.constant 0 : i32
        %get3A_246 = arith.index_cast %get3A_245 : i32 to index
        %get3A_247 = arith.constant 224 : index
        %get3A_248 = tpu.vector_load %arg5[%get3A_246, %get3A_247] {strides = array<i32>} : memref<16x768xf32, #tpu.memory_space<vmem>>, vector<1x16xf32>,
        %get3A_249 = vector.shape_cast %get3A_248 : vector<1x16xf32> to vector<16xf32>
        %swap3A_250 = arith.index_cast %mul3A_244 : i32 to index
        %swap3A_251 = arith.constant 224 : index
        %swap3A_252 = tpu.vector_load %arg6[%swap3A_250, %swap3A_251] {strides = array<i32>} : memref<64x768xf32, #tpu.memory_space<vmem>>, vector<1x16xf32>,
        %swap3A_253 = vector.shape_cast %swap3A_252 : vector<1x16xf32> to vector<16xf32>
        %swap3A_254 = vector.shape_cast %get3A_249 : vector<16xf32> to vector<1x16xf32>
        tpu.vector_store %arg6[%swap3A_250, %swap3A_251], %swap3A_254 {add = true, strides = array<i32>} : memref<64x768xf32, #tpu.memory_space<vmem>>, vector<1x16xf32>,
        %mul3A_255 = arith.constant 16 : i32
        %mul3A_256 = arith.muli %mul3A_255, %and3A_49 : i32
        %get3A_257 = arith.constant 0 : i32
        %get3A_258 = arith.index_cast %get3A_257 : i32 to index
        %get3A_259 = arith.constant 240 : index
        %get3A_260 = tpu.vector_load %arg5[%get3A_258, %get3A_259] {strides = array<i32>} : memref<16x768xf32, #tpu.memory_space<vmem>>, vector<1x16xf32>,
        %get3A_261 = vector.shape_cast %get3A_260 : vector<1x16xf32> to vector<16xf32>
        %swap3A_262 = arith.index_cast %mul3A_256 : i32 to index
        %swap3A_263 = arith.constant 240 : index
        %swap3A_264 = tpu.vector_load %arg6[%swap3A_262, %swap3A_263] {strides = array<i32>} : memref<64x768xf32, #tpu.memory_space<vmem>>, vector<1x16xf32>,
        %swap3A_265 = vector.shape_cast %swap3A_264 : vector<1x16xf32> to vector<16xf32>
        %swap3A_266 = vector.shape_cast %get3A_261 : vector<16xf32> to vector<1x16xf32>
        tpu.vector_store %arg6[%swap3A_262, %swap3A_263], %swap3A_266 {add = true, strides = array<i32>} : memref<64x768xf32, #tpu.memory_space<vmem>>, vector<1x16xf32>,
        %mul3A_267 = arith.constant 16 : i32
        %mul3A_268 = arith.muli %mul3A_267, %and3A_49 : i32
        %get3A_269 = arith.constant 0 : i32
        %get3A_270 = arith.index_cast %get3A_269 : i32 to index
        %get3A_271 = arith.constant 256 : index
        %get3A_272 = tpu.vector_load %arg5[%get3A_270, %get3A_271] {strides = array<i32>} : memref<16x768xf32, #tpu.memory_space<vmem>>, vector<1x16xf32>,
        %get3A_273 = vector.shape_cast %get3A_272 : vector<1x16xf32> to vector<16xf32>
        %swap3A_274 = arith.index_cast %mul3A_268 : i32 to index
        %swap3A_275 = arith.constant 256 : index
        %swap3A_276 = tpu.vector_load %arg6[%swap3A_274, %swap3A_275] {strides = array<i32>} : memref<64x768xf32, #tpu.memory_space<vmem>>, vector<1x16xf32>,
        %swap3A_277 = vector.shape_cast %swap3A_276 : vector<1x16xf32> to vector<16xf32>
        %swap3A_278 = vector.shape_cast %get3A_273 : vector<16xf32> to vector<1x16xf32>
        tpu.vector_store %arg6[%swap3A_274, %swap3A_275], %swap3A_278 {add = true, strides = array<i32>} : memref<64x768xf32, #tpu.memory_space<vmem>>, vector<1x16xf32>,
        %mul3A_279 = arith.constant 16 : i32
        %mul3A_280 = arith.muli %mul3A_279, %and3A_49 : i32
        %get3A_281 = arith.constant 0 : i32
        %get3A_282 = arith.index_cast %get3A_281 : i32 to index
        %get3A_283 = arith.constant 272 : index
        %get3A_284 = tpu.vector_load %arg5[%get3A_282, %get3A_283] {strides = array<i32>} : memref<16x768xf32, #tpu.memory_space<vmem>>, vector<1x16xf32>,
        %get3A_285 = vector.shape_cast %get3A_284 : vector<1x16xf32> to vector<16xf32>
        %swap3A_286 = arith.index_cast %mul3A_280 : i32 to index
        %swap3A_287 = arith.constant 272 : index
        %swap3A_288 = tpu.vector_load %arg6[%swap3A_286, %swap3A_287] {strides = array<i32>} : memref<64x768xf32, #tpu.memory_space<vmem>>, vector<1x16xf32>,
        %swap3A_289 = vector.shape_cast %swap3A_288 : vector<1x16xf32> to vector<16xf32>
        %swap3A_290 = vector.shape_cast %get3A_285 : vector<16xf32> to vector<1x16xf32>
        tpu.vector_store %arg6[%swap3A_286, %swap3A_287], %swap3A_290 {add = true, strides = array<i32>} : memref<64x768xf32, #tpu.memory_space<vmem>>, vector<1x16xf32>,
        %mul3A_291 = arith.constant 16 : i32
        %mul3A_292 = arith.muli %mul3A_291, %and3A_49 : i32
        %get3A_293 = arith.constant 0 : i32
        %get3A_294 = arith.index_cast %get3A_293 : i32 to index
        %get3A_295 = arith.constant 288 : index
        %get3A_296 = tpu.vector_load %arg5[%get3A_294, %get3A_295] {strides = array<i32>} : memref<16x768xf32, #tpu.memory_space<vmem>>, vector<1x16xf32>,
        %get3A_297 = vector.shape_cast %get3A_296 : vector<1x16xf32> to vector<16xf32>
        %swap3A_298 = arith.index_cast %mul3A_292 : i32 to index
        %swap3A_299 = arith.constant 288 : index
        %swap3A_300 = tpu.vector_load %arg6[%swap3A_298, %swap3A_299] {strides = array<i32>} : memref<64x768xf32, #tpu.memory_space<vmem>>, vector<1x16xf32>,
        %swap3A_301 = vector.shape_cast %swap3A_300 : vector<1x16xf32> to vector<16xf32>
        %swap3A_302 = vector.shape_cast %get3A_297 : vector<16xf32> to vector<1x16xf32>
        tpu.vector_store %arg6[%swap3A_298, %swap3A_299], %swap3A_302 {add = true, strides = array<i32>} : memref<64x768xf32, #tpu.memory_space<vmem>>, vector<1x16xf32>,
        %mul3A_303 = arith.constant 16 : i32
        %mul3A_304 = arith.muli %mul3A_303, %and3A_49 : i32
        %get3A_305 = arith.constant 0 : i32
        %get3A_306 = arith.index_cast %get3A_305 : i32 to index
        %get3A_307 = arith.constant 304 : index
        %get3A_308 = tpu.vector_load %arg5[%get3A_306, %get3A_307] {strides = array<i32>} : memref<16x768xf32, #tpu.memory_space<vmem>>, vector<1x16xf32>,
        %get3A_309 = vector.shape_cast %get3A_308 : vector<1x16xf32> to vector<16xf32>
        %swap3A_310 = arith.index_cast %mul3A_304 : i32 to index
        %swap3A_311 = arith.constant 304 : index
        %swap3A_312 = tpu.vector_load %arg6[%swap3A_310, %swap3A_311] {strides = array<i32>} : memref<64x768xf32, #tpu.memory_space<vmem>>, vector<1x16xf32>,
        %swap3A_313 = vector.shape_cast %swap3A_312 : vector<1x16xf32> to vector<16xf32>
        %swap3A_314 = vector.shape_cast %get3A_309 : vector<16xf32> to vector<1x16xf32>
        tpu.vector_store %arg6[%swap3A_310, %swap3A_311], %swap3A_314 {add = true, strides = array<i32>} : memref<64x768xf32, #tpu.memory_space<vmem>>, vector<1x16xf32>,
        %mul3A_315 = arith.constant 16 : i32
        %mul3A_316 = arith.muli %mul3A_315, %and3A_49 : i32
        %get3A_317 = arith.constant 0 : i32
        %get3A_318 = arith.index_cast %get3A_317 : i32 to index
        %get3A_319 = arith.constant 320 : index
        %get3A_320 = tpu.vector_load %arg5[%get3A_318, %get3A_319] {strides = array<i32>} : memref<16x768xf32, #tpu.memory_space<vmem>>, vector<1x16xf32>,
        %get3A_321 = vector.shape_cast %get3A_320 : vector<1x16xf32> to vector<16xf32>
        %swap3A_322 = arith.index_cast %mul3A_316 : i32 to index
        %swap3A_323 = arith.constant 320 : index
        %swap3A_324 = tpu.vector_load %arg6[%swap3A_322, %swap3A_323] {strides = array<i32>} : memref<64x768xf32, #tpu.memory_space<vmem>>, vector<1x16xf32>,
        %swap3A_325 = vector.shape_cast %swap3A_324 : vector<1x16xf32> to vector<16xf32>
        %swap3A_326 = vector.shape_cast %get3A_321 : vector<16xf32> to vector<1x16xf32>
        tpu.vector_store %arg6[%swap3A_322, %swap3A_323], %swap3A_326 {add = true, strides = array<i32>} : memref<64x768xf32, #tpu.memory_space<vmem>>, vector<1x16xf32>,
        %mul3A_327 = arith.constant 16 : i32
        %mul3A_328 = arith.muli %mul3A_327, %and3A_49 : i32
        %get3A_329 = arith.constant 0 : i32
        %get3A_330 = arith.index_cast %get3A_329 : i32 to index
        %get3A_331 = arith.constant 336 : index
        %get3A_332 = tpu.vector_load %arg5[%get3A_330, %get3A_331] {strides = array<i32>} : memref<16x768xf32, #tpu.memory_space<vmem>>, vector<1x16xf32>,
        %get3A_333 = vector.shape_cast %get3A_332 : vector<1x16xf32> to vector<16xf32>
        %swap3A_334 = arith.index_cast %mul3A_328 : i32 to index
        %swap3A_335 = arith.constant 336 : index
        %swap3A_336 = tpu.vector_load %arg6[%swap3A_334, %swap3A_335] {strides = array<i32>} : memref<64x768xf32, #tpu.memory_space<vmem>>, vector<1x16xf32>,
        %swap3A_337 = vector.shape_cast %swap3A_336 : vector<1x16xf32> to vector<16xf32>
        %swap3A_338 = vector.shape_cast %get3A_333 : vector<16xf32> to vector<1x16xf32>
        tpu.vector_store %arg6[%swap3A_334, %swap3A_335], %swap3A_338 {add = true, strides = array<i32>} : memref<64x768xf32, #tpu.memory_space<vmem>>, vector<1x16xf32>,
        %mul3A_339 = arith.constant 16 : i32
        %mul3A_340 = arith.muli %mul3A_339, %and3A_49 : i32
        %get3A_341 = arith.constant 0 : i32
        %get3A_342 = arith.index_cast %get3A_341 : i32 to index
        %get3A_343 = arith.constant 352 : index
        %get3A_344 = tpu.vector_load %arg5[%get3A_342, %get3A_343] {strides = array<i32>} : memref<16x768xf32, #tpu.memory_space<vmem>>, vector<1x16xf32>,
        %get3A_345 = vector.shape_cast %get3A_344 : vector<1x16xf32> to vector<16xf32>
        %swap3A_346 = arith.index_cast %mul3A_340 : i32 to index
        %swap3A_347 = arith.constant 352 : index
        %swap3A_348 = tpu.vector_load %arg6[%swap3A_346, %swap3A_347] {strides = array<i32>} : memref<64x768xf32, #tpu.memory_space<vmem>>, vector<1x16xf32>,
        %swap3A_349 = vector.shape_cast %swap3A_348 : vector<1x16xf32> to vector<16xf32>
        %swap3A_350 = vector.shape_cast %get3A_345 : vector<16xf32> to vector<1x16xf32>
        tpu.vector_store %arg6[%swap3A_346, %swap3A_347], %swap3A_350 {add = true, strides = array<i32>} : memref<64x768xf32, #tpu.memory_space<vmem>>, vector<1x16xf32>,
        %mul3A_351 = arith.constant 16 : i32
        %mul3A_352 = arith.muli %mul3A_351, %and3A_49 : i32
        %get3A_353 = arith.constant 0 : i32
        %get3A_354 = arith.index_cast %get3A_353 : i32 to index
        %get3A_355 = arith.constant 368 : index
        %get3A_356 = tpu.vector_load %arg5[%get3A_354, %get3A_355] {strides = array<i32>} : memref<16x768xf32, #tpu.memory_space<vmem>>, vector<1x16xf32>,
        %get3A_357 = vector.shape_cast %get3A_356 : vector<1x16xf32> to vector<16xf32>
        %swap3A_358 = arith.index_cast %mul3A_352 : i32 to index
        %swap3A_359 = arith.constant 368 : index
        %swap3A_360 = tpu.vector_load %arg6[%swap3A_358, %swap3A_359] {strides = array<i32>} : memref<64x768xf32, #tpu.memory_space<vmem>>, vector<1x16xf32>,
        %swap3A_361 = vector.shape_cast %swap3A_360 : vector<1x16xf32> to vector<16xf32>
        %swap3A_362 = vector.shape_cast %get3A_357 : vector<16xf32> to vector<1x16xf32>
        tpu.vector_store %arg6[%swap3A_358, %swap3A_359], %swap3A_362 {add = true, strides = array<i32>} : memref<64x768xf32, #tpu.memory_space<vmem>>, vector<1x16xf32>,
        %mul3A_363 = arith.constant 16 : i32
        %mul3A_364 = arith.muli %mul3A_363, %and3A_49 : i32
        %get3A_365 = arith.constant 0 : i32
        %get3A_366 = arith.index_cast %get3A_365 : i32 to index
        %get3A_367 = arith.constant 384 : index
        %get3A_368 = tpu.vector_load %arg5[%get3A_366, %get3A_367] {strides = array<i32>} : memref<16x768xf32, #tpu.memory_space<vmem>>, vector<1x16xf32>,
        %get3A_369 = vector.shape_cast %get3A_368 : vector<1x16xf32> to vector<16xf32>
        %swap3A_370 = arith.index_cast %mul3A_364 : i32 to index
        %swap3A_371 = arith.constant 384 : index
        %swap3A_372 = tpu.vector_load %arg6[%swap3A_370, %swap3A_371] {strides = array<i32>} : memref<64x768xf32, #tpu.memory_space<vmem>>, vector<1x16xf32>,
        %swap3A_373 = vector.shape_cast %swap3A_372 : vector<1x16xf32> to vector<16xf32>
        %swap3A_374 = vector.shape_cast %get3A_369 : vector<16xf32> to vector<1x16xf32>
        tpu.vector_store %arg6[%swap3A_370, %swap3A_371], %swap3A_374 {add = true, strides = array<i32>} : memref<64x768xf32, #tpu.memory_space<vmem>>, vector<1x16xf32>,
        %mul3A_375 = arith.constant 16 : i32
        %mul3A_376 = arith.muli %mul3A_375, %and3A_49 : i32
        %get3A_377 = arith.constant 0 : i32
        %get3A_378 = arith.index_cast %get3A_377 : i32 to index
        %get3A_379 = arith.constant 400 : index
        %get3A_380 = tpu.vector_load %arg5[%get3A_378, %get3A_379] {strides = array<i32>} : memref<16x768xf32, #tpu.memory_space<vmem>>, vector<1x16xf32>,
        %get3A_381 = vector.shape_cast %get3A_380 : vector<1x16xf32> to vector<16xf32>
        %swap3A_382 = arith.index_cast %mul3A_376 : i32 to index
        %swap3A_383 = arith.constant 400 : index
        %swap3A_384 = tpu.vector_load %arg6[%swap3A_382, %swap3A_383] {strides = array<i32>} : memref<64x768xf32, #tpu.memory_space<vmem>>, vector<1x16xf32>,
        %swap3A_385 = vector.shape_cast %swap3A_384 : vector<1x16xf32> to vector<16xf32>
        %swap3A_386 = vector.shape_cast %get3A_381 : vector<16xf32> to vector<1x16xf32>
        tpu.vector_store %arg6[%swap3A_382, %swap3A_383], %swap3A_386 {add = true, strides = array<i32>} : memref<64x768xf32, #tpu.memory_space<vmem>>, vector<1x16xf32>,
        %mul3A_387 = arith.constant 16 : i32
        %mul3A_388 = arith.muli %mul3A_387, %and3A_49 : i32
        %get3A_389 = arith.constant 0 : i32
        %get3A_390 = arith.index_cast %get3A_389 : i32 to index
        %get3A_391 = arith.constant 416 : index
        %get3A_392 = tpu.vector_load %arg5[%get3A_390, %get3A_391] {strides = array<i32>} : memref<16x768xf32, #tpu.memory_space<vmem>>, vector<1x16xf32>,
        %get3A_393 = vector.shape_cast %get3A_392 : vector<1x16xf32> to vector<16xf32>
        %swap3A_394 = arith.index_cast %mul3A_388 : i32 to index
        %swap3A_395 = arith.constant 416 : index
        %swap3A_396 = tpu.vector_load %arg6[%swap3A_394, %swap3A_395] {strides = array<i32>} : memref<64x768xf32, #tpu.memory_space<vmem>>, vector<1x16xf32>,
        %swap3A_397 = vector.shape_cast %swap3A_396 : vector<1x16xf32> to vector<16xf32>
        %swap3A_398 = vector.shape_cast %get3A_393 : vector<16xf32> to vector<1x16xf32>
        tpu.vector_store %arg6[%swap3A_394, %swap3A_395], %swap3A_398 {add = true, strides = array<i32>} : memref<64x768xf32, #tpu.memory_space<vmem>>, vector<1x16xf32>,
        %mul3A_399 = arith.constant 16 : i32
        %mul3A_400 = arith.muli %mul3A_399, %and3A_49 : i32
        %get3A_401 = arith.constant 0 : i32
        %get3A_402 = arith.index_cast %get3A_401 : i32 to index
        %get3A_403 = arith.constant 432 : index
        %get3A_404 = tpu.vector_load %arg5[%get3A_402, %get3A_403] {strides = array<i32>} : memref<16x768xf32, #tpu.memory_space<vmem>>, vector<1x16xf32>,
        %get3A_405 = vector.shape_cast %get3A_404 : vector<1x16xf32> to vector<16xf32>
        %swap3A_406 = arith.index_cast %mul3A_400 : i32 to index
        %swap3A_407 = arith.constant 432 : index
        %swap3A_408 = tpu.vector_load %arg6[%swap3A_406, %swap3A_407] {strides = array<i32>} : memref<64x768xf32, #tpu.memory_space<vmem>>, vector<1x16xf32>,
        %swap3A_409 = vector.shape_cast %swap3A_408 : vector<1x16xf32> to vector<16xf32>
        %swap3A_410 = vector.shape_cast %get3A_405 : vector<16xf32> to vector<1x16xf32>
        tpu.vector_store %arg6[%swap3A_406, %swap3A_407], %swap3A_410 {add = true, strides = array<i32>} : memref<64x768xf32, #tpu.memory_space<vmem>>, vector<1x16xf32>,
        %mul3A_411 = arith.constant 16 : i32
        %mul3A_412 = arith.muli %mul3A_411, %and3A_49 : i32
        %get3A_413 = arith.constant 0 : i32
        %get3A_414 = arith.index_cast %get3A_413 : i32 to index
        %get3A_415 = arith.constant 448 : index
        %get3A_416 = tpu.vector_load %arg5[%get3A_414, %get3A_415] {strides = array<i32>} : memref<16x768xf32, #tpu.memory_space<vmem>>, vector<1x16xf32>,
        %get3A_417 = vector.shape_cast %get3A_416 : vector<1x16xf32> to vector<16xf32>
        %swap3A_418 = arith.index_cast %mul3A_412 : i32 to index
        %swap3A_419 = arith.constant 448 : index
        %swap3A_420 = tpu.vector_load %arg6[%swap3A_418, %swap3A_419] {strides = array<i32>} : memref<64x768xf32, #tpu.memory_space<vmem>>, vector<1x16xf32>,
        %swap3A_421 = vector.shape_cast %swap3A_420 : vector<1x16xf32> to vector<16xf32>
        %swap3A_422 = vector.shape_cast %get3A_417 : vector<16xf32> to vector<1x16xf32>
        tpu.vector_store %arg6[%swap3A_418, %swap3A_419], %swap3A_422 {add = true, strides = array<i32>} : memref<64x768xf32, #tpu.memory_space<vmem>>, vector<1x16xf32>,
        %mul3A_423 = arith.constant 16 : i32
        %mul3A_424 = arith.muli %mul3A_423, %and3A_49 : i32
        %get3A_425 = arith.constant 0 : i32
        %get3A_426 = arith.index_cast %get3A_425 : i32 to index
        %get3A_427 = arith.constant 464 : index
        %get3A_428 = tpu.vector_load %arg5[%get3A_426, %get3A_427] {strides = array<i32>} : memref<16x768xf32, #tpu.memory_space<vmem>>, vector<1x16xf32>,
        %get3A_429 = vector.shape_cast %get3A_428 : vector<1x16xf32> to vector<16xf32>
        %swap3A_430 = arith.index_cast %mul3A_424 : i32 to index
        %swap3A_431 = arith.constant 464 : index
        %swap3A_432 = tpu.vector_load %arg6[%swap3A_430, %swap3A_431] {strides = array<i32>} : memref<64x768xf32, #tpu.memory_space<vmem>>, vector<1x16xf32>,
        %swap3A_433 = vector.shape_cast %swap3A_432 : vector<1x16xf32> to vector<16xf32>
        %swap3A_434 = vector.shape_cast %get3A_429 : vector<16xf32> to vector<1x16xf32>
        tpu.vector_store %arg6[%swap3A_430, %swap3A_431], %swap3A_434 {add = true, strides = array<i32>} : memref<64x768xf32, #tpu.memory_space<vmem>>, vector<1x16xf32>,
        %mul3A_435 = arith.constant 16 : i32
        %mul3A_436 = arith.muli %mul3A_435, %and3A_49 : i32
        %get3A_437 = arith.constant 0 : i32
        %get3A_438 = arith.index_cast %get3A_437 : i32 to index
        %get3A_439 = arith.constant 480 : index
        %get3A_440 = tpu.vector_load %arg5[%get3A_438, %get3A_439] {strides = array<i32>} : memref<16x768xf32, #tpu.memory_space<vmem>>, vector<1x16xf32>,
        %get3A_441 = vector.shape_cast %get3A_440 : vector<1x16xf32> to vector<16xf32>
        %swap3A_442 = arith.index_cast %mul3A_436 : i32 to index
        %swap3A_443 = arith.constant 480 : index
        %swap3A_444 = tpu.vector_load %arg6[%swap3A_442, %swap3A_443] {strides = array<i32>} : memref<64x768xf32, #tpu.memory_space<vmem>>, vector<1x16xf32>,
        %swap3A_445 = vector.shape_cast %swap3A_444 : vector<1x16xf32> to vector<16xf32>
        %swap3A_446 = vector.shape_cast %get3A_441 : vector<16xf32> to vector<1x16xf32>
        tpu.vector_store %arg6[%swap3A_442, %swap3A_443], %swap3A_446 {add = true, strides = array<i32>} : memref<64x768xf32, #tpu.memory_space<vmem>>, vector<1x16xf32>,
        %mul3A_447 = arith.constant 16 : i32
        %mul3A_448 = arith.muli %mul3A_447, %and3A_49 : i32
        %get3A_449 = arith.constant 0 : i32
        %get3A_450 = arith.index_cast %get3A_449 : i32 to index
        %get3A_451 = arith.constant 496 : index
        %get3A_452 = tpu.vector_load %arg5[%get3A_450, %get3A_451] {strides = array<i32>} : memref<16x768xf32, #tpu.memory_space<vmem>>, vector<1x16xf32>,
        %get3A_453 = vector.shape_cast %get3A_452 : vector<1x16xf32> to vector<16xf32>
        %swap3A_454 = arith.index_cast %mul3A_448 : i32 to index
        %swap3A_455 = arith.constant 496 : index
        %swap3A_456 = tpu.vector_load %arg6[%swap3A_454, %swap3A_455] {strides = array<i32>} : memref<64x768xf32, #tpu.memory_space<vmem>>, vector<1x16xf32>,
        %swap3A_457 = vector.shape_cast %swap3A_456 : vector<1x16xf32> to vector<16xf32>
        %swap3A_458 = vector.shape_cast %get3A_453 : vector<16xf32> to vector<1x16xf32>
        tpu.vector_store %arg6[%swap3A_454, %swap3A_455], %swap3A_458 {add = true, strides = array<i32>} : memref<64x768xf32, #tpu.memory_space<vmem>>, vector<1x16xf32>,
        %mul3A_459 = arith.constant 16 : i32
        %mul3A_460 = arith.muli %mul3A_459, %and3A_49 : i32
        %get3A_461 = arith.constant 0 : i32
        %get3A_462 = arith.index_cast %get3A_461 : i32 to index
        %get3A_463 = arith.constant 512 : index
        %get3A_464 = tpu.vector_load %arg5[%get3A_462, %get3A_463] {strides = array<i32>} : memref<16x768xf32, #tpu.memory_space<vmem>>, vector<1x16xf32>,
        %get3A_465 = vector.shape_cast %get3A_464 : vector<1x16xf32> to vector<16xf32>
        %swap3A_466 = arith.index_cast %mul3A_460 : i32 to index
        %swap3A_467 = arith.constant 512 : index
        %swap3A_468 = tpu.vector_load %arg6[%swap3A_466, %swap3A_467] {strides = array<i32>} : memref<64x768xf32, #tpu.memory_space<vmem>>, vector<1x16xf32>,
        %swap3A_469 = vector.shape_cast %swap3A_468 : vector<1x16xf32> to vector<16xf32>
        %swap3A_470 = vector.shape_cast %get3A_465 : vector<16xf32> to vector<1x16xf32>
        tpu.vector_store %arg6[%swap3A_466, %swap3A_467], %swap3A_470 {add = true, strides = array<i32>} : memref<64x768xf32, #tpu.memory_space<vmem>>, vector<1x16xf32>,
        %mul3A_471 = arith.constant 16 : i32
        %mul3A_472 = arith.muli %mul3A_471, %and3A_49 : i32
        %get3A_473 = arith.constant 0 : i32
        %get3A_474 = arith.index_cast %get3A_473 : i32 to index
        %get3A_475 = arith.constant 528 : index
        %get3A_476 = tpu.vector_load %arg5[%get3A_474, %get3A_475] {strides = array<i32>} : memref<16x768xf32, #tpu.memory_space<vmem>>, vector<1x16xf32>,
        %get3A_477 = vector.shape_cast %get3A_476 : vector<1x16xf32> to vector<16xf32>
        %swap3A_478 = arith.index_cast %mul3A_472 : i32 to index
        %swap3A_479 = arith.constant 528 : index
        %swap3A_480 = tpu.vector_load %arg6[%swap3A_478, %swap3A_479] {strides = array<i32>} : memref<64x768xf32, #tpu.memory_space<vmem>>, vector<1x16xf32>,
        %swap3A_481 = vector.shape_cast %swap3A_480 : vector<1x16xf32> to vector<16xf32>
        %swap3A_482 = vector.shape_cast %get3A_477 : vector<16xf32> to vector<1x16xf32>
        tpu.vector_store %arg6[%swap3A_478, %swap3A_479], %swap3A_482 {add = true, strides = array<i32>} : memref<64x768xf32, #tpu.memory_space<vmem>>, vector<1x16xf32>,
        %mul3A_483 = arith.constant 16 : i32
        %mul3A_484 = arith.muli %mul3A_483, %and3A_49 : i32
        %get3A_485 = arith.constant 0 : i32
        %get3A_486 = arith.index_cast %get3A_485 : i32 to index
        %get3A_487 = arith.constant 544 : index
        %get3A_488 = tpu.vector_load %arg5[%get3A_486, %get3A_487] {strides = array<i32>} : memref<16x768xf32, #tpu.memory_space<vmem>>, vector<1x16xf32>,
        %get3A_489 = vector.shape_cast %get3A_488 : vector<1x16xf32> to vector<16xf32>
        %swap3A_490 = arith.index_cast %mul3A_484 : i32 to index
        %swap3A_491 = arith.constant 544 : index
        %swap3A_492 = tpu.vector_load %arg6[%swap3A_490, %swap3A_491] {strides = array<i32>} : memref<64x768xf32, #tpu.memory_space<vmem>>, vector<1x16xf32>,
        %swap3A_493 = vector.shape_cast %swap3A_492 : vector<1x16xf32> to vector<16xf32>
        %swap3A_494 = vector.shape_cast %get3A_489 : vector<16xf32> to vector<1x16xf32>
        tpu.vector_store %arg6[%swap3A_490, %swap3A_491], %swap3A_494 {add = true, strides = array<i32>} : memref<64x768xf32, #tpu.memory_space<vmem>>, vector<1x16xf32>,
        %mul3A_495 = arith.constant 16 : i32
        %mul3A_496 = arith.muli %mul3A_495, %and3A_49 : i32
        %get3A_497 = arith.constant 0 : i32
        %get3A_498 = arith.index_cast %get3A_497 : i32 to index
        %get3A_499 = arith.constant 560 : index
        %get3A_500 = tpu.vector_load %arg5[%get3A_498, %get3A_499] {strides = array<i32>} : memref<16x768xf32, #tpu.memory_space<vmem>>, vector<1x16xf32>,
        %get3A_501 = vector.shape_cast %get3A_500 : vector<1x16xf32> to vector<16xf32>
        %swap3A_502 = arith.index_cast %mul3A_496 : i32 to index
        %swap3A_503 = arith.constant 560 : index
        %swap3A_504 = tpu.vector_load %arg6[%swap3A_502, %swap3A_503] {strides = array<i32>} : memref<64x768xf32, #tpu.memory_space<vmem>>, vector<1x16xf32>,
        %swap3A_505 = vector.shape_cast %swap3A_504 : vector<1x16xf32> to vector<16xf32>
        %swap3A_506 = vector.shape_cast %get3A_501 : vector<16xf32> to vector<1x16xf32>
        tpu.vector_store %arg6[%swap3A_502, %swap3A_503], %swap3A_506 {add = true, strides = array<i32>} : memref<64x768xf32, #tpu.memory_space<vmem>>, vector<1x16xf32>,
        %mul3A_507 = arith.constant 16 : i32
        %mul3A_508 = arith.muli %mul3A_507, %and3A_49 : i32
        %get3A_509 = arith.constant 0 : i32
        %get3A_510 = arith.index_cast %get3A_509 : i32 to index
        %get3A_511 = arith.constant 576 : index
        %get3A_512 = tpu.vector_load %arg5[%get3A_510, %get3A_511] {strides = array<i32>} : memref<16x768xf32, #tpu.memory_space<vmem>>, vector<1x16xf32>,
        %get3A_513 = vector.shape_cast %get3A_512 : vector<1x16xf32> to vector<16xf32>
        %swap3A_514 = arith.index_cast %mul3A_508 : i32 to index
        %swap3A_515 = arith.constant 576 : index
        %swap3A_516 = tpu.vector_load %arg6[%swap3A_514, %swap3A_515] {strides = array<i32>} : memref<64x768xf32, #tpu.memory_space<vmem>>, vector<1x16xf32>,
        %swap3A_517 = vector.shape_cast %swap3A_516 : vector<1x16xf32> to vector<16xf32>
        %swap3A_518 = vector.shape_cast %get3A_513 : vector<16xf32> to vector<1x16xf32>
        tpu.vector_store %arg6[%swap3A_514, %swap3A_515], %swap3A_518 {add = true, strides = array<i32>} : memref<64x768xf32, #tpu.memory_space<vmem>>, vector<1x16xf32>,
        %mul3A_519 = arith.constant 16 : i32
        %mul3A_520 = arith.muli %mul3A_519, %and3A_49 : i32
        %get3A_521 = arith.constant 0 : i32
        %get3A_522 = arith.index_cast %get3A_521 : i32 to index
        %get3A_523 = arith.constant 592 : index
        %get3A_524 = tpu.vector_load %arg5[%get3A_522, %get3A_523] {strides = array<i32>} : memref<16x768xf32, #tpu.memory_space<vmem>>, vector<1x16xf32>,
        %get3A_525 = vector.shape_cast %get3A_524 : vector<1x16xf32> to vector<16xf32>
        %swap3A_526 = arith.index_cast %mul3A_520 : i32 to index
        %swap3A_527 = arith.constant 592 : index
        %swap3A_528 = tpu.vector_load %arg6[%swap3A_526, %swap3A_527] {strides = array<i32>} : memref<64x768xf32, #tpu.memory_space<vmem>>, vector<1x16xf32>,
        %swap3A_529 = vector.shape_cast %swap3A_528 : vector<1x16xf32> to vector<16xf32>
        %swap3A_530 = vector.shape_cast %get3A_525 : vector<16xf32> to vector<1x16xf32>
        tpu.vector_store %arg6[%swap3A_526, %swap3A_527], %swap3A_530 {add = true, strides = array<i32>} : memref<64x768xf32, #tpu.memory_space<vmem>>, vector<1x16xf32>,
        %mul3A_531 = arith.constant 16 : i32
        %mul3A_532 = arith.muli %mul3A_531, %and3A_49 : i32
        %get3A_533 = arith.constant 0 : i32
        %get3A_534 = arith.index_cast %get3A_533 : i32 to index
        %get3A_535 = arith.constant 608 : index
        %get3A_536 = tpu.vector_load %arg5[%get3A_534, %get3A_535] {strides = array<i32>} : memref<16x768xf32, #tpu.memory_space<vmem>>, vector<1x16xf32>,
        %get3A_537 = vector.shape_cast %get3A_536 : vector<1x16xf32> to vector<16xf32>
        %swap3A_538 = arith.index_cast %mul3A_532 : i32 to index
        %swap3A_539 = arith.constant 608 : index
        %swap3A_540 = tpu.vector_load %arg6[%swap3A_538, %swap3A_539] {strides = array<i32>} : memref<64x768xf32, #tpu.memory_space<vmem>>, vector<1x16xf32>,
        %swap3A_541 = vector.shape_cast %swap3A_540 : vector<1x16xf32> to vector<16xf32>
        %swap3A_542 = vector.shape_cast %get3A_537 : vector<16xf32> to vector<1x16xf32>
        tpu.vector_store %arg6[%swap3A_538, %swap3A_539], %swap3A_542 {add = true, strides = array<i32>} : memref<64x768xf32, #tpu.memory_space<vmem>>, vector<1x16xf32>,
        %mul3A_543 = arith.constant 16 : i32
        %mul3A_544 = arith.muli %mul3A_543, %and3A_49 : i32
        %get3A_545 = arith.constant 0 : i32
        %get3A_546 = arith.index_cast %get3A_545 : i32 to index
        %get3A_547 = arith.constant 624 : index
        %get3A_548 = tpu.vector_load %arg5[%get3A_546, %get3A_547] {strides = array<i32>} : memref<16x768xf32, #tpu.memory_space<vmem>>, vector<1x16xf32>,
        %get3A_549 = vector.shape_cast %get3A_548 : vector<1x16xf32> to vector<16xf32>
        %swap3A_550 = arith.index_cast %mul3A_544 : i32 to index
        %swap3A_551 = arith.constant 624 : index
        %swap3A_552 = tpu.vector_load %arg6[%swap3A_550, %swap3A_551] {strides = array<i32>} : memref<64x768xf32, #tpu.memory_space<vmem>>, vector<1x16xf32>,
        %swap3A_553 = vector.shape_cast %swap3A_552 : vector<1x16xf32> to vector<16xf32>
        %swap3A_554 = vector.shape_cast %get3A_549 : vector<16xf32> to vector<1x16xf32>
        tpu.vector_store %arg6[%swap3A_550, %swap3A_551], %swap3A_554 {add = true, strides = array<i32>} : memref<64x768xf32, #tpu.memory_space<vmem>>, vector<1x16xf32>,
        %mul3A_555 = arith.constant 16 : i32
        %mul3A_556 = arith.muli %mul3A_555, %and3A_49 : i32
        %get3A_557 = arith.constant 0 : i32
        %get3A_558 = arith.index_cast %get3A_557 : i32 to index
        %get3A_559 = arith.constant 640 : index
        %get3A_560 = tpu.vector_load %arg5[%get3A_558, %get3A_559] {strides = array<i32>} : memref<16x768xf32, #tpu.memory_space<vmem>>, vector<1x16xf32>,
        %get3A_561 = vector.shape_cast %get3A_560 : vector<1x16xf32> to vector<16xf32>
        %swap3A_562 = arith.index_cast %mul3A_556 : i32 to index
        %swap3A_563 = arith.constant 640 : index
        %swap3A_564 = tpu.vector_load %arg6[%swap3A_562, %swap3A_563] {strides = array<i32>} : memref<64x768xf32, #tpu.memory_space<vmem>>, vector<1x16xf32>,
        %swap3A_565 = vector.shape_cast %swap3A_564 : vector<1x16xf32> to vector<16xf32>
        %swap3A_566 = vector.shape_cast %get3A_561 : vector<16xf32> to vector<1x16xf32>
        tpu.vector_store %arg6[%swap3A_562, %swap3A_563], %swap3A_566 {add = true, strides = array<i32>} : memref<64x768xf32, #tpu.memory_space<vmem>>, vector<1x16xf32>,
        %mul3A_567 = arith.constant 16 : i32
        %mul3A_568 = arith.muli %mul3A_567, %and3A_49 : i32
        %get3A_569 = arith.constant 0 : i32
        %get3A_570 = arith.index_cast %get3A_569 : i32 to index
        %get3A_571 = arith.constant 656 : index
        %get3A_572 = tpu.vector_load %arg5[%get3A_570, %get3A_571] {strides = array<i32>} : memref<16x768xf32, #tpu.memory_space<vmem>>, vector<1x16xf32>,
        %get3A_573 = vector.shape_cast %get3A_572 : vector<1x16xf32> to vector<16xf32>
        %swap3A_574 = arith.index_cast %mul3A_568 : i32 to index
        %swap3A_575 = arith.constant 656 : index
        %swap3A_576 = tpu.vector_load %arg6[%swap3A_574, %swap3A_575] {strides = array<i32>} : memref<64x768xf32, #tpu.memory_space<vmem>>, vector<1x16xf32>,
        %swap3A_577 = vector.shape_cast %swap3A_576 : vector<1x16xf32> to vector<16xf32>
        %swap3A_578 = vector.shape_cast %get3A_573 : vector<16xf32> to vector<1x16xf32>
        tpu.vector_store %arg6[%swap3A_574, %swap3A_575], %swap3A_578 {add = true, strides = array<i32>} : memref<64x768xf32, #tpu.memory_space<vmem>>, vector<1x16xf32>,
        %mul3A_579 = arith.constant 16 : i32
        %mul3A_580 = arith.muli %mul3A_579, %and3A_49 : i32
        %get3A_581 = arith.constant 0 : i32
        %get3A_582 = arith.index_cast %get3A_581 : i32 to index
        %get3A_583 = arith.constant 672 : index
        %get3A_584 = tpu.vector_load %arg5[%get3A_582, %get3A_583] {strides = array<i32>} : memref<16x768xf32, #tpu.memory_space<vmem>>, vector<1x16xf32>,
        %get3A_585 = vector.shape_cast %get3A_584 : vector<1x16xf32> to vector<16xf32>
        %swap3A_586 = arith.index_cast %mul3A_580 : i32 to index
        %swap3A_587 = arith.constant 672 : index
        %swap3A_588 = tpu.vector_load %arg6[%swap3A_586, %swap3A_587] {strides = array<i32>} : memref<64x768xf32, #tpu.memory_space<vmem>>, vector<1x16xf32>,
        %swap3A_589 = vector.shape_cast %swap3A_588 : vector<1x16xf32> to vector<16xf32>
        %swap3A_590 = vector.shape_cast %get3A_585 : vector<16xf32> to vector<1x16xf32>
        tpu.vector_store %arg6[%swap3A_586, %swap3A_587], %swap3A_590 {add = true, strides = array<i32>} : memref<64x768xf32, #tpu.memory_space<vmem>>, vector<1x16xf32>,
        %mul3A_591 = arith.constant 16 : i32
        %mul3A_592 = arith.muli %mul3A_591, %and3A_49 : i32
        %get3A_593 = arith.constant 0 : i32
        %get3A_594 = arith.index_cast %get3A_593 : i32 to index
        %get3A_595 = arith.constant 688 : index
        %get3A_596 = tpu.vector_load %arg5[%get3A_594, %get3A_595] {strides = array<i32>} : memref<16x768xf32, #tpu.memory_space<vmem>>, vector<1x16xf32>,
        %get3A_597 = vector.shape_cast %get3A_596 : vector<1x16xf32> to vector<16xf32>
        %swap3A_598 = arith.index_cast %mul3A_592 : i32 to index
        %swap3A_599 = arith.constant 688 : index
        %swap3A_600 = tpu.vector_load %arg6[%swap3A_598, %swap3A_599] {strides = array<i32>} : memref<64x768xf32, #tpu.memory_space<vmem>>, vector<1x16xf32>,
        %swap3A_601 = vector.shape_cast %swap3A_600 : vector<1x16xf32> to vector<16xf32>
        %swap3A_602 = vector.shape_cast %get3A_597 : vector<16xf32> to vector<1x16xf32>
        tpu.vector_store %arg6[%swap3A_598, %swap3A_599], %swap3A_602 {add = true, strides = array<i32>} : memref<64x768xf32, #tpu.memory_space<vmem>>, vector<1x16xf32>,
        %mul3A_603 = arith.constant 16 : i32
        %mul3A_604 = arith.muli %mul3A_603, %and3A_49 : i32
        %get3A_605 = arith.constant 0 : i32
        %get3A_606 = arith.index_cast %get3A_605 : i32 to index
        %get3A_607 = arith.constant 704 : index
        %get3A_608 = tpu.vector_load %arg5[%get3A_606, %get3A_607] {strides = array<i32>} : memref<16x768xf32, #tpu.memory_space<vmem>>, vector<1x16xf32>,
        %get3A_609 = vector.shape_cast %get3A_608 : vector<1x16xf32> to vector<16xf32>
        %swap3A_610 = arith.index_cast %mul3A_604 : i32 to index
        %swap3A_611 = arith.constant 704 : index
        %swap3A_612 = tpu.vector_load %arg6[%swap3A_610, %swap3A_611] {strides = array<i32>} : memref<64x768xf32, #tpu.memory_space<vmem>>, vector<1x16xf32>,
        %swap3A_613 = vector.shape_cast %swap3A_612 : vector<1x16xf32> to vector<16xf32>
        %swap3A_614 = vector.shape_cast %get3A_609 : vector<16xf32> to vector<1x16xf32>
        tpu.vector_store %arg6[%swap3A_610, %swap3A_611], %swap3A_614 {add = true, strides = array<i32>} : memref<64x768xf32, #tpu.memory_space<vmem>>, vector<1x16xf32>,
        %mul3A_615 = arith.constant 16 : i32
        %mul3A_616 = arith.muli %mul3A_615, %and3A_49 : i32
        %get3A_617 = arith.constant 0 : i32
        %get3A_618 = arith.index_cast %get3A_617 : i32 to index
        %get3A_619 = arith.constant 720 : index
        %get3A_620 = tpu.vector_load %arg5[%get3A_618, %get3A_619] {strides = array<i32>} : memref<16x768xf32, #tpu.memory_space<vmem>>, vector<1x16xf32>,
        %get3A_621 = vector.shape_cast %get3A_620 : vector<1x16xf32> to vector<16xf32>
        %swap3A_622 = arith.index_cast %mul3A_616 : i32 to index
        %swap3A_623 = arith.constant 720 : index
        %swap3A_624 = tpu.vector_load %arg6[%swap3A_622, %swap3A_623] {strides = array<i32>} : memref<64x768xf32, #tpu.memory_space<vmem>>, vector<1x16xf32>,
        %swap3A_625 = vector.shape_cast %swap3A_624 : vector<1x16xf32> to vector<16xf32>
        %swap3A_626 = vector.shape_cast %get3A_621 : vector<16xf32> to vector<1x16xf32>
        tpu.vector_store %arg6[%swap3A_622, %swap3A_623], %swap3A_626 {add = true, strides = array<i32>} : memref<64x768xf32, #tpu.memory_space<vmem>>, vector<1x16xf32>,
        %mul3A_627 = arith.constant 16 : i32
        %mul3A_628 = arith.muli %mul3A_627, %and3A_49 : i32
        %get3A_629 = arith.constant 0 : i32
        %get3A_630 = arith.index_cast %get3A_629 : i32 to index
        %get3A_631 = arith.constant 736 : index
        %get3A_632 = tpu.vector_load %arg5[%get3A_630, %get3A_631] {strides = array<i32>} : memref<16x768xf32, #tpu.memory_space<vmem>>, vector<1x16xf32>,
        %get3A_633 = vector.shape_cast %get3A_632 : vector<1x16xf32> to vector<16xf32>
        %swap3A_634 = arith.index_cast %mul3A_628 : i32 to index
        %swap3A_635 = arith.constant 736 : index
        %swap3A_636 = tpu.vector_load %arg6[%swap3A_634, %swap3A_635] {strides = array<i32>} : memref<64x768xf32, #tpu.memory_space<vmem>>, vector<1x16xf32>,
        %swap3A_637 = vector.shape_cast %swap3A_636 : vector<1x16xf32> to vector<16xf32>
        %swap3A_638 = vector.shape_cast %get3A_633 : vector<16xf32> to vector<1x16xf32>
        tpu.vector_store %arg6[%swap3A_634, %swap3A_635], %swap3A_638 {add = true, strides = array<i32>} : memref<64x768xf32, #tpu.memory_space<vmem>>, vector<1x16xf32>,
        %mul3A_639 = arith.constant 16 : i32
        %mul3A_640 = arith.muli %mul3A_639, %and3A_49 : i32
        %get3A_641 = arith.constant 0 : i32
        %get3A_642 = arith.index_cast %get3A_641 : i32 to index
        %get3A_643 = arith.constant 752 : index
        %get3A_644 = tpu.vector_load %arg5[%get3A_642, %get3A_643] {strides = array<i32>} : memref<16x768xf32, #tpu.memory_space<vmem>>, vector<1x16xf32>,
        %get3A_645 = vector.shape_cast %get3A_644 : vector<1x16xf32> to vector<16xf32>
        %swap3A_646 = arith.index_cast %mul3A_640 : i32 to index
        %swap3A_647 = arith.constant 752 : index
        %swap3A_648 = tpu.vector_load %arg6[%swap3A_646, %swap3A_647] {strides = array<i32>} : memref<64x768xf32, #tpu.memory_space<vmem>>, vector<1x16xf32>,
        %swap3A_649 = vector.shape_cast %swap3A_648 : vector<1x16xf32> to vector<16xf32>
        %swap3A_650 = vector.shape_cast %get3A_645 : vector<16xf32> to vector<1x16xf32>
        tpu.vector_store %arg6[%swap3A_646, %swap3A_647], %swap3A_650 {add = true, strides = array<i32>} : memref<64x768xf32, #tpu.memory_space<vmem>>, vector<1x16xf32>,
        %add3A_651 = arith.constant 2 : i32
        %add3A_652 = arith.addi %while3A_48, %add3A_651 : i32
        %lt3A_653 = arith.cmpi slt, %add3A_652, %mul3A_4 : i32
        %convert_element_type3A_654 = arith.extui %lt3A_653 : i1 to i32
        %cond3A_655 = arith.constant 0 : i32
        %cond3A_656 = arith.cmpi ne, %convert_element_type3A_654, %cond3A_655 : i32
        scf.if %cond3A_656 {
          %add3A_657 = arith.constant 2 : i32
          %add3A_658 = arith.addi %while3A_48, %add3A_657 : i32
          %shift_right_arithmetic3A_659 = arith.constant 2 : i32
          %shift_right_arithmetic3A_660 = arith.shrsi %add3A_658, %shift_right_arithmetic3A_659 : i32
          %add3A_661 = arith.constant 1 : i32
          %add3A_662 = arith.addi %shift_right_arithmetic3A_660, %add3A_661 : i32
          %and3A_663 = arith.constant 3 : i32
          %and3A_664 = arith.andi %add3A_658, %and3A_663 : i32
          %mul3A_665 = arith.constant 32 : i32
          %mul3A_666 = arith.muli %mul3A_665, %add3A_662 : i32
          %add3A_667 = arith.addi %mul3A_666, %add3A : i32
          %mul3A_668 = arith.constant 16 : i32
          %mul3A_669 = arith.muli %mul3A_668, %and3A_664 : i32
          %dma_start3A_670 = arith.constant 0 : i32
          %dma_start3A_671 = tpu.memref_slice %arg2[%add3A_667, %mul3A_669, %dma_start3A_670] : memref<196x64x768xf32, #tpu.memory_space<hbm>> -> memref<1x16x768xf32, #tpu.memory_space<hbm>>
          %dma_start3A_672 = tpu.memref_squeeze %dma_start3A_671 : memref<1x16x768xf32, #tpu.memory_space<hbm>> -> memref<16x768xf32, #tpu.memory_space<hbm>>
          %dma_start3A_673 = arith.constant 0 : i32
          %dma_start3A_674 = tpu.memref_slice %arg2[%add3A_667, %mul3A_669, %dma_start3A_673] : memref<196x64x768xf32, #tpu.memory_space<hbm>> -> memref<1x16x768xf32, #tpu.memory_space<hbm>>
          %dma_start3A_675 = tpu.memref_squeeze %dma_start3A_674 : memref<1x16x768xf32, #tpu.memory_space<hbm>> -> memref<16x768xf32, #tpu.memory_space<hbm>>
          tpu.enqueue_dma source(%dma_start3A_675 : memref<16x768xf32, #tpu.memory_space<hbm>>) target(%arg5 : memref<16x768xf32, #tpu.memory_space<vmem>>) target_semaphore(%arg8 : memref<!tpu.dma_semaphore, #tpu.memory_space<semaphore_mem>>)
        } else {
        }
      } else {
      }
    }
    "tpu.region"() ({
      %run_scoped3A = tpu.sem_alloc : memref<!tpu.dma_semaphore, #tpu.memory_space<semaphore_mem>>
      %dma_start3A_48 = arith.constant 0 : i32
      %dma_start3A_49 = arith.constant 0 : i32
      %dma_start3A_50 = tpu.memref_slice %arg3[%add3A, %dma_start3A_48, %dma_start3A_49] : memref<32x64x768xf32, #tpu.memory_space<hbm>> -> memref<1x64x768xf32, #tpu.memory_space<hbm>>
      %dma_start3A_51 = tpu.memref_squeeze %dma_start3A_50 : memref<1x64x768xf32, #tpu.memory_space<hbm>> -> memref<64x768xf32, #tpu.memory_space<hbm>>
      %dma_start3A_52 = arith.constant 0 : i32
      %dma_start3A_53 = arith.constant 0 : i32
      %dma_start3A_54 = tpu.memref_slice %arg3[%add3A, %dma_start3A_52, %dma_start3A_53] : memref<32x64x768xf32, #tpu.memory_space<hbm>> -> memref<1x64x768xf32, #tpu.memory_space<hbm>>
      %dma_start3A_55 = tpu.memref_squeeze %dma_start3A_54 : memref<1x64x768xf32, #tpu.memory_space<hbm>> -> memref<64x768xf32, #tpu.memory_space<hbm>>
      tpu.enqueue_dma source(%arg6 : memref<64x768xf32, #tpu.memory_space<vmem>>) target(%dma_start3A_55 : memref<64x768xf32, #tpu.memory_space<hbm>>) target_semaphore(%run_scoped3A : memref<!tpu.dma_semaphore, #tpu.memory_space<semaphore_mem>>)
      %dma_wait3A_56 = arith.constant 0 : i32
      %dma_wait3A_57 = arith.constant 0 : i32
      %dma_wait3A_58 = tpu.memref_slice %arg3[%add3A, %dma_wait3A_56, %dma_wait3A_57] : memref<32x64x768xf32, #tpu.memory_space<hbm>> -> memref<1x64x768xf32, #tpu.memory_space<hbm>>
      %dma_wait3A_59 = tpu.memref_squeeze %dma_wait3A_58 : memref<1x64x768xf32, #tpu.memory_space<hbm>> -> memref<64x768xf32, #tpu.memory_space<hbm>>
      %dma_wait3A_60 = arith.constant 0 : i32
      %dma_wait3A_61 = arith.constant 0 : i32
      %dma_wait3A_62 = tpu.memref_slice %arg3[%add3A, %dma_wait3A_60, %dma_wait3A_61] : memref<32x64x768xf32, #tpu.memory_space<hbm>> -> memref<1x64x768xf32, #tpu.memory_space<hbm>>
      %dma_wait3A_63 = tpu.memref_squeeze %dma_wait3A_62 : memref<1x64x768xf32, #tpu.memory_space<hbm>> -> memref<64x768xf32, #tpu.memory_space<hbm>>
      tpu.wait_dma2 semaphore(%run_scoped3A : memref<!tpu.dma_semaphore, #tpu.memory_space<semaphore_mem>>) src(%arg6 : memref<64x768xf32, #tpu.memory_space<vmem>>) dst(%dma_wait3A_63 : memref<64x768xf32, #tpu.memory_space<hbm>>)
      tpu.yield
    }) : () -> ()
    return
  }
}

module attributes {stable_mosaic.version = 14 : i64} {
  func.func @_finish_body(%arg0: i32, %arg1: memref<32x64x768xf32, #tpu.memory_space<vmem>>, %arg2: memref<64x768xf32, #tpu.memory_space<vmem>>, %arg3: memref<1x64xf32, #tpu.memory_space<vmem>>, %arg4: memref<64x64xf32, #tpu.memory_space<vmem>>) attributes {dimension_semantics = [#tpu.dimension_semantics<arbitrary>], iteration_bounds = array<i64: 1>, scalar_prefetch = 0 : i64, scratch_operands = 0 : i64, tpu.core_type = #tpu.core_type<tc>, window_params = [{pipeline_mode = #tpu.pipeline_mode<synchronous>, transform_indices = @transform_0, window_bounds = array<i64: 32, 64, 768>}, {pipeline_mode = #tpu.pipeline_mode<synchronous>, transform_indices = @transform_1, window_bounds = array<i64: 64, 768>}, {pipeline_mode = #tpu.pipeline_mode<synchronous>, transform_indices = @transform_2, window_bounds = array<i64: 1, 64>}, {pipeline_mode = #tpu.pipeline_mode<synchronous>, transform_indices = @transform_3, window_bounds = array<i64: 64, 64>}]} {
    %get3A = arith.constant 0 : index
    %get3A_0 = arith.constant 0 : index
    %get3A_1 = arith.constant 0 : index
    %get3A_2 = vector.load %arg1[%get3A, %get3A_0, %get3A_1] : memref<32x64x768xf32, #tpu.memory_space<vmem>>, vector<32x64x768xf32>
    %reduce_sum3A = arith.constant dense<0.000000e+00> : vector<64x768xf32>
    %reduce_sum3A_3 = vector.multi_reduction <add>, %get3A_2, %reduce_sum3A [0] : vector<32x64x768xf32> to vector<64x768xf32>
    %mul3A = arith.constant 0.00510204071 : f32
    %mul3A_4 = vector.broadcast %mul3A : f32 to vector<64x768xf32>
    %mul3A_5 = arith.mulf %reduce_sum3A_3, %mul3A_4 : vector<64x768xf32>
    %get3A_6 = arith.constant 0 : index
    %get3A_7 = arith.constant 0 : index
    %get3A_8 = vector.load %arg2[%get3A_6, %get3A_7] : memref<64x768xf32, #tpu.memory_space<vmem>>, vector<64x768xf32>
    %dot_general3A = arith.constant dense<0.000000e+00> : vector<64x64xf32>
    %dot_general3A_9 = tpu.matmul %mul3A_5, %get3A_8, %dot_general3A {dimension_numbers = #tpu.dot_dimension_numbers<[1], [1], [0], [0], [0, 0, 1, 0], [], []>, transpose_lhs_hint = false} : vector<64x768xf32>, vector<64x768xf32>, vector<64x64xf32> -> vector<64x64xf32>
    %get3A_10 = arith.constant 0 : index
    %get3A_11 = arith.constant 0 : index
    %get3A_12 = vector.load %arg3[%get3A_10, %get3A_11] : memref<1x64xf32, #tpu.memory_space<vmem>>, vector<1x64xf32>
    %add3A = vector.broadcast %get3A_12 : vector<1x64xf32> to vector<64x64xf32>
    %add3A_13 = arith.addf %dot_general3A_9, %add3A : vector<64x64xf32>
    %reduce_max3A = arith.constant dense<0xFF800000> : vector<64xf32>
    %reduce_max3A_14 = vector.multi_reduction <maximumf>, %add3A_13, %reduce_max3A [1] : vector<64x64xf32> to vector<64xf32>
    %broadcast_in_dim3A = vector.shape_cast %reduce_max3A_14 : vector<64xf32> to vector<64x1xf32>
    %sub3A = vector.broadcast %broadcast_in_dim3A : vector<64x1xf32> to vector<64x64xf32>
    %sub3A_15 = arith.subf %add3A_13, %sub3A : vector<64x64xf32>
    %exp3A = math.exp %sub3A_15 : vector<64x64xf32>
    %reduce_sum3A_16 = arith.constant dense<0.000000e+00> : vector<64xf32>
    %reduce_sum3A_17 = vector.multi_reduction <add>, %exp3A, %reduce_sum3A_16 [1] : vector<64x64xf32> to vector<64xf32>
    %broadcast_in_dim3A_18 = vector.shape_cast %reduce_sum3A_17 : vector<64xf32> to vector<64x1xf32>
    %div3A = vector.broadcast %broadcast_in_dim3A_18 : vector<64x1xf32> to vector<64x64xf32>
    %div3A_19 = arith.divf %exp3A, %div3A : vector<64x64xf32>
    %swap3A = arith.constant 0 : index
    %swap3A_20 = arith.constant 0 : index
    %swap3A_21 = vector.load %arg4[%swap3A, %swap3A_20] : memref<64x64xf32, #tpu.memory_space<vmem>>, vector<64x64xf32>
    tpu.vector_store %arg4[%swap3A, %swap3A_20], %div3A_19 {strides = array<i32>} : memref<64x64xf32, #tpu.memory_space<vmem>>, vector<64x64xf32>,
    return
  }
  func.func @transform_0(%arg0: i32) -> (i32, i32, i32) {
    %c0_i32 = arith.constant 0 : i32
    %c0_i32_0 = arith.constant 0 : i32
    %c0_i32_1 = arith.constant 0 : i32
    %c0_i32_2 = arith.constant 0 : i32
    return %c0_i32, %c0_i32_0, %c0_i32_1 : i32, i32, i32
  }
  func.func @transform_1(%arg0: i32) -> (i32, i32) {
    %c0_i32 = arith.constant 0 : i32
    %c0_i32_0 = arith.constant 0 : i32
    %c0_i32_1 = arith.constant 0 : i32
    return %c0_i32, %c0_i32_0 : i32, i32
  }
  func.func @transform_2(%arg0: i32) -> (i32, i32) {
    %c0_i32 = arith.constant 0 : i32
    %c0_i32_0 = arith.constant 0 : i32
    %c0_i32_1 = arith.constant 0 : i32
    return %c0_i32, %c0_i32_0 : i32, i32
  }
  func.func @transform_3(%arg0: i32) -> (i32, i32) {
    %c0_i32 = arith.constant 0 : i32
    %c0_i32_0 = arith.constant 0 : i32
    %c0_i32_1 = arith.constant 0 : i32
    return %c0_i32, %c0_i32_0 : i32, i32
  }
}

</mosaic_0001>

<sc_bundles>
// kernel: kernel.4.cloned.1.call-start
scs
__scs_entry_jumppad:
0x0: {  	(pc) =	sbr.rel $0x88, $3  }
0x1: {  	(tag) =	ssettag $0x0;
	lr =	simm.s32 $0x1  }
0x2: {  	[smem:$0x3F9E] =	sst lr;
	_ =	strace $0xD0000000  }
0x3: {  	_ = 	snop  }
0x4: {  	_ = 	snop  }
0x5: {  	_ = 	snop  }
0x6: {  	_ = 	snop  }
0x7: {  	_ = 	snop  }
__scs_overlays_trampoline_lowered:
0x8: {  	[smem:$0x3FAD] =	sst s0  }
0x9: {  	[smem:$0x3FAE] =	sst s1  }
0xa: {  	[smem:$0x3FAF] =	sst s2  }
0xb: {  	[smem:$0x3FB0] =	sst s3  }
0xc: {  	[smem:$0x3FB1] =	sst s4  }
0xd: {  	[smem:$0x3FB2] =	sst s5  }
0xe: {  	[smem:$0x3FB3] =	sst s6  }
0xf: {  	[smem:$0x3FB4] =	sst s7  }
0x10: {  	[smem:$0x3FB5] =	sst s8  }
0x11: {  	[smem:$0x3FB6] =	sst s9;
	s0 =	simm.s32 @!p0 $0x0  }
0x12: {  	s1 =	sld [smem:$0x3F9C];
	s0 =	simm.s32 @p0 $0x1  }
0x13: {  	[smem:$0x3FB7] =	sst s0;
	s0 =	simm.s32 @!p1 $0x0  }
0x14: {  	s2 =	sld [smem:$0x3F9B];
	s0 =	simm.s32 @p1 $0x1  }
0x15: {  	[smem:$0x3FB8] =	sst s0;
	s0 =	simm.s32 @!p2 $0x0  }
0x16: {  	s3 =	sld [smem:$0x3FDB];
	s0 =	simm.s32 @p2 $0x1  }
0x17: {  	s4 =	simm.s32 $0x1BF5;
	[smem:$0x3FBA] =	sst s0  }
0x18: {  	s0 =	sld [smem:$0x3F9D];
	_ =	swait.ge [sflag:s4], $0x0  }
0x19: {  	s7 =	sld [smem:$0x3F9E]  }
0x1a: {  	s8 =	sadd.s32 $0xFFFFE003, lr  }
0x1b: {  	s9 =	sadd.s32 $0xFFFFFEF7, lr;
	s5 =	simm.s32 $0xFFFFFFFF;
	p2 =	slt.u32 s8, $0xFFFFF086  }
0x1c: {  	p1 =	slt.u32 s9, $0xF7A;
	s5 =	simm.s32 @!p2 $0x0  }
0x1d: {  	s5 =	simm.s32 @p1 $0x1;
	p0 =	seq.s32 s7, s2  }
0x1e: {  	s7 =	smul.u32 @!p0 $0xF7A, s2;
	p2 =	seq.s32 @!p0 s5, $0x0  }
0x1f: {  	s9 =	smul.u32 $0xF7A, s1;
	s8 =	simm.s32 @!p0 $0x1BF5;
	p2 =	por !p2, p0  }
0x20: {  	[sflag:s8] =	ssyncset.s32 @!p0 $0xFFFFF086;
	s6 =	sadd.s32 @!p0 s3, s7;
	s7 =	simm.s32 @!p0 $0x108  }
0x21: {  	s3 =	sadd.s32 s3, s9;
	s6 =	sadd.s32 @!p0 $0x88, s6;
	s7 =	simm.s32 @p2 $0x1082  }
0x22: {  	[simem:s7], [sflag:s8] =	dma.local @!p0 [hbm:s6], $0xF7A  }
0x23: {  	s9 =	sor.u32 $0xD0000000, s2;
	s6 =	simm.s32 $0x108;
	_ =	swait.ge @!p0 [sflag:s8], $0x0  }
0x24: {  	s3 =	sadd.s32 $0x88, s3;
	s6 =	simm.s32 @!p1 $0x1082;
	[sflag:s4] =	ssyncset.s32 $0xFFFFF086  }
0x25: {  	[simem:s6], [sflag:s4] =	dma.local [hbm:s3], $0xF7A  }
0x26: {  	[smem:$0x3F9E] =	sst s1;
	(tag) =	ssettag s2;
	_ =	strace s9  }
0x27: {  	s1 =	sld [smem:$0x3FAE]  }
0x28: {  	s2 =	sld [smem:$0x3FAF]  }
0x29: {  	s4 =	sld [smem:$0x3FB1]  }
0x2a: {  	p0 =	seq.s32 s5, $0x0;
	s5 =	sld [smem:$0x3FB2]  }
0x2b: {  	s6 =	sld [smem:$0x3FB3]  }
0x2c: {  	s7 =	sld [smem:$0x3FB4]  }
0x2d: {  	s3 =	simm.s32 $0x108;
	s8 =	sld [smem:$0x3FB5]  }
0x2e: {  	s3 =	simm.s32 @!p0 $0x1082;
	s9 =	sld [smem:$0x3FB6]  }
0x2f: {  	lr =	sadd.s32 s0, s3;
	s0 =	sld [smem:$0x3FAD]  }
0x30: {  	s3 =	sld [smem:$0x3FB0]  }
0x31: {  	[smem:$0x3FB9] =	sst s10  }
0x32: {  	s10 =	sld [smem:$0x3FB7];
	_ =	sdelay $0x3  }
0x33: {  	p0 =	seq.s32 s10, $0x1;
	s10 =	sld [smem:$0x3FB9];
	_ =	sdelay $0x3  }
0x34: {  	[smem:$0x3FB9] =	sst s10  }
0x35: {  	s10 =	sld [smem:$0x3FB8];
	_ =	sdelay $0x3  }
0x36: {  	p1 =	seq.s32 s10, $0x1;
	s10 =	sld [smem:$0x3FB9];
	_ =	sdelay $0x3  }
0x37: {  	[smem:$0x3FB9] =	sst s10  }
0x38: {  	s10 =	sld [smem:$0x3FBA]  }
0x39: {  	_ = 	snop;
	(pc) =	sbr.ind lr, $3  }
0x3a: {  	_ = 	snop  }
0x3b: {  	_ = 	snop  }
0x3c: {  	p2 =	seq.s32 s10, $0x1;
	s10 =	sld [smem:$0x3FB9]  }
0x3d: {  	_ =	shalt  }
0x3e: {  	_ =	shalt  }
0x3f: {  	_ =	shalt  }
0x40: {  	_ =	shalt  }
0x41: {  	_ =	shalt  }
0x42: {  	_ =	shalt  }
0x43: {  	_ =	shalt  }
0x44: {  	_ =	shalt  }
0x45: {  	_ =	shalt  }
0x46: {  	_ =	shalt  }
0x47: {  	_ =	shalt  }
0x48: {  	_ =	shalt  }
0x49: {  	_ =	shalt  }
0x4a: {  	_ =	shalt  }
0x4b: {  	_ =	shalt  }
0x4c: {  	_ =	shalt  }
0x4d: {  	_ =	shalt  }
0x4e: {  	_ =	shalt  }
0x4f: {  	_ =	shalt  }
0x50: {  	_ =	shalt  }
0x51: {  	_ =	shalt  }
0x52: {  	_ =	shalt  }
0x53: {  	_ =	shalt  }
0x54: {  	_ =	shalt  }
0x55: {  	_ =	shalt  }
0x56: {  	_ =	shalt  }
0x57: {  	_ =	shalt  }
0x58: {  	_ =	shalt  }
0x59: {  	_ =	shalt  }
0x5a: {  	_ =	shalt  }
0x5b: {  	_ =	shalt  }
0x5c: {  	_ =	shalt  }
0x5d: {  	_ =	shalt  }
0x5e: {  	_ =	shalt  }
0x5f: {  	_ =	shalt  }
0x60: {  	_ =	shalt  }
0x61: {  	_ =	shalt  }
0x62: {  	_ =	shalt  }
0x63: {  	_ =	shalt  }
0x64: {  	_ =	shalt  }
0x65: {  	_ =	shalt  }
0x66: {  	_ =	shalt  }
0x67: {  	_ =	shalt  }
0x68: {  	_ =	shalt  }
0x69: {  	_ =	shalt  }
0x6a: {  	_ =	shalt  }
0x6b: {  	_ =	shalt  }
0x6c: {  	_ =	shalt  }
0x6d: {  	_ =	shalt  }
0x6e: {  	_ =	shalt  }
0x6f: {  	_ =	shalt  }
0x70: {  	_ =	shalt  }
0x71: {  	_ =	shalt  }
0x72: {  	_ =	shalt  }
0x73: {  	_ =	shalt  }
0x74: {  	_ =	shalt  }
0x75: {  	_ =	shalt  }
0x76: {  	_ =	shalt  }
0x77: {  	_ =	shalt  }
0x78: {  	_ =	shalt  }
0x79: {  	_ =	shalt  }
0x7a: {  	_ =	shalt  }
0x7b: {  	_ =	shalt  }
0x7c: {  	_ =	shalt  }
0x7d: {  	_ =	shalt  }
0x7e: {  	_ =	shalt  }
0x7f: {  	_ =	shalt  }
0x80: {  	_ =	shalt  }
0x81: {  	_ =	shalt  }
0x82: {  	_ =	shalt  }
0x83: {  	_ =	shalt  }
0x84: {  	_ =	shalt  }
0x85: {  	_ =	shalt  }
0x86: {  	_ =	shalt  }
0x87: {  	_ =	shalt  }
.Lfunc_end0:
.L_simem_size_0:
called_computation_lowered:
.L_overlay_start_0:
0x88: {  	s2 =	sld [smem:$0x3FD9]  }
0x89: {  	s3 =	sld [smem:$0x3FFE];
	_ =	sdelay $0x1  }
0x8a: {  	s1 =	srdreg.scid  }
0x8b: {  	s0 =	sand.u32 $0x1, s1  }
0x8c: {  	s17 =	sshll.u32 s0, $0xA;
	s2 =	sadd.s32 s3, s2  }
0x8d: {  	s2 =	sadd.s32 s2, s17  }
0x8e: {  	[smem:$0x3FC5] =	sst s2  }
0x8f: {  	_ = 	snop  }
0x90: {  	s2 =	sld [smem:$0x3FC9];
	(tm) =	ssettm $0x1  }
0x91: {  	s18 =	sld [smem:$0x3FFB];
	_ =	sdelay $0x3  }
0x92: {  	_ =	strace s18  }
0x93: {  	s3 =	sld [smem:$0x3FFC];
	_ =	sdelay $0x3  }
0x94: {  	_ =	strace s3  }
0x95: {  	s3 =	sld [smem:$0x3FFD];
	_ =	sdelay $0x3  }
0x96: {  	_ =	strace s3  }
0x97: {  	_ =	strace $0x8FFFFFFF  }
0x98: {  	s19 =	sld [smem:$0x3FDB];
	_ =	sdelay $0x1  }
0x99: {  	s4 =	simm.s32 $_scs_section_size  }
0x9a: {  	s5 =	simm.s32 $_size__tile_overlayer_lowered;
	s6 =	simm.s32 $_tile_overlayer_lowered  }
0x9b: {  	s22 =	simm.s32 $0x1BFF;
	s21 =	sshll.u32 s6, $0x1;
	s3 =	sadd.s32 s4, s19  }
0x9c: {  	s7 =	simm.s32 $0x0;
	s20 =	sshll.u32 s5, $0x1;
	s5 =	sadd.s32 s21, s3  }
0x9d: {  	[timem:s7], [sflag:s22] =	dma.local [hbm:s5], s20  }
0x9e: {  	_ =	swait.ge [sflag:s22], s20  }
0x9f: {  	s4 =	ssub.s32 $0x0, s20;
	[sflag:s22] =	ssyncset.done $0x0  }
0xa0: {  	[sflag:s22] =	ssyncadd.s32 s4;
	_ =	sdelay $0x1  }
0xa1: {  	s23 =	simm.s32 $0x1B8B  }
0xa2: {  	_ =	swait.ge [sflag:s23], $0x1  }
0xa3: {  	[sflag:s23] =	ssyncset.done $0x0  }
0xa4: {  	s25 =	simm.s32 $0x1B8E;
	s24 =	sld [smem:$0x3FFE];
	[sflag:s23] =	ssyncadd.s32 $0xFFFFFFFF  }
0xa5: {  	s26 =	simm.s32 $execute0_lowered;
	[smem:$0x3FD2] =	sst s25  }
0xa6: {  	s5 =	sshll.u32 s26, $0x1;
	_ =	strace $0x80000046;
	[dreg:$0x1] =	wrdreg $0xFFFFFFFF  }
0xa7: {  	s28 =	simm.s32 $_size_execute0_lowered;
	s3 =	sadd.s32 s3, s5;
	[dreg:$0x0] =	wrdreg $0x0  }
0xa8: {  	s5 =	sshll.u32 s28, $0x1;
	[dreg:$0x2] =	wrdreg s3  }
0xa9: {  	[dreg:$0x3] =	wrdreg s5  }
0xaa: {  	[dreg:$0x4] =	wrdreg $0xC0  }
0xab: {  	_ =	task [dreg:s7], $0x5FFFF  }
0xac: {  	[dreg:$0x1] =	wrdreg $0xFFFFFFFF  }
0xad: {  	[dreg:$0x0] =	wrdreg $0x60  }
0xae: {  	[dreg:$0x2] =	wrdreg s2  }
0xaf: {  	[dreg:$0x3] =	wrdreg s24  }
0xb0: {  	[dreg:$0x4] =	wrdreg $0x9  }
0xb1: {  	_ =	task.clear_ibuf [dreg:s7], $0x5FFFF;
	_ =	strace $0x90000046  }
0xb2: {  	s29 =	simm.s32 $0x9;
	_ =	strace $0x80000048  }
0xb3: {  	_ =	swait.ge [sflag:s29], $0x1  }
0xb4: {  	[sflag:s29] =	ssyncadd.s32 $0xFFFFFFFF  }
0xb5: {  	_ =	strace $0x90000048  }
0xb6: {  	_ =	sfence  }
0xb7: {  	s30 =	sld [smem:$0x0];
	_ =	sdelay $0x2  }
0xb8: {  	s31 =	sshll.u32 s1, $0xD;
	s1 =	sshrl.u32 s1, $0x2  }
0xb9: {  	s3 =	sand.u32 $0x4000, s31;
	s1 =	sadd.s32 s1, s30  }
0xba: {  	s0 =	sor.u32 s3, s0;
	s1 =	sshll.u32 s1, $0x11  }
0xbb: {  	s0 =	sor.u32 s1, s0  }
0xbc: {  	s0 =	sadd.s32 $0x8F2B, s0  }
0xbd: {  	[sflag:s0] =	ssyncadd.remote.s32 $0x1  }
0xbe: {  	_ =	sfence.sel $0xFFFF  }
0xbf: {  	[dreg:$0x0] =	wrdreg $0xFFFFFFFF;
	(pc) =	sbr.abs _section_cstart, $3  }
0xc0: {  	[dreg:$0x1] =	wrdreg $0xFFFFFFFF  }
0xc1: {  	_ =	task.clear_ibuf [dreg:s7], $0x2FFFF;
	_ =	strace $0x9FFFFFFF  }
0xc2: {  	(tm) =	ssettm $0x7FFFFFFF  }
0xc3: {  	_ =	shalt  }
tec
execute0_lowered:
.L_overlay_start_1:
0x0: {  	(tag) =	ssettag $0x1  }
0x1: {  	s2 =	rddreg [dreg:$0x0]  }
0x2: {  	s1 =	srdreg.scid;
	s0 =	stileid.u32  }
0x3: {  	s4 =	rddreg [dreg:$0x1];
	s12 =	simm.s32 $0x3000;
	s13 =	simm.s32 $0x3  }
0x4: {  	s14 =	simm.s32 $0x2;
	s15 =	simm.s32 $0x4;
	s16 =	simm.s32 $0x1  }
0x5: {  	s17 =	simm.s32 $0x0;
	s5 =	sand.u32 $0x1, s1;
	s3 =	sshll.u32 s0, $0x1  }
0x6: {  	s1 =	rddreg [dreg:$0x2];
	p0 =	slt.u32 s0, $0x2;
	s8 =	sor.u32 s5, s3  }
0x7: {  	s3 =	simm.s32 $0x0;
	s5 =	ssub.s32 $0x2, s5;
	s6 =	smul.u32 $0x1800, s8  }
0x8: {  	[smem:$0x7FF] =	sst s3;
	s7 =	sshrl.u32 s5, $0x1;
	s9 =	smul.u32 $0xC000, s8  }
.Ltmp0:
0x9: {  	s8 =	sor.u32 $0x20, s8;
	_ =	strace $0x80000047;
	(pc) =	sbr.rel .LBB2_1-.Ltmp0, $4  }
0xa: {  	s11 =	ssub.s32 s5, s7;
	s10 =	sadd.s32 s6, s4;
	s4 =	simm.s32 $0x18  }
0xb: {  	s31 =	sshrl.u32 s9, $0x3;
	s5 =	sadd.s32 s2, s6;
	s4 =	simm.s32 @!p0 $0x14  }
0xc: {  	s7 =	sadd.s32 s2, s31;
	s9 =	sadd.s32 $0xA00, s10;
	s10 =	smax.u32 s11, $0x1  }
0xd: {  	s11 =	simm.s32 $0x6000;
	s6 =	sadd.s32 $0x30000, s7;
	s7 =	sadd.s32 $0x30600, s7  }
.LBB2_6:
0xe: {  	s17 =	sadd.s32 $0x1, s17  }
0xf: {  	p0 =	sne.s32 s17, s10  }
.Ltmp1:
0x10: {  	_ = 	snop;
	(pc) =	sbr.rel @!p0 .LBB2_7-.Ltmp1, $4  }
0x11: {  	[hbm4b:s9+s3] =	stream.linear.scatter [tilespmem:s11], [sflag:$0x4], $0xC000, $0x38;
	[tilespmem:$0x12000] =	vst v63  }
0x12: {  	_ =	swait.ge [sflag:s15], $0xC000  }
0x13: {  	[sflag:s15] =	ssyncset.done $0x0  }
0x14: {  	[sflag:s15] =	ssyncadd.s32 $0xFFFF4000  }
.LBB2_1:
0x15: {  	[tilespmem:s11], [sflag:$0x3] =	stream.linear.gather [hbm4b:s5+s3], $0xC000, $0x38;
	[tilespmem:$0x12000] =	vst v63  }
0x16: {  	_ = 	snop  }
0x17: {  	[tilespmem:s3], [sflag:$0x1] =	stream.linear.gather [hbm4b:s6+s3], $0x3000, $0x38;
	[tilespmem:$0x12000] =	vst v63  }
.Ltmp2:
0x18: {  	_ = 	snop;
	(pc) =	sbr.rel .LBB2_2-.Ltmp2, $4  }
0x19: {  	[tilespmem:s12], [sflag:$0x2] =	stream.linear.gather [hbm4b:s7+s3], $0x3000, $0x38;
	[tilespmem:$0x12000] =	vst v63  }
0x1a: {  	_ =	swait.ge [sflag:s13], $0xC000  }
0x1b: {  	s18 =	simm.s32 $0x10;
	[sflag:s13] =	ssyncset.done $0x0  }
0x1c: {  	s19 =	simm.s32 $0x4;
	s20 =	simm.s32 $0x0;
	[sflag:s13] =	ssyncadd.s32 $0xFFFF4000  }
.LBB2_4:
0x1d: {  	_ =	swait.ge [sflag:s14], $0x3000  }
0x1e: {  	[sflag:s14] =	ssyncset.done $0x0  }
0x1f: {  	[sflag:s14] =	ssyncadd.s32 $0xFFFFD000  }
0x20: {  	v0 =	vld [tilespmem:$0x3000];
	_ =	sdelay $0x3  }
0x21: {  	s21 =	sshrl.u32 s21, $0x2  }
0x22: {  	[tilespmem:s21+$0x6000] =	vst.add.f32.msk $0xffff, v0  }
0x23: {  	v0 =	vld [tilespmem:$0x3010];
	_ =	sdelay $0x4  }
0x24: {  	[tilespmem:s21+$0x6010] =	vst.add.f32.msk $0xffff, v0  }
0x25: {  	v0 =	vld [tilespmem:$0x3020];
	_ =	sdelay $0x4  }
0x26: {  	[tilespmem:s21+$0x6020] =	vst.add.f32.msk $0xffff, v0  }
0x27: {  	v0 =	vld [tilespmem:$0x3030];
	_ =	sdelay $0x4  }
0x28: {  	[tilespmem:s21+$0x6030] =	vst.add.f32.msk $0xffff, v0  }
0x29: {  	v0 =	vld [tilespmem:$0x3040];
	_ =	sdelay $0x4  }
0x2a: {  	[tilespmem:s21+$0x6040] =	vst.add.f32.msk $0xffff, v0  }
0x2b: {  	v0 =	vld [tilespmem:$0x3050];
	_ =	sdelay $0x4  }
0x2c: {  	[tilespmem:s21+$0x6050] =	vst.add.f32.msk $0xffff, v0  }
0x2d: {  	v0 =	vld [tilespmem:$0x3060];
	_ =	sdelay $0x4  }
0x2e: {  	[tilespmem:s21+$0x6060] =	vst.add.f32.msk $0xffff, v0  }
0x2f: {  	v0 =	vld [tilespmem:$0x3070];
	_ =	sdelay $0x4  }
0x30: {  	[tilespmem:s21+$0x6070] =	vst.add.f32.msk $0xffff, v0  }
0x31: {  	v0 =	vld [tilespmem:$0x3400];
	_ =	sdelay $0x4  }
0x32: {  	[tilespmem:s21+$0x6400] =	vst.add.f32.msk $0xffff, v0  }
0x33: {  	v0 =	vld [tilespmem:$0x3410];
	_ =	sdelay $0x4  }
0x34: {  	[tilespmem:s21+$0x6410] =	vst.add.f32.msk $0xffff, v0  }
0x35: {  	v0 =	vld [tilespmem:$0x3420];
	_ =	sdelay $0x4  }
0x36: {  	[tilespmem:s21+$0x6420] =	vst.add.f32.msk $0xffff, v0  }
0x37: {  	v0 =	vld [tilespmem:$0x3430];
	_ =	sdelay $0x4  }
0x38: {  	[tilespmem:s21+$0x6430] =	vst.add.f32.msk $0xffff, v0  }
0x39: {  	v0 =	vld [tilespmem:$0x3440];
	_ =	sdelay $0x4  }
0x3a: {  	[tilespmem:s21+$0x6440] =	vst.add.f32.msk $0xffff, v0  }
0x3b: {  	v0 =	vld [tilespmem:$0x3450];
	_ =	sdelay $0x4  }
0x3c: {  	[tilespmem:s21+$0x6450] =	vst.add.f32.msk $0xffff, v0  }
0x3d: {  	v0 =	vld [tilespmem:$0x3460];
	_ =	sdelay $0x4  }
0x3e: {  	[tilespmem:s21+$0x6460] =	vst.add.f32.msk $0xffff, v0  }
0x3f: {  	v0 =	vld [tilespmem:$0x3470];
	_ =	sdelay $0x4  }
0x40: {  	[tilespmem:s21+$0x6470] =	vst.add.f32.msk $0xffff, v0  }
0x41: {  	v0 =	vld [tilespmem:$0x3800];
	_ =	sdelay $0x4  }
0x42: {  	[tilespmem:s21+$0x6800] =	vst.add.f32.msk $0xffff, v0  }
0x43: {  	v0 =	vld [tilespmem:$0x3810];
	_ =	sdelay $0x4  }
0x44: {  	[tilespmem:s21+$0x6810] =	vst.add.f32.msk $0xffff, v0  }
0x45: {  	v0 =	vld [tilespmem:$0x3820];
	_ =	sdelay $0x4  }
0x46: {  	[tilespmem:s21+$0x6820] =	vst.add.f32.msk $0xffff, v0  }
0x47: {  	v0 =	vld [tilespmem:$0x3830];
	_ =	sdelay $0x4  }
0x48: {  	[tilespmem:s21+$0x6830] =	vst.add.f32.msk $0xffff, v0  }
0x49: {  	v0 =	vld [tilespmem:$0x3840];
	_ =	sdelay $0x4  }
0x4a: {  	[tilespmem:s21+$0x6840] =	vst.add.f32.msk $0xffff, v0  }
0x4b: {  	v0 =	vld [tilespmem:$0x3850];
	_ =	sdelay $0x4  }
0x4c: {  	[tilespmem:s21+$0x6850] =	vst.add.f32.msk $0xffff, v0  }
0x4d: {  	v0 =	vld [tilespmem:$0x3860];
	_ =	sdelay $0x4  }
0x4e: {  	[tilespmem:s21+$0x6860] =	vst.add.f32.msk $0xffff, v0  }
0x4f: {  	v0 =	vld [tilespmem:$0x3870];
	_ =	sdelay $0x4  }
0x50: {  	[tilespmem:s21+$0x6870] =	vst.add.f32.msk $0xffff, v0  }
0x51: {  	v0 =	vld [tilespmem:$0x3C00];
	_ =	sdelay $0x4  }
0x52: {  	[tilespmem:s21+$0x6C00] =	vst.add.f32.msk $0xffff, v0  }
0x53: {  	v0 =	vld [tilespmem:$0x3C10];
	_ =	sdelay $0x4  }
0x54: {  	[tilespmem:s21+$0x6C10] =	vst.add.f32.msk $0xffff, v0  }
0x55: {  	v0 =	vld [tilespmem:$0x3C20];
	_ =	sdelay $0x4  }
0x56: {  	[tilespmem:s21+$0x6C20] =	vst.add.f32.msk $0xffff, v0  }
0x57: {  	v0 =	vld [tilespmem:$0x3C30];
	_ =	sdelay $0x4  }
0x58: {  	[tilespmem:s21+$0x6C30] =	vst.add.f32.msk $0xffff, v0  }
0x59: {  	v0 =	vld [tilespmem:$0x3C40];
	_ =	sdelay $0x4  }
0x5a: {  	[tilespmem:s21+$0x6C40] =	vst.add.f32.msk $0xffff, v0  }
0x5b: {  	v0 =	vld [tilespmem:$0x3C50];
	_ =	sdelay $0x4  }
0x5c: {  	[tilespmem:s21+$0x6C50] =	vst.add.f32.msk $0xffff, v0  }
0x5d: {  	v0 =	vld [tilespmem:$0x3C60];
	_ =	sdelay $0x4  }
0x5e: {  	[tilespmem:s21+$0x6C60] =	vst.add.f32.msk $0xffff, v0  }
0x5f: {  	v0 =	vld [tilespmem:$0x3C70];
	_ =	sdelay $0x4  }
0x60: {  	[tilespmem:s21+$0x6C70] =	vst.add.f32.msk $0xffff, v0  }
0x61: {  	v0 =	vld [tilespmem:$0x4000];
	_ =	sdelay $0x4  }
0x62: {  	[tilespmem:s21+$0x7000] =	vst.add.f32.msk $0xffff, v0  }
0x63: {  	v0 =	vld [tilespmem:$0x4010];
	_ =	sdelay $0x4  }
0x64: {  	[tilespmem:s21+$0x7010] =	vst.add.f32.msk $0xffff, v0  }
0x65: {  	v0 =	vld [tilespmem:$0x4020];
	_ =	sdelay $0x4  }
0x66: {  	[tilespmem:s21+$0x7020] =	vst.add.f32.msk $0xffff, v0  }
0x67: {  	v0 =	vld [tilespmem:$0x4030];
	_ =	sdelay $0x4  }
0x68: {  	[tilespmem:s21+$0x7030] =	vst.add.f32.msk $0xffff, v0  }
0x69: {  	v0 =	vld [tilespmem:$0x4040];
	_ =	sdelay $0x4  }
0x6a: {  	[tilespmem:s21+$0x7040] =	vst.add.f32.msk $0xffff, v0  }
0x6b: {  	v0 =	vld [tilespmem:$0x4050];
	_ =	sdelay $0x4  }
0x6c: {  	[tilespmem:s21+$0x7050] =	vst.add.f32.msk $0xffff, v0  }
0x6d: {  	v0 =	vld [tilespmem:$0x4060];
	_ =	sdelay $0x4  }
0x6e: {  	[tilespmem:s21+$0x7060] =	vst.add.f32.msk $0xffff, v0  }
0x6f: {  	v0 =	vld [tilespmem:$0x4070];
	_ =	sdelay $0x4  }
0x70: {  	[tilespmem:s21+$0x7070] =	vst.add.f32.msk $0xffff, v0  }
0x71: {  	v0 =	vld [tilespmem:$0x4400];
	_ =	sdelay $0x4  }
0x72: {  	[tilespmem:s21+$0x7400] =	vst.add.f32.msk $0xffff, v0  }
0x73: {  	v0 =	vld [tilespmem:$0x4410];
	_ =	sdelay $0x4  }
0x74: {  	[tilespmem:s21+$0x7410] =	vst.add.f32.msk $0xffff, v0  }
0x75: {  	v0 =	vld [tilespmem:$0x4420];
	_ =	sdelay $0x4  }
0x76: {  	[tilespmem:s21+$0x7420] =	vst.add.f32.msk $0xffff, v0  }
0x77: {  	v0 =	vld [tilespmem:$0x4430];
	_ =	sdelay $0x4  }
0x78: {  	[tilespmem:s21+$0x7430] =	vst.add.f32.msk $0xffff, v0  }
0x79: {  	v0 =	vld [tilespmem:$0x4440];
	_ =	sdelay $0x4  }
0x7a: {  	[tilespmem:s21+$0x7440] =	vst.add.f32.msk $0xffff, v0  }
0x7b: {  	v0 =	vld [tilespmem:$0x4450];
	_ =	sdelay $0x4  }
0x7c: {  	[tilespmem:s21+$0x7450] =	vst.add.f32.msk $0xffff, v0  }
0x7d: {  	v0 =	vld [tilespmem:$0x4460];
	_ =	sdelay $0x2  }
0x7e: {  	s22 =	sadd.s32 $0x2, s20  }
0x7f: {  	p0 =	sge.u32 s22, s4  }
0x80: {  	s22 =	sand.u32 @!p0 $0x3FFE0, s18;
	s23 =	sand.u32 @!p0 $0x6, s19;
	[tilespmem:s21+$0x7460] =	vst.add.f32.msk $0xffff, v0  }
0x81: {  	s22 =	sadd.s32 @!p0 s8, s22;
	s23 =	smul.u32 @!p0 $0x1800, s23;
	v0 =	vld [tilespmem:$0x4470]  }
0x82: {  	s22 =	smul.u32 @!p0 $0xC000, s22;
	_ =	sdelay $0x1  }
0x83: {  	s22 =	sadd.s32 @!p0 s23, s22  }
0x84: {  	s22 =	sshrl.u32 @!p0 s22, $0x3  }
0x85: {  	s23 =	simm.s32 @!p0 $0x3000;
	[tilespmem:s21+$0x7470] =	vst.add.f32.msk $0xffff, v0;
	s21 =	sadd.s32 @!p0 s2, s22;
	s22 =	simm.s32 @!p0 $0x0  }
0x86: {  	[tilespmem:s23], [sflag:$0x2] =	stream.linear.gather @!p0 [hbm4b:s21+s22], $0x3000, $0x38;
	[tilespmem:$0x12000] =	vst v63  }
.LBB2_5:
0x87: {  	s20 =	sadd.s32 $0x1, s20  }
0x88: {  	p0 =	sne.s32 s4, s20  }
.Ltmp3:
0x89: {  	_ = 	snop;
	(pc) =	sbr.rel @!p0 .LBB2_6-.Ltmp3, $2  }
0x8a: {  	_ =	sdelay $0x2  }
0x8b: {  	s18 =	sadd.s32 $0x8, s18;
	s19 =	sadd.s32 $0x2, s19  }
.LBB2_2:
0x8c: {  	s21 =	sand.u32 $0x1, s20  }
0x8d: {  	p0 =	seq.s32 s21, $0x0  }
.Ltmp4:
0x8e: {  	_ = 	snop;
	(pc) =	sbr.rel @!p0 .LBB2_4-.Ltmp4, $3  }
0x8f: {  	_ =	sdelay $0x1  }
0x90: {  	s22 =	sand.u32 $0x3, s20  }
0x91: {  	s21 =	smul.u32 $0xC000, s22  }
0x92: {  	_ =	swait.ge [sflag:s16], $0x3000  }
0x93: {  	[sflag:s16] =	ssyncset.done $0x0  }
0x94: {  	[sflag:s16] =	ssyncadd.s32 $0xFFFFD000  }
0x95: {  	v0 =	vld [tilespmem:$0x0];
	_ =	sdelay $0x3  }
0x96: {  	s22 =	sshrl.u32 s21, $0x2  }
0x97: {  	[tilespmem:s22+$0x6000] =	vst.add.f32.msk $0xffff, v0  }
0x98: {  	v0 =	vld [tilespmem:$0x10];
	_ =	sdelay $0x4  }
0x99: {  	[tilespmem:s22+$0x6010] =	vst.add.f32.msk $0xffff, v0  }
0x9a: {  	v0 =	vld [tilespmem:$0x20];
	_ =	sdelay $0x4  }
0x9b: {  	[tilespmem:s22+$0x6020] =	vst.add.f32.msk $0xffff, v0  }
0x9c: {  	v0 =	vld [tilespmem:$0x30];
	_ =	sdelay $0x4  }
0x9d: {  	[tilespmem:s22+$0x6030] =	vst.add.f32.msk $0xffff, v0  }
0x9e: {  	v0 =	vld [tilespmem:$0x40];
	_ =	sdelay $0x4  }
0x9f: {  	[tilespmem:s22+$0x6040] =	vst.add.f32.msk $0xffff, v0  }
0xa0: {  	v0 =	vld [tilespmem:$0x50];
	_ =	sdelay $0x4  }
0xa1: {  	[tilespmem:s22+$0x6050] =	vst.add.f32.msk $0xffff, v0  }
0xa2: {  	v0 =	vld [tilespmem:$0x60];
	_ =	sdelay $0x4  }
0xa3: {  	[tilespmem:s22+$0x6060] =	vst.add.f32.msk $0xffff, v0  }
0xa4: {  	v0 =	vld [tilespmem:$0x70];
	_ =	sdelay $0x4  }
0xa5: {  	[tilespmem:s22+$0x6070] =	vst.add.f32.msk $0xffff, v0  }
0xa6: {  	v0 =	vld [tilespmem:$0x400];
	_ =	sdelay $0x4  }
0xa7: {  	[tilespmem:s22+$0x6400] =	vst.add.f32.msk $0xffff, v0  }
0xa8: {  	v0 =	vld [tilespmem:$0x410];
	_ =	sdelay $0x4  }
0xa9: {  	[tilespmem:s22+$0x6410] =	vst.add.f32.msk $0xffff, v0  }
0xaa: {  	v0 =	vld [tilespmem:$0x420];
	_ =	sdelay $0x4  }
0xab: {  	[tilespmem:s22+$0x6420] =	vst.add.f32.msk $0xffff, v0  }
0xac: {  	v0 =	vld [tilespmem:$0x430];
	_ =	sdelay $0x4  }
0xad: {  	[tilespmem:s22+$0x6430] =	vst.add.f32.msk $0xffff, v0  }
0xae: {  	v0 =	vld [tilespmem:$0x440];
	_ =	sdelay $0x4  }
0xaf: {  	[tilespmem:s22+$0x6440] =	vst.add.f32.msk $0xffff, v0  }
0xb0: {  	v0 =	vld [tilespmem:$0x450];
	_ =	sdelay $0x4  }
0xb1: {  	[tilespmem:s22+$0x6450] =	vst.add.f32.msk $0xffff, v0  }
0xb2: {  	v0 =	vld [tilespmem:$0x460];
	_ =	sdelay $0x4  }
0xb3: {  	[tilespmem:s22+$0x6460] =	vst.add.f32.msk $0xffff, v0  }
0xb4: {  	v0 =	vld [tilespmem:$0x470];
	_ =	sdelay $0x4  }
0xb5: {  	[tilespmem:s22+$0x6470] =	vst.add.f32.msk $0xffff, v0  }
0xb6: {  	v0 =	vld [tilespmem:$0x800];
	_ =	sdelay $0x4  }
0xb7: {  	[tilespmem:s22+$0x6800] =	vst.add.f32.msk $0xffff, v0  }
0xb8: {  	v0 =	vld [tilespmem:$0x810];
	_ =	sdelay $0x4  }
0xb9: {  	[tilespmem:s22+$0x6810] =	vst.add.f32.msk $0xffff, v0  }
0xba: {  	v0 =	vld [tilespmem:$0x820];
	_ =	sdelay $0x4  }
0xbb: {  	[tilespmem:s22+$0x6820] =	vst.add.f32.msk $0xffff, v0  }
0xbc: {  	v0 =	vld [tilespmem:$0x830];
	_ =	sdelay $0x4  }
0xbd: {  	[tilespmem:s22+$0x6830] =	vst.add.f32.msk $0xffff, v0  }
0xbe: {  	v0 =	vld [tilespmem:$0x840];
	_ =	sdelay $0x4  }
0xbf: {  	[tilespmem:s22+$0x6840] =	vst.add.f32.msk $0xffff, v0  }
0xc0: {  	v0 =	vld [tilespmem:$0x850];
	_ =	sdelay $0x4  }
0xc1: {  	[tilespmem:s22+$0x6850] =	vst.add.f32.msk $0xffff, v0  }
0xc2: {  	v0 =	vld [tilespmem:$0x860];
	_ =	sdelay $0x4  }
0xc3: {  	[tilespmem:s22+$0x6860] =	vst.add.f32.msk $0xffff, v0  }
0xc4: {  	v0 =	vld [tilespmem:$0x870];
	_ =	sdelay $0x4  }
0xc5: {  	[tilespmem:s22+$0x6870] =	vst.add.f32.msk $0xffff, v0  }
0xc6: {  	v0 =	vld [tilespmem:$0xC00];
	_ =	sdelay $0x4  }
0xc7: {  	[tilespmem:s22+$0x6C00] =	vst.add.f32.msk $0xffff, v0  }
0xc8: {  	v0 =	vld [tilespmem:$0xC10];
	_ =	sdelay $0x4  }
0xc9: {  	[tilespmem:s22+$0x6C10] =	vst.add.f32.msk $0xffff, v0  }
0xca: {  	v0 =	vld [tilespmem:$0xC20];
	_ =	sdelay $0x4  }
0xcb: {  	[tilespmem:s22+$0x6C20] =	vst.add.f32.msk $0xffff, v0  }
0xcc: {  	v0 =	vld [tilespmem:$0xC30];
	_ =	sdelay $0x4  }
0xcd: {  	[tilespmem:s22+$0x6C30] =	vst.add.f32.msk $0xffff, v0  }
0xce: {  	v0 =	vld [tilespmem:$0xC40];
	_ =	sdelay $0x4  }
0xcf: {  	[tilespmem:s22+$0x6C40] =	vst.add.f32.msk $0xffff, v0  }
0xd0: {  	v0 =	vld [tilespmem:$0xC50];
	_ =	sdelay $0x4  }
0xd1: {  	[tilespmem:s22+$0x6C50] =	vst.add.f32.msk $0xffff, v0  }
0xd2: {  	v0 =	vld [tilespmem:$0xC60];
	_ =	sdelay $0x4  }
0xd3: {  	[tilespmem:s22+$0x6C60] =	vst.add.f32.msk $0xffff, v0  }
0xd4: {  	v0 =	vld [tilespmem:$0xC70];
	_ =	sdelay $0x4  }
0xd5: {  	[tilespmem:s22+$0x6C70] =	vst.add.f32.msk $0xffff, v0  }
0xd6: {  	v0 =	vld [tilespmem:$0x1000];
	_ =	sdelay $0x4  }
0xd7: {  	[tilespmem:s22+$0x7000] =	vst.add.f32.msk $0xffff, v0  }
0xd8: {  	v0 =	vld [tilespmem:$0x1010];
	_ =	sdelay $0x4  }
0xd9: {  	[tilespmem:s22+$0x7010] =	vst.add.f32.msk $0xffff, v0  }
0xda: {  	v0 =	vld [tilespmem:$0x1020];
	_ =	sdelay $0x4  }
0xdb: {  	[tilespmem:s22+$0x7020] =	vst.add.f32.msk $0xffff, v0  }
0xdc: {  	v0 =	vld [tilespmem:$0x1030];
	_ =	sdelay $0x4  }
0xdd: {  	[tilespmem:s22+$0x7030] =	vst.add.f32.msk $0xffff, v0  }
0xde: {  	v0 =	vld [tilespmem:$0x1040];
	_ =	sdelay $0x4  }
0xdf: {  	[tilespmem:s22+$0x7040] =	vst.add.f32.msk $0xffff, v0  }
0xe0: {  	v0 =	vld [tilespmem:$0x1050];
	_ =	sdelay $0x4  }
0xe1: {  	[tilespmem:s22+$0x7050] =	vst.add.f32.msk $0xffff, v0  }
0xe2: {  	v0 =	vld [tilespmem:$0x1060];
	_ =	sdelay $0x4  }
0xe3: {  	[tilespmem:s22+$0x7060] =	vst.add.f32.msk $0xffff, v0  }
0xe4: {  	v0 =	vld [tilespmem:$0x1070];
	_ =	sdelay $0x4  }
0xe5: {  	[tilespmem:s22+$0x7070] =	vst.add.f32.msk $0xffff, v0  }
0xe6: {  	v0 =	vld [tilespmem:$0x1400];
	_ =	sdelay $0x4  }
0xe7: {  	[tilespmem:s22+$0x7400] =	vst.add.f32.msk $0xffff, v0  }
0xe8: {  	v0 =	vld [tilespmem:$0x1410];
	_ =	sdelay $0x4  }
0xe9: {  	[tilespmem:s22+$0x7410] =	vst.add.f32.msk $0xffff, v0  }
0xea: {  	v0 =	vld [tilespmem:$0x1420];
	_ =	sdelay $0x4  }
0xeb: {  	[tilespmem:s22+$0x7420] =	vst.add.f32.msk $0xffff, v0  }
0xec: {  	v0 =	vld [tilespmem:$0x1430];
	_ =	sdelay $0x4  }
0xed: {  	[tilespmem:s22+$0x7430] =	vst.add.f32.msk $0xffff, v0  }
0xee: {  	v0 =	vld [tilespmem:$0x1440];
	_ =	sdelay $0x4  }
0xef: {  	[tilespmem:s22+$0x7440] =	vst.add.f32.msk $0xffff, v0  }
0xf0: {  	v0 =	vld [tilespmem:$0x1450];
	_ =	sdelay $0x4  }
0xf1: {  	[tilespmem:s22+$0x7450] =	vst.add.f32.msk $0xffff, v0  }
0xf2: {  	v0 =	vld [tilespmem:$0x1460];
	_ =	sdelay $0x2  }
0xf3: {  	s23 =	sadd.s32 $0x2, s20  }
0xf4: {  	p1 =	sge.u32 s23, s4  }
0xf5: {  	s23 =	sand.u32 @!p1 $0x3FFE0, s18;
	s24 =	sand.u32 @!p1 $0x4, s19;
	[tilespmem:s22+$0x7460] =	vst.add.f32.msk $0xffff, v0  }
0xf6: {  	s23 =	sadd.s32 @!p1 s8, s23;
	s24 =	smul.u32 @!p1 $0x1800, s24;
	v0 =	vld [tilespmem:$0x1470]  }
0xf7: {  	s23 =	smul.u32 @!p1 $0xC000, s23  }
.Ltmp5:
0xf8: {  	_ = 	snop;
	(pc) =	sbr.rel @p0 .LBB2_5-.Ltmp5, $4  }
.Ltmp6:
0xf9: {  	s23 =	sadd.s32 @!p1 s24, s23;
	(pc) =	sbr.rel @!p0 .LBB2_4-.Ltmp6, $4  }
0xfa: {  	s23 =	sshrl.u32 @!p1 s23, $0x3  }
0xfb: {  	[tilespmem:s22+$0x7470] =	vst.add.f32.msk $0xffff, v0;
	s22 =	sadd.s32 @!p1 s2, s23;
	s23 =	simm.s32 @!p1 $0x0  }
0xfc: {  	[tilespmem:s23], [sflag:$0x1] =	stream.linear.gather @!p1 [hbm4b:s22+s23], $0x3000, $0x38;
	[tilespmem:$0x12000] =	vst v63  }
0xfd: {  	_ = 	snop  }
.LBB2_7:
0xfe: {  	_ =	sfence.sel $0x180000  }
0xff: {  	[bflag:$0x0] =	sbarrier.arrive $0xFFFF  }
0x100: {  	p0 =	sne.s32 s0, $0x0;
	_ =	strace $0x90000047  }
0x101: {  	s0 =	sadd.s32 @!p0 $0x100000, s1;
	[bflag:$0x2] =	sbarrier.arrive $0xFFFF  }
0x102: {  	[sflag:s0] =	ssyncadd.tile.s32 @!p0 $0x1;
	_ =	shalt  }
.Lfunc_end2:
_tile_overlayer_lowered:
.L_overlay_start_2:
0x103: {  	(tag) =	ssettag $0x2  }
0x104: {  	s0 =	rddreg [dreg:$0x0];
	s2 =	stileid.u32  }
0x105: {  	s1 =	rddreg [dreg:$0x1];
	p0 =	sne.s32 s2, $0x0  }
0x106: {  	s3 =	rddreg [dreg:$0x2];
	[bflag:$0x3] =	sbarrier.arrive $0xFFFF;
	s2 =	simm.s32 @!p0 $0x1C04  }
0x107: {  	[timem:s3], [sflag:s2] =	dma.local @!p0 [hbm:s0], s1  }
0x108: {  	s0 =	simm.s32 @!p0 $0x4  }
0x109: {  	_ =	swait.ge @!p0 [sflag:s0], s1  }
0x10a: {  	s1 =	ssub.s32 @!p0 $0x0, s1;
	[sflag:s0] =	ssyncset.done @!p0 $0x0  }
0x10b: {  	[sflag:s0] =	ssyncadd.s32 @!p0 s1  }
0x10c: {  	[bflag:$0x3] =	sbarrier.arrive $0xFFFF  }
0x10d: {  	_ =	shalt  }

</sc_bundles>
